<compile_context>
chip_gen: v7x
topology: tpu7x:2x2x1
jax: 0.10.2.dev20260603
libtpu: 0.0.44.dev20260713+nightly
codegen_flags: <defaults>
</compile_context>

<pallas_src>
import jax
import jax.numpy as jnp
from jax import lax
from jax.experimental import pallas as pl
from jax.experimental.pallas import tpu as pltpu
from jax.experimental.pallas import tpu_sc as plsc

B, H, N, D = 8, 16, 8192, 64
KEEP = 6144
EVICT = 2048
NT = N // 128
KT = KEEP // 128
ET = EVICT // 128
DT = D // 8


FUSE = 7


def _sort_body(jt_ref, kt_ref, s_in_ref, ss_ref, si_ref):
    step = pl.program_id(0)

    @pl.when(step == 0)
    def _():
        ss_ref[...] = s_in_ref[...]
        si_ref[...] = lax.broadcasted_iota(jnp.int32, (B, N), 1)

    s = ss_ref[...]
    ix = si_ref[...]
    iota = lax.broadcasted_iota(jnp.int32, (B, N), 1)
    for u in range(FUSE):
        j = jt_ref[step * FUSE + u]
        k = kt_ref[step * FUSE + u]
        bitj = (iota & j) == 0
        sp = jnp.where(bitj, pltpu.roll(s, N - j, 1), pltpu.roll(s, j, 1))
        ip = jnp.where(bitj, pltpu.roll(ix, N - j, 1), pltpu.roll(ix, j, 1))
        up = (iota & k) == 0
        lt_peer = (sp > s) | ((sp == s) & (ip < ix))
        take = lt_peer == (bitj == up)
        s = jnp.where(take, sp, s)
        ix = jnp.where(take, ip, ix)
    ss_ref[...] = s
    si_ref[...] = ix


def _bitonic_steps():
    js, ks = [], []
    k = 2
    while k <= N:
        j = k // 2
        while j >= 1:
            js.append(j)
            ks.append(k)
            j //= 2
        k *= 2
    return js, ks


def _sort_scores(scores):
    js, ks = _bitonic_steps()
    jt = jnp.asarray(js, dtype=jnp.int32)
    kt = jnp.asarray(ks, dtype=jnp.int32)
    assert len(js) % FUSE == 0
    ss, si = pl.pallas_call(
        _sort_body,
        grid=(len(js) // FUSE,),
        in_specs=[
            pl.BlockSpec(memory_space=pltpu.SMEM),
            pl.BlockSpec(memory_space=pltpu.SMEM),
            pl.BlockSpec((B, N), lambda i: (0, 0)),
        ],
        out_specs=[
            pl.BlockSpec((B, N), lambda i: (0, 0)),
            pl.BlockSpec((B, N), lambda i: (0, 0)),
        ],
        out_shape=[
            jax.ShapeDtypeStruct((B, N), jnp.float32),
            jax.ShapeDtypeStruct((B, N), jnp.int32),
        ],
    )(jt, kt, scores)
    return ss, si


NC, NS = 2, 16
NW = NC * NS
TPW = (B * H) // NW
LANES = 16
TOTR = TPW * D
UNROLL = 16


def _sc_body(k6, v6, sidx_hbm, sc_hbm,
             kk6, kv6, ek6, ev6, ks, es,
             sidx_v, krow0, krow1, vrow0, vrow1,
             kob0, kob1, vob0, vob1, srow_v, sob_v,
             rsem0, rsem1, wsem0, wsem1):
    c = lax.axis_index("c")
    s = lax.axis_index("s")
    wid = s * NC + c
    b = wid // TPW

    krow = (krow0, krow1)
    vrow = (vrow0, vrow1)
    kob = (kob0, kob1)
    vob = (vob0, vob1)
    rsem = (rsem0, rsem1)
    wsem = (wsem0, wsem1)

    pltpu.sync_copy(sidx_hbm.at[b], sidx_v)

    def pairrefs(q):
        t = q // (D // 2)
        dq = q % (D // 2)
        bh = wid * TPW + t
        return bh // H, bh % H, dq // 4, dq % 4

    def prefetch(q, pp):
        b4, h4, dt, dp = pairrefs(q)
        pltpu.async_copy(k6.at[b4, h4, dt, :, pl.ds(dp * 2, 2)],
                         krow[pp], rsem[pp])
        pltpu.async_copy(v6.at[b4, h4, dt, :, pl.ds(dp * 2, 2)],
                         vrow[pp], rsem[pp])

    prefetch(0, 0)

    def half(q, pp):
        b4, h4, dt, dp = pairrefs(q)

        @pl.when(q < TOTR // 2 - 1)
        def _():
            prefetch(q + 1, 1 - pp)

        pltpu.make_async_copy(k6.at[0, 0, 0, :, pl.ds(0, 2)], krow[pp],
                              rsem[pp]).wait()
        pltpu.make_async_copy(k6.at[0, 0, 0, :, pl.ds(0, 2)], vrow[pp],
                              rsem[pp]).wait()

        for sub in range(2):
            dr = dp * 2 + sub

            @pl.when(q >= 1)
            def _(sub=sub):
                pltpu.make_async_copy(kob[sub], kk6.at[0, 0, 0, :, 0],
                                      wsem[sub]).wait()
                pltpu.make_async_copy(kob[sub], ek6.at[0, 0, 0, :, 0],
                                      wsem[sub]).wait()
                pltpu.make_async_copy(vob[sub], kk6.at[0, 0, 0, :, 0],
                                      wsem[sub]).wait()
                pltpu.make_async_copy(vob[sub], ek6.at[0, 0, 0, :, 0],
                                      wsem[sub]).wait()

            @plsc.parallel_loop(0, N, step=LANES, unroll=UNROLL)
            def _(o, sub=sub):
                sl = pl.ds(o, LANES)
                iv = sidx_v[sl]
                hi = iv >> 7
                lo = iv & 127
                sv = jnp.full((LANES,), sub, jnp.int32)
                r2 = o // 128
                c2 = o % 128
                cs = pl.ds(c2, LANES)
                kob[sub][r2, cs] = plsc.load_gather(krow[pp], [hi, sv, lo])
                vob[sub][r2, cs] = plsc.load_gather(vrow[pp], [hi, sv, lo])

            pltpu.async_copy(kob[sub].at[pl.ds(0, KT)],
                             kk6.at[b4, h4, dt, :, dr], wsem[sub])
            pltpu.async_copy(kob[sub].at[pl.ds(KT, ET)],
                             ek6.at[b4, h4, dt, :, dr], wsem[sub])
            pltpu.async_copy(vob[sub].at[pl.ds(0, KT)],
                             kv6.at[b4, h4, dt, :, dr], wsem[sub])
            pltpu.async_copy(vob[sub].at[pl.ds(KT, ET)],
                             ev6.at[b4, h4, dt, :, dr], wsem[sub])

    def outer(q2, carry):
        half(q2 * 2, 0)
        half(q2 * 2 + 1, 1)
        return carry

    lax.fori_loop(0, TOTR // 4, outer, 0)

    @pl.when(wid % TPW == 0)
    def _():
        pltpu.sync_copy(sc_hbm.at[b], srow_v)

        @plsc.parallel_loop(0, N, step=LANES, unroll=UNROLL)
        def _(o):
            sl = pl.ds(o, LANES)
            sob_v[sl] = plsc.load_gather(srow_v, [sidx_v[sl]])

        pltpu.sync_copy(sob_v.at[pl.ds(0, KEEP)], ks.at[b])
        pltpu.sync_copy(sob_v.at[pl.ds(KEEP, EVICT)], es.at[b])

    for p in range(2):
        pltpu.make_async_copy(kob[p], kk6.at[0, 0, 0, :, 0], wsem[p]).wait()
        pltpu.make_async_copy(kob[p], ek6.at[0, 0, 0, :, 0], wsem[p]).wait()
        pltpu.make_async_copy(vob[p], kk6.at[0, 0, 0, :, 0], wsem[p]).wait()
        pltpu.make_async_copy(vob[p], ek6.at[0, 0, 0, :, 0], wsem[p]).wait()


def _make_sc_gather():
    return pl.kernel(
        _sc_body,
        out_type=(
            jax.ShapeDtypeStruct((B, H, DT, KT, 8, 128), jnp.float32),
            jax.ShapeDtypeStruct((B, H, DT, KT, 8, 128), jnp.float32),
            jax.ShapeDtypeStruct((B, H, DT, ET, 8, 128), jnp.float32),
            jax.ShapeDtypeStruct((B, H, DT, ET, 8, 128), jnp.float32),
            jax.ShapeDtypeStruct((B, KEEP), jnp.float32),
            jax.ShapeDtypeStruct((B, EVICT), jnp.float32),
        ),
        mesh=plsc.VectorSubcoreMesh(
            core_axis_name="c", subcore_axis_name="s",
            num_cores=NC, num_subcores=NS),
        compiler_params=pltpu.CompilerParams(
            use_tc_tiling_on_sc=False, needs_layout_passes=False),
        scratch_types=[
            pltpu.VMEM((N,), jnp.int32),
            pltpu.VMEM((NT, 2, 128), jnp.float32),
            pltpu.VMEM((NT, 2, 128), jnp.float32),
            pltpu.VMEM((NT, 2, 128), jnp.float32),
            pltpu.VMEM((NT, 2, 128), jnp.float32),
            pltpu.VMEM((NT, 128), jnp.float32),
            pltpu.VMEM((NT, 128), jnp.float32),
            pltpu.VMEM((NT, 128), jnp.float32),
            pltpu.VMEM((NT, 128), jnp.float32),
            pltpu.VMEM((N,), jnp.float32),
            pltpu.VMEM((N,), jnp.float32),
            pltpu.SemaphoreType.DMA,
            pltpu.SemaphoreType.DMA,
            pltpu.SemaphoreType.DMA,
            pltpu.SemaphoreType.DMA,
        ],
    )


def kernel(k, v, scores, n_evict):
    del n_evict
    _, sidx = _sort_scores(scores)
    k6 = jnp.transpose(k.reshape(B, H, NT, 128, DT, 8), (0, 1, 4, 2, 5, 3))
    v6 = jnp.transpose(v.reshape(B, H, NT, 128, DT, 8), (0, 1, 4, 2, 5, 3))
    kk6, kv6, ek6, ev6, ks, es = _make_sc_gather()(k6, v6, sidx, scores)

    def back(x6, S):
        return jnp.transpose(x6, (0, 1, 3, 5, 2, 4)).reshape(B, H, S, D)

    return (back(kk6, KEEP), back(kv6, KEEP), ks,
            back(ek6, EVICT), back(ev6, EVICT), es)

# --- scband reference (transcript-rebuilt; emitter-appended) ---
"""Pipeline reference for scband-learned-eviction-policy-34677565948798 (READ-ONLY COPY).

The authoritative reference and input builder live on the scoring server;
editing this copy changes nothing except your own understanding.
"""

import jax, jax.numpy as jnp
from jax import lax
import numpy as np


def setup_inputs(seed: int = 0) -> dict:
    key = jax.random.key(seed)
    k1, k2, k3 = jax.random.split(key, 3)
    b, h, n, d = 8, 16, 8192, 64
    return {
        "k": jax.random.normal(k1, (b, h, n, d), dtype=jnp.float32),
        "v": jax.random.normal(k2, (b, h, n, d), dtype=jnp.float32),
        "scores": jax.random.normal(k3, (b, n), dtype=jnp.float32),
        "n_evict": 2048,
    }


def reference(k, v, scores, n_evict):
    # Faithful port of LearnedEvictionPolicy.evict
    b, h, n, d = k.shape
    n_evict_static = 2048
    keep = n - n_evict_static
    # descending argsort over the sequence dimension
    sort_idx = jnp.argsort(-scores, axis=1)
    idx = jnp.broadcast_to(sort_idx[:, None, :, None], (b, h, n, d))
    k_sorted = jnp.take_along_axis(k, idx, axis=2)
    v_sorted = jnp.take_along_axis(v, idx, axis=2)
    scores_sorted = jnp.take_along_axis(scores, sort_idx, axis=1)
    keep_k = k_sorted[:, :, :keep]
    keep_v = v_sorted[:, :, :keep]
    keep_scores = scores_sorted[:, :keep]
    evict_start = n - n_evict
    evict_k = lax.dynamic_slice_in_dim(k_sorted, evict_start, n_evict_static, axis=2)
    evict_v = lax.dynamic_slice_in_dim(v_sorted, evict_start, n_evict_static, axis=2)
    evict_scores = lax.dynamic_slice_in_dim(scores_sorted, evict_start, n_evict_static, axis=1)
    return (keep_k, keep_v, keep_scores, evict_k, evict_v, evict_scores)

if __name__ == "__main__":
    import jax
    _d = setup_inputs()
    print(jax.jit(kernel)(*tuple(_d.values())))

</pallas_src>

<mosaic_0001>
#map = affine_map<(d0, d1) -> (0, 0, 0, 0, 0, 0)>
#map1 = affine_map<(d0, d1) -> (0, 0)>
module attributes {stable_mosaic.version = 14 : i64} {
  func.func @_sc_body(%arg0: i32, %arg1: i32, %arg2: memref<8x16x8x64x8x128xf32, #tpu.memory_space<hbm>>, %arg3: memref<8x16x8x64x8x128xf32, #tpu.memory_space<hbm>>, %arg4: memref<8x8192xi32, #tpu.memory_space<hbm>>, %arg5: memref<8x8192xf32, #tpu.memory_space<hbm>>, %arg6: memref<8x16x8x48x8x128xf32, #tpu.memory_space<hbm>>, %arg7: memref<8x16x8x48x8x128xf32, #tpu.memory_space<hbm>>, %arg8: memref<8x16x8x16x8x128xf32, #tpu.memory_space<hbm>>, %arg9: memref<8x16x8x16x8x128xf32, #tpu.memory_space<hbm>>, %arg10: memref<8x6144xf32, #tpu.memory_space<hbm>>, %arg11: memref<8x2048xf32, #tpu.memory_space<hbm>>, %arg12: memref<8192xi32, #tpu.memory_space<vmem>>, %arg13: memref<64x2x128xf32, #tpu.memory_space<vmem>>, %arg14: memref<64x2x128xf32, #tpu.memory_space<vmem>>, %arg15: memref<64x2x128xf32, #tpu.memory_space<vmem>>, %arg16: memref<64x2x128xf32, #tpu.memory_space<vmem>>, %arg17: memref<64x128xf32, #tpu.memory_space<vmem>>, %arg18: memref<64x128xf32, #tpu.memory_space<vmem>>, %arg19: memref<64x128xf32, #tpu.memory_space<vmem>>, %arg20: memref<64x128xf32, #tpu.memory_space<vmem>>, %arg21: memref<8192xf32, #tpu.memory_space<vmem>>, %arg22: memref<8192xf32, #tpu.memory_space<vmem>>, %arg23: memref<!tpu.dma_semaphore, #tpu.memory_space<semaphore_mem>>, %arg24: memref<!tpu.dma_semaphore, #tpu.memory_space<semaphore_mem>>, %arg25: memref<!tpu.dma_semaphore, #tpu.memory_space<semaphore_mem>>, %arg26: memref<!tpu.dma_semaphore, #tpu.memory_space<semaphore_mem>>) attributes {dimension_semantics = [#tpu.dimension_semantics<core_parallel>, #tpu.dimension_semantics<subcore_parallel>], iteration_bounds = array<i64: 2, 16>, scalar_prefetch = 0 : i64, scratch_operands = 15 : i64, tpu.core_type = #tpu.core_type<sc_vector_subcore>, window_params = [{transform_indices = #map}, {transform_indices = #map}, {transform_indices = #map1}, {transform_indices = #map1}, {transform_indices = #map}, {transform_indices = #map}, {transform_indices = #map}, {transform_indices = #map}, {transform_indices = #map1}, {transform_indices = #map1}]} {
    %mul3A = arith.constant 2 : i32
    %mul3A_0 = arith.muli %arg1, %mul3A : i32
    %add3A = arith.addi %mul3A_0, %arg0 : i32
    %jit3A = arith.constant 4 : i32
    %div3A = arith.divsi %add3A, %jit3A : i32
    %sign3A = arith.constant 0 : i32
    %sign3A_1 = arith.cmpi sgt, %add3A, %sign3A : i32
    %sign3A_2 = arith.extui %sign3A_1 : i1 to i32
    %sign3A_3 = arith.constant 0 : i32
    %sign3A_4 = arith.cmpi slt, %add3A, %sign3A_3 : i32
    %sign3A_5 = arith.extui %sign3A_4 : i1 to i32
    %sign3A_6 = arith.subi %sign3A_2, %sign3A_5 : i32
    %sign3A_7 = arith.constant 0 : i32
    %sign3A_8 = arith.cmpi sgt, %jit3A, %sign3A_7 : i32
    %sign3A_9 = arith.extui %sign3A_8 : i1 to i32
    %sign3A_10 = arith.constant 0 : i32
    %sign3A_11 = arith.cmpi slt, %jit3A, %sign3A_10 : i32
    %sign3A_12 = arith.extui %sign3A_11 : i1 to i32
    %sign3A_13 = arith.subi %sign3A_9, %sign3A_12 : i32
    %ne3A = arith.cmpi ne, %sign3A_6, %sign3A_13 : i32
    %rem3A = arith.remsi %add3A, %jit3A : i32
    %ne3A_14 = arith.constant 0 : i32
    %ne3A_15 = arith.cmpi ne, %rem3A, %ne3A_14 : i32
    %and3A = arith.andi %ne3A, %ne3A_15 : i1
    %sub3A = arith.constant 1 : i32
    %sub3A_16 = arith.subi %div3A, %sub3A : i32
    %select_n3A = arith.select %and3A, %sub3A_16, %div3A : i32
    "tpu.region"() ({
      %run_scoped3A = tpu.sem_alloc : memref<!tpu.dma_semaphore, #tpu.memory_space<semaphore_mem>>
      %dma_start3A_199 = arith.constant 0 : i32
      %dma_start3A_200 = tpu.memref_slice %arg4[%select_n3A, %dma_start3A_199] : memref<8x8192xi32, #tpu.memory_space<hbm>> -> memref<1x8192xi32, #tpu.memory_space<hbm>>
      %dma_start3A_201 = tpu.memref_squeeze %dma_start3A_200 : memref<1x8192xi32, #tpu.memory_space<hbm>> -> memref<8192xi32, #tpu.memory_space<hbm>>
      %dma_start3A_202 = arith.constant 0 : i32
      %dma_start3A_203 = tpu.memref_slice %arg4[%select_n3A, %dma_start3A_202] : memref<8x8192xi32, #tpu.memory_space<hbm>> -> memref<1x8192xi32, #tpu.memory_space<hbm>>
      %dma_start3A_204 = tpu.memref_squeeze %dma_start3A_203 : memref<1x8192xi32, #tpu.memory_space<hbm>> -> memref<8192xi32, #tpu.memory_space<hbm>>
      tpu.enqueue_dma source(%dma_start3A_204 : memref<8192xi32, #tpu.memory_space<hbm>>) target(%arg12 : memref<8192xi32, #tpu.memory_space<vmem>>) target_semaphore(%run_scoped3A : memref<!tpu.dma_semaphore, #tpu.memory_space<semaphore_mem>>)
      %dma_wait3A_205 = arith.constant 0 : i32
      %dma_wait3A_206 = tpu.memref_slice %arg4[%select_n3A, %dma_wait3A_205] : memref<8x8192xi32, #tpu.memory_space<hbm>> -> memref<1x8192xi32, #tpu.memory_space<hbm>>
      %dma_wait3A_207 = tpu.memref_squeeze %dma_wait3A_206 : memref<1x8192xi32, #tpu.memory_space<hbm>> -> memref<8192xi32, #tpu.memory_space<hbm>>
      %dma_wait3A_208 = arith.constant 0 : i32
      %dma_wait3A_209 = tpu.memref_slice %arg4[%select_n3A, %dma_wait3A_208] : memref<8x8192xi32, #tpu.memory_space<hbm>> -> memref<1x8192xi32, #tpu.memory_space<hbm>>
      %dma_wait3A_210 = tpu.memref_squeeze %dma_wait3A_209 : memref<1x8192xi32, #tpu.memory_space<hbm>> -> memref<8192xi32, #tpu.memory_space<hbm>>
      tpu.wait_dma2 semaphore(%run_scoped3A : memref<!tpu.dma_semaphore, #tpu.memory_space<semaphore_mem>>) src(%dma_wait3A_210 : memref<8192xi32, #tpu.memory_space<hbm>>) dst(%arg12 : memref<8192xi32, #tpu.memory_space<vmem>>)
      tpu.yield
    }) : () -> ()
    %mul3A_17 = arith.constant 4 : i32
    %mul3A_18 = arith.muli %add3A, %mul3A_17 : i32
    %add3A_19 = arith.constant 0 : i32
    %add3A_20 = arith.addi %mul3A_18, %add3A_19 : i32
    %jit3A_21 = arith.constant 16 : i32
    %div3A_22 = arith.divsi %add3A_20, %jit3A_21 : i32
    %sign3A_23 = arith.constant 0 : i32
    %sign3A_24 = arith.cmpi sgt, %add3A_20, %sign3A_23 : i32
    %sign3A_25 = arith.extui %sign3A_24 : i1 to i32
    %sign3A_26 = arith.constant 0 : i32
    %sign3A_27 = arith.cmpi slt, %add3A_20, %sign3A_26 : i32
    %sign3A_28 = arith.extui %sign3A_27 : i1 to i32
    %sign3A_29 = arith.subi %sign3A_25, %sign3A_28 : i32
    %sign3A_30 = arith.constant 0 : i32
    %sign3A_31 = arith.cmpi sgt, %jit3A_21, %sign3A_30 : i32
    %sign3A_32 = arith.extui %sign3A_31 : i1 to i32
    %sign3A_33 = arith.constant 0 : i32
    %sign3A_34 = arith.cmpi slt, %jit3A_21, %sign3A_33 : i32
    %sign3A_35 = arith.extui %sign3A_34 : i1 to i32
    %sign3A_36 = arith.subi %sign3A_32, %sign3A_35 : i32
    %ne3A_37 = arith.cmpi ne, %sign3A_29, %sign3A_36 : i32
    %rem3A_38 = arith.remsi %add3A_20, %jit3A_21 : i32
    %ne3A_39 = arith.constant 0 : i32
    %ne3A_40 = arith.cmpi ne, %rem3A_38, %ne3A_39 : i32
    %and3A_41 = arith.andi %ne3A_37, %ne3A_40 : i1
    %sub3A_42 = arith.constant 1 : i32
    %sub3A_43 = arith.subi %div3A_22, %sub3A_42 : i32
    %select_n3A_44 = arith.select %and3A_41, %sub3A_43, %div3A_22 : i32
    %jit3A_45 = arith.constant 16 : i32
    %eq3A = arith.constant 0 : i32
    %eq3A_46 = arith.cmpi eq, %jit3A_45, %eq3A : i32
    %jit3A_47 = arith.constant 1 : i32
    %select_n3A_48 = arith.select %eq3A_46, %jit3A_47, %jit3A_45 : i32
    %rem3A_49 = arith.remsi %add3A_20, %select_n3A_48 : i32
    %ne3A_50 = arith.constant 0 : i32
    %ne3A_51 = arith.cmpi ne, %rem3A_49, %ne3A_50 : i32
    %lt3A = arith.constant 0 : i32
    %lt3A_52 = arith.cmpi slt, %rem3A_49, %lt3A : i32
    %lt3A_53 = arith.constant 0 : i32
    %lt3A_54 = arith.cmpi slt, %select_n3A_48, %lt3A_53 : i32
    %ne3A_55 = arith.xori %lt3A_52, %lt3A_54 : i1
    %and3A_56 = arith.andi %ne3A_55, %ne3A_51 : i1
    %add3A_57 = arith.addi %rem3A_49, %select_n3A_48 : i32
    %select_n3A_58 = arith.select %and3A_56, %add3A_57, %rem3A_49 : i32
    %dma_start3A = arith.constant 0 : i32
    %dma_start3A_59 = arith.constant 0 : i32
    %dma_start3A_60 = arith.constant 0 : i32
    %dma_start3A_61 = arith.constant 0 : i32
    %dma_start3A_62 = tpu.memref_slice %arg2[%select_n3A_44, %select_n3A_58, %dma_start3A, %dma_start3A_59, %dma_start3A_60, %dma_start3A_61] : memref<8x16x8x64x8x128xf32, #tpu.memory_space<hbm>> -> memref<1x1x1x64x2x128xf32, #tpu.memory_space<hbm>>
    %dma_start3A_63 = tpu.memref_squeeze %dma_start3A_62 : memref<1x1x1x64x2x128xf32, #tpu.memory_space<hbm>> -> memref<64x2x128xf32, #tpu.memory_space<hbm>>
    %dma_start3A_64 = arith.constant 0 : i32
    %dma_start3A_65 = arith.constant 0 : i32
    %dma_start3A_66 = arith.constant 0 : i32
    %dma_start3A_67 = tpu.memref_slice %arg2[%select_n3A_44, %select_n3A_58, %dma_start3A, %dma_start3A_64, %dma_start3A_65, %dma_start3A_66] : memref<8x16x8x64x8x128xf32, #tpu.memory_space<hbm>> -> memref<1x1x1x64x2x128xf32, #tpu.memory_space<hbm>>
    %dma_start3A_68 = tpu.memref_squeeze %dma_start3A_67 : memref<1x1x1x64x2x128xf32, #tpu.memory_space<hbm>> -> memref<64x2x128xf32, #tpu.memory_space<hbm>>
    tpu.enqueue_dma source(%dma_start3A_68 : memref<64x2x128xf32, #tpu.memory_space<hbm>>) target(%arg13 : memref<64x2x128xf32, #tpu.memory_space<vmem>>) target_semaphore(%arg23 : memref<!tpu.dma_semaphore, #tpu.memory_space<semaphore_mem>>)
    %dma_start3A_69 = arith.constant 0 : i32
    %dma_start3A_70 = arith.constant 0 : i32
    %dma_start3A_71 = arith.constant 0 : i32
    %dma_start3A_72 = arith.constant 0 : i32
    %dma_start3A_73 = tpu.memref_slice %arg3[%select_n3A_44, %select_n3A_58, %dma_start3A_69, %dma_start3A_70, %dma_start3A_71, %dma_start3A_72] : memref<8x16x8x64x8x128xf32, #tpu.memory_space<hbm>> -> memref<1x1x1x64x2x128xf32, #tpu.memory_space<hbm>>
    %dma_start3A_74 = tpu.memref_squeeze %dma_start3A_73 : memref<1x1x1x64x2x128xf32, #tpu.memory_space<hbm>> -> memref<64x2x128xf32, #tpu.memory_space<hbm>>
    %dma_start3A_75 = arith.constant 0 : i32
    %dma_start3A_76 = arith.constant 0 : i32
    %dma_start3A_77 = arith.constant 0 : i32
    %dma_start3A_78 = tpu.memref_slice %arg3[%select_n3A_44, %select_n3A_58, %dma_start3A_69, %dma_start3A_75, %dma_start3A_76, %dma_start3A_77] : memref<8x16x8x64x8x128xf32, #tpu.memory_space<hbm>> -> memref<1x1x1x64x2x128xf32, #tpu.memory_space<hbm>>
    %dma_start3A_79 = tpu.memref_squeeze %dma_start3A_78 : memref<1x1x1x64x2x128xf32, #tpu.memory_space<hbm>> -> memref<64x2x128xf32, #tpu.memory_space<hbm>>
    tpu.enqueue_dma source(%dma_start3A_79 : memref<64x2x128xf32, #tpu.memory_space<hbm>>) target(%arg15 : memref<64x2x128xf32, #tpu.memory_space<vmem>>) target_semaphore(%arg23 : memref<!tpu.dma_semaphore, #tpu.memory_space<semaphore_mem>>)
    %scan3A = arith.constant 0 : i32
    %scan3A_80 = arith.constant 0 : i32
    %scan3A_81 = arith.constant 64 : i32
    %scan3A_82 = arith.addi %scan3A_80, %scan3A_81 : i32
    %scan3A_83 = arith.constant 1 : i32
    scf.for %scan3A_199 = %scan3A_80 to %scan3A_82 step %scan3A_83  : i32 {
      %mul3A_200 = arith.constant 2 : i32
      %mul3A_201 = arith.muli %scan3A_199, %mul3A_200 : i32
      %jit3A_202 = arith.constant 32 : i32
      %div3A_203 = arith.divsi %mul3A_201, %jit3A_202 : i32
      %sign3A_204 = arith.constant 0 : i32
      %sign3A_205 = arith.cmpi sgt, %mul3A_201, %sign3A_204 : i32
      %sign3A_206 = arith.extui %sign3A_205 : i1 to i32
      %sign3A_207 = arith.constant 0 : i32
      %sign3A_208 = arith.cmpi slt, %mul3A_201, %sign3A_207 : i32
      %sign3A_209 = arith.extui %sign3A_208 : i1 to i32
      %sign3A_210 = arith.subi %sign3A_206, %sign3A_209 : i32
      %sign3A_211 = arith.constant 0 : i32
      %sign3A_212 = arith.cmpi sgt, %jit3A_202, %sign3A_211 : i32
      %sign3A_213 = arith.extui %sign3A_212 : i1 to i32
      %sign3A_214 = arith.constant 0 : i32
      %sign3A_215 = arith.cmpi slt, %jit3A_202, %sign3A_214 : i32
      %sign3A_216 = arith.extui %sign3A_215 : i1 to i32
      %sign3A_217 = arith.subi %sign3A_213, %sign3A_216 : i32
      %ne3A_218 = arith.cmpi ne, %sign3A_210, %sign3A_217 : i32
      %rem3A_219 = arith.remsi %mul3A_201, %jit3A_202 : i32
      %ne3A_220 = arith.constant 0 : i32
      %ne3A_221 = arith.cmpi ne, %rem3A_219, %ne3A_220 : i32
      %and3A_222 = arith.andi %ne3A_218, %ne3A_221 : i1
      %sub3A_223 = arith.constant 1 : i32
      %sub3A_224 = arith.subi %div3A_203, %sub3A_223 : i32
      %select_n3A_225 = arith.select %and3A_222, %sub3A_224, %div3A_203 : i32
      %jit3A_226 = arith.constant 32 : i32
      %eq3A_227 = arith.constant 0 : i32
      %eq3A_228 = arith.cmpi eq, %jit3A_226, %eq3A_227 : i32
      %jit3A_229 = arith.constant 1 : i32
      %select_n3A_230 = arith.select %eq3A_228, %jit3A_229, %jit3A_226 : i32
      %rem3A_231 = arith.remsi %mul3A_201, %select_n3A_230 : i32
      %ne3A_232 = arith.constant 0 : i32
      %ne3A_233 = arith.cmpi ne, %rem3A_231, %ne3A_232 : i32
      %lt3A_234 = arith.constant 0 : i32
      %lt3A_235 = arith.cmpi slt, %rem3A_231, %lt3A_234 : i32
      %lt3A_236 = arith.constant 0 : i32
      %lt3A_237 = arith.cmpi slt, %select_n3A_230, %lt3A_236 : i32
      %ne3A_238 = arith.xori %lt3A_235, %lt3A_237 : i1
      %and3A_239 = arith.andi %ne3A_238, %ne3A_233 : i1
      %add3A_240 = arith.addi %rem3A_231, %select_n3A_230 : i32
      %select_n3A_241 = arith.select %and3A_239, %add3A_240, %rem3A_231 : i32
      %mul3A_242 = arith.constant 4 : i32
      %mul3A_243 = arith.muli %add3A, %mul3A_242 : i32
      %add3A_244 = arith.addi %mul3A_243, %select_n3A_225 : i32
      %jit3A_245 = arith.constant 16 : i32
      %div3A_246 = arith.divsi %add3A_244, %jit3A_245 : i32
      %sign3A_247 = arith.constant 0 : i32
      %sign3A_248 = arith.cmpi sgt, %add3A_244, %sign3A_247 : i32
      %sign3A_249 = arith.extui %sign3A_248 : i1 to i32
      %sign3A_250 = arith.constant 0 : i32
      %sign3A_251 = arith.cmpi slt, %add3A_244, %sign3A_250 : i32
      %sign3A_252 = arith.extui %sign3A_251 : i1 to i32
      %sign3A_253 = arith.subi %sign3A_249, %sign3A_252 : i32
      %sign3A_254 = arith.constant 0 : i32
      %sign3A_255 = arith.cmpi sgt, %jit3A_245, %sign3A_254 : i32
      %sign3A_256 = arith.extui %sign3A_255 : i1 to i32
      %sign3A_257 = arith.constant 0 : i32
      %sign3A_258 = arith.cmpi slt, %jit3A_245, %sign3A_257 : i32
      %sign3A_259 = arith.extui %sign3A_258 : i1 to i32
      %sign3A_260 = arith.subi %sign3A_256, %sign3A_259 : i32
      %ne3A_261 = arith.cmpi ne, %sign3A_253, %sign3A_260 : i32
      %rem3A_262 = arith.remsi %add3A_244, %jit3A_245 : i32
      %ne3A_263 = arith.constant 0 : i32
      %ne3A_264 = arith.cmpi ne, %rem3A_262, %ne3A_263 : i32
      %and3A_265 = arith.andi %ne3A_261, %ne3A_264 : i1
      %sub3A_266 = arith.constant 1 : i32
      %sub3A_267 = arith.subi %div3A_246, %sub3A_266 : i32
      %select_n3A_268 = arith.select %and3A_265, %sub3A_267, %div3A_246 : i32
      %jit3A_269 = arith.constant 16 : i32
      %eq3A_270 = arith.constant 0 : i32
      %eq3A_271 = arith.cmpi eq, %jit3A_269, %eq3A_270 : i32
      %jit3A_272 = arith.constant 1 : i32
      %select_n3A_273 = arith.select %eq3A_271, %jit3A_272, %jit3A_269 : i32
      %rem3A_274 = arith.remsi %add3A_244, %select_n3A_273 : i32
      %ne3A_275 = arith.constant 0 : i32
      %ne3A_276 = arith.cmpi ne, %rem3A_274, %ne3A_275 : i32
      %lt3A_277 = arith.constant 0 : i32
      %lt3A_278 = arith.cmpi slt, %rem3A_274, %lt3A_277 : i32
      %lt3A_279 = arith.constant 0 : i32
      %lt3A_280 = arith.cmpi slt, %select_n3A_273, %lt3A_279 : i32
      %ne3A_281 = arith.xori %lt3A_278, %lt3A_280 : i1
      %and3A_282 = arith.andi %ne3A_281, %ne3A_276 : i1
      %add3A_283 = arith.addi %rem3A_274, %select_n3A_273 : i32
      %select_n3A_284 = arith.select %and3A_282, %add3A_283, %rem3A_274 : i32
      %jit3A_285 = arith.constant 4 : i32
      %div3A_286 = arith.divsi %select_n3A_241, %jit3A_285 : i32
      %sign3A_287 = arith.constant 0 : i32
      %sign3A_288 = arith.cmpi sgt, %select_n3A_241, %sign3A_287 : i32
      %sign3A_289 = arith.extui %sign3A_288 : i1 to i32
      %sign3A_290 = arith.constant 0 : i32
      %sign3A_291 = arith.cmpi slt, %select_n3A_241, %sign3A_290 : i32
      %sign3A_292 = arith.extui %sign3A_291 : i1 to i32
      %sign3A_293 = arith.subi %sign3A_289, %sign3A_292 : i32
      %sign3A_294 = arith.constant 0 : i32
      %sign3A_295 = arith.cmpi sgt, %jit3A_285, %sign3A_294 : i32
      %sign3A_296 = arith.extui %sign3A_295 : i1 to i32
      %sign3A_297 = arith.constant 0 : i32
      %sign3A_298 = arith.cmpi slt, %jit3A_285, %sign3A_297 : i32
      %sign3A_299 = arith.extui %sign3A_298 : i1 to i32
      %sign3A_300 = arith.subi %sign3A_296, %sign3A_299 : i32
      %ne3A_301 = arith.cmpi ne, %sign3A_293, %sign3A_300 : i32
      %rem3A_302 = arith.remsi %select_n3A_241, %jit3A_285 : i32
      %ne3A_303 = arith.constant 0 : i32
      %ne3A_304 = arith.cmpi ne, %rem3A_302, %ne3A_303 : i32
      %and3A_305 = arith.andi %ne3A_301, %ne3A_304 : i1
      %sub3A_306 = arith.constant 1 : i32
      %sub3A_307 = arith.subi %div3A_286, %sub3A_306 : i32
      %select_n3A_308 = arith.select %and3A_305, %sub3A_307, %div3A_286 : i32
      %jit3A_309 = arith.constant 4 : i32
      %eq3A_310 = arith.constant 0 : i32
      %eq3A_311 = arith.cmpi eq, %jit3A_309, %eq3A_310 : i32
      %jit3A_312 = arith.constant 1 : i32
      %select_n3A_313 = arith.select %eq3A_311, %jit3A_312, %jit3A_309 : i32
      %rem3A_314 = arith.remsi %select_n3A_241, %select_n3A_313 : i32
      %ne3A_315 = arith.constant 0 : i32
      %ne3A_316 = arith.cmpi ne, %rem3A_314, %ne3A_315 : i32
      %lt3A_317 = arith.constant 0 : i32
      %lt3A_318 = arith.cmpi slt, %rem3A_314, %lt3A_317 : i32
      %lt3A_319 = arith.constant 0 : i32
      %lt3A_320 = arith.cmpi slt, %select_n3A_313, %lt3A_319 : i32
      %ne3A_321 = arith.xori %lt3A_318, %lt3A_320 : i1
      %and3A_322 = arith.andi %ne3A_321, %ne3A_316 : i1
      %add3A_323 = arith.addi %rem3A_314, %select_n3A_313 : i32
      %select_n3A_324 = arith.select %and3A_322, %add3A_323, %rem3A_314 : i32
      %lt3A_325 = arith.constant 127 : i32
      %lt3A_326 = arith.cmpi slt, %mul3A_201, %lt3A_325 : i32
      %convert_element_type3A_327 = arith.extui %lt3A_326 : i1 to i32
      %cond3A_328 = arith.constant 0 : i32
      %cond3A_329 = arith.cmpi ne, %convert_element_type3A_327, %cond3A_328 : i32
      scf.if %cond3A_329 {
        %add3A_784 = arith.constant 1 : i32
        %add3A_785 = arith.addi %mul3A_201, %add3A_784 : i32
        %jit3A_786 = arith.constant 32 : i32
        %div3A_787 = arith.divsi %add3A_785, %jit3A_786 : i32
        %sign3A_788 = arith.constant 0 : i32
        %sign3A_789 = arith.cmpi sgt, %add3A_785, %sign3A_788 : i32
        %sign3A_790 = arith.extui %sign3A_789 : i1 to i32
        %sign3A_791 = arith.constant 0 : i32
        %sign3A_792 = arith.cmpi slt, %add3A_785, %sign3A_791 : i32
        %sign3A_793 = arith.extui %sign3A_792 : i1 to i32
        %sign3A_794 = arith.subi %sign3A_790, %sign3A_793 : i32
        %sign3A_795 = arith.constant 0 : i32
        %sign3A_796 = arith.cmpi sgt, %jit3A_786, %sign3A_795 : i32
        %sign3A_797 = arith.extui %sign3A_796 : i1 to i32
        %sign3A_798 = arith.constant 0 : i32
        %sign3A_799 = arith.cmpi slt, %jit3A_786, %sign3A_798 : i32
        %sign3A_800 = arith.extui %sign3A_799 : i1 to i32
        %sign3A_801 = arith.subi %sign3A_797, %sign3A_800 : i32
        %ne3A_802 = arith.cmpi ne, %sign3A_794, %sign3A_801 : i32
        %rem3A_803 = arith.remsi %add3A_785, %jit3A_786 : i32
        %ne3A_804 = arith.constant 0 : i32
        %ne3A_805 = arith.cmpi ne, %rem3A_803, %ne3A_804 : i32
        %and3A_806 = arith.andi %ne3A_802, %ne3A_805 : i1
        %sub3A_807 = arith.constant 1 : i32
        %sub3A_808 = arith.subi %div3A_787, %sub3A_807 : i32
        %select_n3A_809 = arith.select %and3A_806, %sub3A_808, %div3A_787 : i32
        %jit3A_810 = arith.constant 32 : i32
        %eq3A_811 = arith.constant 0 : i32
        %eq3A_812 = arith.cmpi eq, %jit3A_810, %eq3A_811 : i32
        %jit3A_813 = arith.constant 1 : i32
        %select_n3A_814 = arith.select %eq3A_812, %jit3A_813, %jit3A_810 : i32
        %rem3A_815 = arith.remsi %add3A_785, %select_n3A_814 : i32
        %ne3A_816 = arith.constant 0 : i32
        %ne3A_817 = arith.cmpi ne, %rem3A_815, %ne3A_816 : i32
        %lt3A_818 = arith.constant 0 : i32
        %lt3A_819 = arith.cmpi slt, %rem3A_815, %lt3A_818 : i32
        %lt3A_820 = arith.constant 0 : i32
        %lt3A_821 = arith.cmpi slt, %select_n3A_814, %lt3A_820 : i32
        %ne3A_822 = arith.xori %lt3A_819, %lt3A_821 : i1
        %and3A_823 = arith.andi %ne3A_822, %ne3A_817 : i1
        %add3A_824 = arith.addi %rem3A_815, %select_n3A_814 : i32
        %select_n3A_825 = arith.select %and3A_823, %add3A_824, %rem3A_815 : i32
        %mul3A_826 = arith.constant 4 : i32
        %mul3A_827 = arith.muli %add3A, %mul3A_826 : i32
        %add3A_828 = arith.addi %mul3A_827, %select_n3A_809 : i32
        %jit3A_829 = arith.constant 16 : i32
        %div3A_830 = arith.divsi %add3A_828, %jit3A_829 : i32
        %sign3A_831 = arith.constant 0 : i32
        %sign3A_832 = arith.cmpi sgt, %add3A_828, %sign3A_831 : i32
        %sign3A_833 = arith.extui %sign3A_832 : i1 to i32
        %sign3A_834 = arith.constant 0 : i32
        %sign3A_835 = arith.cmpi slt, %add3A_828, %sign3A_834 : i32
        %sign3A_836 = arith.extui %sign3A_835 : i1 to i32
        %sign3A_837 = arith.subi %sign3A_833, %sign3A_836 : i32
        %sign3A_838 = arith.constant 0 : i32
        %sign3A_839 = arith.cmpi sgt, %jit3A_829, %sign3A_838 : i32
        %sign3A_840 = arith.extui %sign3A_839 : i1 to i32
        %sign3A_841 = arith.constant 0 : i32
        %sign3A_842 = arith.cmpi slt, %jit3A_829, %sign3A_841 : i32
        %sign3A_843 = arith.extui %sign3A_842 : i1 to i32
        %sign3A_844 = arith.subi %sign3A_840, %sign3A_843 : i32
        %ne3A_845 = arith.cmpi ne, %sign3A_837, %sign3A_844 : i32
        %rem3A_846 = arith.remsi %add3A_828, %jit3A_829 : i32
        %ne3A_847 = arith.constant 0 : i32
        %ne3A_848 = arith.cmpi ne, %rem3A_846, %ne3A_847 : i32
        %and3A_849 = arith.andi %ne3A_845, %ne3A_848 : i1
        %sub3A_850 = arith.constant 1 : i32
        %sub3A_851 = arith.subi %div3A_830, %sub3A_850 : i32
        %select_n3A_852 = arith.select %and3A_849, %sub3A_851, %div3A_830 : i32
        %jit3A_853 = arith.constant 16 : i32
        %eq3A_854 = arith.constant 0 : i32
        %eq3A_855 = arith.cmpi eq, %jit3A_853, %eq3A_854 : i32
        %jit3A_856 = arith.constant 1 : i32
        %select_n3A_857 = arith.select %eq3A_855, %jit3A_856, %jit3A_853 : i32
        %rem3A_858 = arith.remsi %add3A_828, %select_n3A_857 : i32
        %ne3A_859 = arith.constant 0 : i32
        %ne3A_860 = arith.cmpi ne, %rem3A_858, %ne3A_859 : i32
        %lt3A_861 = arith.constant 0 : i32
        %lt3A_862 = arith.cmpi slt, %rem3A_858, %lt3A_861 : i32
        %lt3A_863 = arith.constant 0 : i32
        %lt3A_864 = arith.cmpi slt, %select_n3A_857, %lt3A_863 : i32
        %ne3A_865 = arith.xori %lt3A_862, %lt3A_864 : i1
        %and3A_866 = arith.andi %ne3A_865, %ne3A_860 : i1
        %add3A_867 = arith.addi %rem3A_858, %select_n3A_857 : i32
        %select_n3A_868 = arith.select %and3A_866, %add3A_867, %rem3A_858 : i32
        %jit3A_869 = arith.constant 4 : i32
        %div3A_870 = arith.divsi %select_n3A_825, %jit3A_869 : i32
        %sign3A_871 = arith.constant 0 : i32
        %sign3A_872 = arith.cmpi sgt, %select_n3A_825, %sign3A_871 : i32
        %sign3A_873 = arith.extui %sign3A_872 : i1 to i32
        %sign3A_874 = arith.constant 0 : i32
        %sign3A_875 = arith.cmpi slt, %select_n3A_825, %sign3A_874 : i32
        %sign3A_876 = arith.extui %sign3A_875 : i1 to i32
        %sign3A_877 = arith.subi %sign3A_873, %sign3A_876 : i32
        %sign3A_878 = arith.constant 0 : i32
        %sign3A_879 = arith.cmpi sgt, %jit3A_869, %sign3A_878 : i32
        %sign3A_880 = arith.extui %sign3A_879 : i1 to i32
        %sign3A_881 = arith.constant 0 : i32
        %sign3A_882 = arith.cmpi slt, %jit3A_869, %sign3A_881 : i32
        %sign3A_883 = arith.extui %sign3A_882 : i1 to i32
        %sign3A_884 = arith.subi %sign3A_880, %sign3A_883 : i32
        %ne3A_885 = arith.cmpi ne, %sign3A_877, %sign3A_884 : i32
        %rem3A_886 = arith.remsi %select_n3A_825, %jit3A_869 : i32
        %ne3A_887 = arith.constant 0 : i32
        %ne3A_888 = arith.cmpi ne, %rem3A_886, %ne3A_887 : i32
        %and3A_889 = arith.andi %ne3A_885, %ne3A_888 : i1
        %sub3A_890 = arith.constant 1 : i32
        %sub3A_891 = arith.subi %div3A_870, %sub3A_890 : i32
        %select_n3A_892 = arith.select %and3A_889, %sub3A_891, %div3A_870 : i32
        %jit3A_893 = arith.constant 4 : i32
        %eq3A_894 = arith.constant 0 : i32
        %eq3A_895 = arith.cmpi eq, %jit3A_893, %eq3A_894 : i32
        %jit3A_896 = arith.constant 1 : i32
        %select_n3A_897 = arith.select %eq3A_895, %jit3A_896, %jit3A_893 : i32
        %rem3A_898 = arith.remsi %select_n3A_825, %select_n3A_897 : i32
        %ne3A_899 = arith.constant 0 : i32
        %ne3A_900 = arith.cmpi ne, %rem3A_898, %ne3A_899 : i32
        %lt3A_901 = arith.constant 0 : i32
        %lt3A_902 = arith.cmpi slt, %rem3A_898, %lt3A_901 : i32
        %lt3A_903 = arith.constant 0 : i32
        %lt3A_904 = arith.cmpi slt, %select_n3A_897, %lt3A_903 : i32
        %ne3A_905 = arith.xori %lt3A_902, %lt3A_904 : i1
        %and3A_906 = arith.andi %ne3A_905, %ne3A_900 : i1
        %add3A_907 = arith.addi %rem3A_898, %select_n3A_897 : i32
        %select_n3A_908 = arith.select %and3A_906, %add3A_907, %rem3A_898 : i32
        %mul3A_909 = arith.constant 2 : i32
        %mul3A_910 = arith.muli %select_n3A_908, %mul3A_909 : i32
        %dma_start3A_911 = arith.constant 0 : i32
        %dma_start3A_912 = arith.constant 0 : i32
        %dma_start3A_913 = tpu.memref_slice %arg2[%select_n3A_852, %select_n3A_868, %select_n3A_892, %dma_start3A_911, %mul3A_910, %dma_start3A_912] : memref<8x16x8x64x8x128xf32, #tpu.memory_space<hbm>> -> memref<1x1x1x64x2x128xf32, #tpu.memory_space<hbm>>
        %dma_start3A_914 = tpu.memref_squeeze %dma_start3A_913 : memref<1x1x1x64x2x128xf32, #tpu.memory_space<hbm>> -> memref<64x2x128xf32, #tpu.memory_space<hbm>>
        %dma_start3A_915 = arith.constant 0 : i32
        %dma_start3A_916 = arith.constant 0 : i32
        %dma_start3A_917 = tpu.memref_slice %arg2[%select_n3A_852, %select_n3A_868, %select_n3A_892, %dma_start3A_915, %mul3A_910, %dma_start3A_916] : memref<8x16x8x64x8x128xf32, #tpu.memory_space<hbm>> -> memref<1x1x1x64x2x128xf32, #tpu.memory_space<hbm>>
        %dma_start3A_918 = tpu.memref_squeeze %dma_start3A_917 : memref<1x1x1x64x2x128xf32, #tpu.memory_space<hbm>> -> memref<64x2x128xf32, #tpu.memory_space<hbm>>
        tpu.enqueue_dma source(%dma_start3A_918 : memref<64x2x128xf32, #tpu.memory_space<hbm>>) target(%arg14 : memref<64x2x128xf32, #tpu.memory_space<vmem>>) target_semaphore(%arg24 : memref<!tpu.dma_semaphore, #tpu.memory_space<semaphore_mem>>)
        %mul3A_919 = arith.constant 2 : i32
        %mul3A_920 = arith.muli %select_n3A_908, %mul3A_919 : i32
        %dma_start3A_921 = arith.constant 0 : i32
        %dma_start3A_922 = arith.constant 0 : i32
        %dma_start3A_923 = tpu.memref_slice %arg3[%select_n3A_852, %select_n3A_868, %select_n3A_892, %dma_start3A_921, %mul3A_920, %dma_start3A_922] : memref<8x16x8x64x8x128xf32, #tpu.memory_space<hbm>> -> memref<1x1x1x64x2x128xf32, #tpu.memory_space<hbm>>
        %dma_start3A_924 = tpu.memref_squeeze %dma_start3A_923 : memref<1x1x1x64x2x128xf32, #tpu.memory_space<hbm>> -> memref<64x2x128xf32, #tpu.memory_space<hbm>>
        %dma_start3A_925 = arith.constant 0 : i32
        %dma_start3A_926 = arith.constant 0 : i32
        %dma_start3A_927 = tpu.memref_slice %arg3[%select_n3A_852, %select_n3A_868, %select_n3A_892, %dma_start3A_925, %mul3A_920, %dma_start3A_926] : memref<8x16x8x64x8x128xf32, #tpu.memory_space<hbm>> -> memref<1x1x1x64x2x128xf32, #tpu.memory_space<hbm>>
        %dma_start3A_928 = tpu.memref_squeeze %dma_start3A_927 : memref<1x1x1x64x2x128xf32, #tpu.memory_space<hbm>> -> memref<64x2x128xf32, #tpu.memory_space<hbm>>
        tpu.enqueue_dma source(%dma_start3A_928 : memref<64x2x128xf32, #tpu.memory_space<hbm>>) target(%arg16 : memref<64x2x128xf32, #tpu.memory_space<vmem>>) target_semaphore(%arg24 : memref<!tpu.dma_semaphore, #tpu.memory_space<semaphore_mem>>)
      } else {
      }
      %dma_wait3A_330 = arith.constant 0 : i32
      %dma_wait3A_331 = arith.constant 0 : i32
      %dma_wait3A_332 = arith.constant 0 : i32
      %dma_wait3A_333 = arith.constant 0 : i32
      %dma_wait3A_334 = arith.constant 0 : i32
      %dma_wait3A_335 = arith.constant 0 : i32
      %dma_wait3A_336 = tpu.memref_slice %arg2[%dma_wait3A_330, %dma_wait3A_331, %dma_wait3A_332, %dma_wait3A_333, %dma_wait3A_334, %dma_wait3A_335] : memref<8x16x8x64x8x128xf32, #tpu.memory_space<hbm>> -> memref<1x1x1x64x2x128xf32, #tpu.memory_space<hbm>>
      %dma_wait3A_337 = tpu.memref_squeeze %dma_wait3A_336 : memref<1x1x1x64x2x128xf32, #tpu.memory_space<hbm>> -> memref<64x2x128xf32, #tpu.memory_space<hbm>>
      %dma_wait3A_338 = arith.constant 0 : i32
      %dma_wait3A_339 = arith.constant 0 : i32
      %dma_wait3A_340 = arith.constant 0 : i32
      %dma_wait3A_341 = tpu.memref_slice %arg2[%dma_wait3A_330, %dma_wait3A_331, %dma_wait3A_332, %dma_wait3A_338, %dma_wait3A_339, %dma_wait3A_340] : memref<8x16x8x64x8x128xf32, #tpu.memory_space<hbm>> -> memref<1x1x1x64x2x128xf32, #tpu.memory_space<hbm>>
      %dma_wait3A_342 = tpu.memref_squeeze %dma_wait3A_341 : memref<1x1x1x64x2x128xf32, #tpu.memory_space<hbm>> -> memref<64x2x128xf32, #tpu.memory_space<hbm>>
      tpu.wait_dma2 semaphore(%arg23 : memref<!tpu.dma_semaphore, #tpu.memory_space<semaphore_mem>>) src(%dma_wait3A_342 : memref<64x2x128xf32, #tpu.memory_space<hbm>>) dst(%arg13 : memref<64x2x128xf32, #tpu.memory_space<vmem>>)
      %dma_wait3A_343 = arith.constant 0 : i32
      %dma_wait3A_344 = arith.constant 0 : i32
      %dma_wait3A_345 = arith.constant 0 : i32
      %dma_wait3A_346 = arith.constant 0 : i32
      %dma_wait3A_347 = arith.constant 0 : i32
      %dma_wait3A_348 = arith.constant 0 : i32
      %dma_wait3A_349 = tpu.memref_slice %arg2[%dma_wait3A_343, %dma_wait3A_344, %dma_wait3A_345, %dma_wait3A_346, %dma_wait3A_347, %dma_wait3A_348] : memref<8x16x8x64x8x128xf32, #tpu.memory_space<hbm>> -> memref<1x1x1x64x2x128xf32, #tpu.memory_space<hbm>>
      %dma_wait3A_350 = tpu.memref_squeeze %dma_wait3A_349 : memref<1x1x1x64x2x128xf32, #tpu.memory_space<hbm>> -> memref<64x2x128xf32, #tpu.memory_space<hbm>>
      %dma_wait3A_351 = arith.constant 0 : i32
      %dma_wait3A_352 = arith.constant 0 : i32
      %dma_wait3A_353 = arith.constant 0 : i32
      %dma_wait3A_354 = tpu.memref_slice %arg2[%dma_wait3A_343, %dma_wait3A_344, %dma_wait3A_345, %dma_wait3A_351, %dma_wait3A_352, %dma_wait3A_353] : memref<8x16x8x64x8x128xf32, #tpu.memory_space<hbm>> -> memref<1x1x1x64x2x128xf32, #tpu.memory_space<hbm>>
      %dma_wait3A_355 = tpu.memref_squeeze %dma_wait3A_354 : memref<1x1x1x64x2x128xf32, #tpu.memory_space<hbm>> -> memref<64x2x128xf32, #tpu.memory_space<hbm>>
      tpu.wait_dma2 semaphore(%arg23 : memref<!tpu.dma_semaphore, #tpu.memory_space<semaphore_mem>>) src(%dma_wait3A_355 : memref<64x2x128xf32, #tpu.memory_space<hbm>>) dst(%arg15 : memref<64x2x128xf32, #tpu.memory_space<vmem>>)
      %mul3A_356 = arith.constant 2 : i32
      %mul3A_357 = arith.muli %select_n3A_324, %mul3A_356 : i32
      %add3A_358 = arith.constant 0 : i32
      %add3A_359 = arith.addi %mul3A_357, %add3A_358 : i32
      %ge3A = arith.constant 1 : i32
      %ge3A_360 = arith.cmpi sge, %mul3A_201, %ge3A : i32
      %convert_element_type3A_361 = arith.extui %ge3A_360 : i1 to i32
      %cond3A_362 = arith.constant 0 : i32
      %cond3A_363 = arith.cmpi ne, %convert_element_type3A_361, %cond3A_362 : i32
      scf.if %cond3A_363 {
        %dma_wait3A_784 = arith.constant 0 : i32
        %dma_wait3A_785 = arith.constant 0 : i32
        %dma_wait3A_786 = arith.constant 0 : i32
        %dma_wait3A_787 = arith.constant 0 : i32
        %dma_wait3A_788 = arith.constant 0 : i32
        %dma_wait3A_789 = arith.constant 0 : i32
        %dma_wait3A_790 = tpu.memref_slice %arg6[%dma_wait3A_784, %dma_wait3A_785, %dma_wait3A_786, %dma_wait3A_788, %dma_wait3A_787, %dma_wait3A_789] : memref<8x16x8x48x8x128xf32, #tpu.memory_space<hbm>> -> memref<1x1x1x48x1x128xf32, #tpu.memory_space<hbm>>
        %dma_wait3A_791 = tpu.memref_squeeze %dma_wait3A_790 : memref<1x1x1x48x1x128xf32, #tpu.memory_space<hbm>> -> memref<48x128xf32, #tpu.memory_space<hbm>>
        %dma_wait3A_792 = arith.constant 0 : i32
        %dma_wait3A_793 = arith.constant 0 : i32
        %dma_wait3A_794 = tpu.memref_slice %arg6[%dma_wait3A_784, %dma_wait3A_785, %dma_wait3A_786, %dma_wait3A_792, %dma_wait3A_787, %dma_wait3A_793] : memref<8x16x8x48x8x128xf32, #tpu.memory_space<hbm>> -> memref<1x1x1x48x1x128xf32, #tpu.memory_space<hbm>>
        %dma_wait3A_795 = tpu.memref_squeeze %dma_wait3A_794 : memref<1x1x1x48x1x128xf32, #tpu.memory_space<hbm>> -> memref<48x128xf32, #tpu.memory_space<hbm>>
        tpu.wait_dma2 semaphore(%arg25 : memref<!tpu.dma_semaphore, #tpu.memory_space<semaphore_mem>>) src(%arg17 : memref<64x128xf32, #tpu.memory_space<vmem>>) dst(%dma_wait3A_795 : memref<48x128xf32, #tpu.memory_space<hbm>>)
        %dma_wait3A_796 = arith.constant 0 : i32
        %dma_wait3A_797 = arith.constant 0 : i32
        %dma_wait3A_798 = arith.constant 0 : i32
        %dma_wait3A_799 = arith.constant 0 : i32
        %dma_wait3A_800 = arith.constant 0 : i32
        %dma_wait3A_801 = arith.constant 0 : i32
        %dma_wait3A_802 = tpu.memref_slice %arg8[%dma_wait3A_796, %dma_wait3A_797, %dma_wait3A_798, %dma_wait3A_800, %dma_wait3A_799, %dma_wait3A_801] : memref<8x16x8x16x8x128xf32, #tpu.memory_space<hbm>> -> memref<1x1x1x16x1x128xf32, #tpu.memory_space<hbm>>
        %dma_wait3A_803 = tpu.memref_squeeze %dma_wait3A_802 : memref<1x1x1x16x1x128xf32, #tpu.memory_space<hbm>> -> memref<16x128xf32, #tpu.memory_space<hbm>>
        %dma_wait3A_804 = arith.constant 0 : i32
        %dma_wait3A_805 = arith.constant 0 : i32
        %dma_wait3A_806 = tpu.memref_slice %arg8[%dma_wait3A_796, %dma_wait3A_797, %dma_wait3A_798, %dma_wait3A_804, %dma_wait3A_799, %dma_wait3A_805] : memref<8x16x8x16x8x128xf32, #tpu.memory_space<hbm>> -> memref<1x1x1x16x1x128xf32, #tpu.memory_space<hbm>>
        %dma_wait3A_807 = tpu.memref_squeeze %dma_wait3A_806 : memref<1x1x1x16x1x128xf32, #tpu.memory_space<hbm>> -> memref<16x128xf32, #tpu.memory_space<hbm>>
        tpu.wait_dma2 semaphore(%arg25 : memref<!tpu.dma_semaphore, #tpu.memory_space<semaphore_mem>>) src(%arg17 : memref<64x128xf32, #tpu.memory_space<vmem>>) dst(%dma_wait3A_807 : memref<16x128xf32, #tpu.memory_space<hbm>>)
        %dma_wait3A_808 = arith.constant 0 : i32
        %dma_wait3A_809 = arith.constant 0 : i32
        %dma_wait3A_810 = arith.constant 0 : i32
        %dma_wait3A_811 = arith.constant 0 : i32
        %dma_wait3A_812 = arith.constant 0 : i32
        %dma_wait3A_813 = arith.constant 0 : i32
        %dma_wait3A_814 = tpu.memref_slice %arg6[%dma_wait3A_808, %dma_wait3A_809, %dma_wait3A_810, %dma_wait3A_812, %dma_wait3A_811, %dma_wait3A_813] : memref<8x16x8x48x8x128xf32, #tpu.memory_space<hbm>> -> memref<1x1x1x48x1x128xf32, #tpu.memory_space<hbm>>
        %dma_wait3A_815 = tpu.memref_squeeze %dma_wait3A_814 : memref<1x1x1x48x1x128xf32, #tpu.memory_space<hbm>> -> memref<48x128xf32, #tpu.memory_space<hbm>>
        %dma_wait3A_816 = arith.constant 0 : i32
        %dma_wait3A_817 = arith.constant 0 : i32
        %dma_wait3A_818 = tpu.memref_slice %arg6[%dma_wait3A_808, %dma_wait3A_809, %dma_wait3A_810, %dma_wait3A_816, %dma_wait3A_811, %dma_wait3A_817] : memref<8x16x8x48x8x128xf32, #tpu.memory_space<hbm>> -> memref<1x1x1x48x1x128xf32, #tpu.memory_space<hbm>>
        %dma_wait3A_819 = tpu.memref_squeeze %dma_wait3A_818 : memref<1x1x1x48x1x128xf32, #tpu.memory_space<hbm>> -> memref<48x128xf32, #tpu.memory_space<hbm>>
        tpu.wait_dma2 semaphore(%arg25 : memref<!tpu.dma_semaphore, #tpu.memory_space<semaphore_mem>>) src(%arg19 : memref<64x128xf32, #tpu.memory_space<vmem>>) dst(%dma_wait3A_819 : memref<48x128xf32, #tpu.memory_space<hbm>>)
        %dma_wait3A_820 = arith.constant 0 : i32
        %dma_wait3A_821 = arith.constant 0 : i32
        %dma_wait3A_822 = arith.constant 0 : i32
        %dma_wait3A_823 = arith.constant 0 : i32
        %dma_wait3A_824 = arith.constant 0 : i32
        %dma_wait3A_825 = arith.constant 0 : i32
        %dma_wait3A_826 = tpu.memref_slice %arg8[%dma_wait3A_820, %dma_wait3A_821, %dma_wait3A_822, %dma_wait3A_824, %dma_wait3A_823, %dma_wait3A_825] : memref<8x16x8x16x8x128xf32, #tpu.memory_space<hbm>> -> memref<1x1x1x16x1x128xf32, #tpu.memory_space<hbm>>
        %dma_wait3A_827 = tpu.memref_squeeze %dma_wait3A_826 : memref<1x1x1x16x1x128xf32, #tpu.memory_space<hbm>> -> memref<16x128xf32, #tpu.memory_space<hbm>>
        %dma_wait3A_828 = arith.constant 0 : i32
        %dma_wait3A_829 = arith.constant 0 : i32
        %dma_wait3A_830 = tpu.memref_slice %arg8[%dma_wait3A_820, %dma_wait3A_821, %dma_wait3A_822, %dma_wait3A_828, %dma_wait3A_823, %dma_wait3A_829] : memref<8x16x8x16x8x128xf32, #tpu.memory_space<hbm>> -> memref<1x1x1x16x1x128xf32, #tpu.memory_space<hbm>>
        %dma_wait3A_831 = tpu.memref_squeeze %dma_wait3A_830 : memref<1x1x1x16x1x128xf32, #tpu.memory_space<hbm>> -> memref<16x128xf32, #tpu.memory_space<hbm>>
        tpu.wait_dma2 semaphore(%arg25 : memref<!tpu.dma_semaphore, #tpu.memory_space<semaphore_mem>>) src(%arg19 : memref<64x128xf32, #tpu.memory_space<vmem>>) dst(%dma_wait3A_831 : memref<16x128xf32, #tpu.memory_space<hbm>>)
      } else {
      }
      %parallel_loop3A = arith.constant 0 : i32
      %parallel_loop3A_364 = arith.constant 8192 : i32
      %parallel_loop3A_365 = arith.constant 16 : i32
      scf.for %parallel_loop3A_784 = %parallel_loop3A to %parallel_loop3A_364 step %parallel_loop3A_365  : i32 {
        %parallel_loop3A_785 = arith.index_cast %parallel_loop3A_784 : i32 to index
        %parallel_loop3A_786 = tpu.vector_load %arg12[%parallel_loop3A_785] {strides = array<i32>} : memref<8192xi32, #tpu.memory_space<vmem>>, vector<16xi32>,
        %parallel_loop3A_787 = arith.constant 7 : i32
        %parallel_loop3A_788 = vector.broadcast %parallel_loop3A_787 : i32 to vector<16xi32>
        %parallel_loop3A_789 = arith.shrsi %parallel_loop3A_786, %parallel_loop3A_788 : vector<16xi32>
        %parallel_loop3A_790 = arith.constant 127 : i32
        %parallel_loop3A_791 = vector.broadcast %parallel_loop3A_790 : i32 to vector<16xi32>
        %parallel_loop3A_792 = arith.andi %parallel_loop3A_786, %parallel_loop3A_791 : vector<16xi32>
        %parallel_loop3A_793 = arith.constant 0 : i32
        %parallel_loop3A_794 = vector.broadcast %parallel_loop3A_793 : i32 to vector<16xi32>
        %parallel_loop3A_795 = arith.constant 128 : i32
        %parallel_loop3A_796 = arith.divsi %parallel_loop3A_784, %parallel_loop3A_795 : i32
        %parallel_loop3A_797 = arith.constant 0 : i32
        %parallel_loop3A_798 = arith.cmpi sgt, %parallel_loop3A_784, %parallel_loop3A_797 : i32
        %parallel_loop3A_799 = arith.extui %parallel_loop3A_798 : i1 to i32
        %parallel_loop3A_800 = arith.constant 0 : i32
        %parallel_loop3A_801 = arith.cmpi slt, %parallel_loop3A_784, %parallel_loop3A_800 : i32
        %parallel_loop3A_802 = arith.extui %parallel_loop3A_801 : i1 to i32
        %parallel_loop3A_803 = arith.subi %parallel_loop3A_799, %parallel_loop3A_802 : i32
        %parallel_loop3A_804 = arith.constant 0 : i32
        %parallel_loop3A_805 = arith.cmpi sgt, %parallel_loop3A_795, %parallel_loop3A_804 : i32
        %parallel_loop3A_806 = arith.extui %parallel_loop3A_805 : i1 to i32
        %parallel_loop3A_807 = arith.constant 0 : i32
        %parallel_loop3A_808 = arith.cmpi slt, %parallel_loop3A_795, %parallel_loop3A_807 : i32
        %parallel_loop3A_809 = arith.extui %parallel_loop3A_808 : i1 to i32
        %parallel_loop3A_810 = arith.subi %parallel_loop3A_806, %parallel_loop3A_809 : i32
        %parallel_loop3A_811 = arith.cmpi ne, %parallel_loop3A_803, %parallel_loop3A_810 : i32
        %parallel_loop3A_812 = arith.remsi %parallel_loop3A_784, %parallel_loop3A_795 : i32
        %parallel_loop3A_813 = arith.constant 0 : i32
        %parallel_loop3A_814 = arith.cmpi ne, %parallel_loop3A_812, %parallel_loop3A_813 : i32
        %parallel_loop3A_815 = arith.andi %parallel_loop3A_811, %parallel_loop3A_814 : i1
        %parallel_loop3A_816 = arith.constant 1 : i32
        %parallel_loop3A_817 = arith.subi %parallel_loop3A_796, %parallel_loop3A_816 : i32
        %parallel_loop3A_818 = arith.select %parallel_loop3A_815, %parallel_loop3A_817, %parallel_loop3A_796 : i32
        %parallel_loop3A_819 = arith.constant 128 : i32
        %parallel_loop3A_820 = arith.constant 0 : i32
        %parallel_loop3A_821 = arith.cmpi eq, %parallel_loop3A_819, %parallel_loop3A_820 : i32
        %parallel_loop3A_822 = arith.constant 1 : i32
        %parallel_loop3A_823 = arith.select %parallel_loop3A_821, %parallel_loop3A_822, %parallel_loop3A_819 : i32
        %parallel_loop3A_824 = arith.remsi %parallel_loop3A_784, %parallel_loop3A_823 : i32
        %parallel_loop3A_825 = arith.constant 0 : i32
        %parallel_loop3A_826 = arith.cmpi ne, %parallel_loop3A_824, %parallel_loop3A_825 : i32
        %parallel_loop3A_827 = arith.constant 0 : i32
        %parallel_loop3A_828 = arith.cmpi slt, %parallel_loop3A_824, %parallel_loop3A_827 : i32
        %parallel_loop3A_829 = arith.constant 0 : i32
        %parallel_loop3A_830 = arith.cmpi slt, %parallel_loop3A_823, %parallel_loop3A_829 : i32
        %parallel_loop3A_831 = arith.xori %parallel_loop3A_828, %parallel_loop3A_830 : i1
        %parallel_loop3A_832 = arith.andi %parallel_loop3A_831, %parallel_loop3A_826 : i1
        %parallel_loop3A_833 = arith.addi %parallel_loop3A_824, %parallel_loop3A_823 : i32
        %parallel_loop3A_834 = arith.select %parallel_loop3A_832, %parallel_loop3A_833, %parallel_loop3A_824 : i32
        %parallel_loop3A_835 = tpu.vector_load_idx %arg13[%parallel_loop3A_789, %parallel_loop3A_794, %parallel_loop3A_792] : memref<64x2x128xf32, #tpu.memory_space<vmem>>[vector<16xi32>, vector<16xi32>, vector<16xi32>], vector<16xf32>,
        %parallel_loop3A_836 = arith.index_cast %parallel_loop3A_818 : i32 to index
        %parallel_loop3A_837 = arith.index_cast %parallel_loop3A_834 : i32 to index
        %parallel_loop3A_838 = tpu.vector_load %arg17[%parallel_loop3A_836, %parallel_loop3A_837] {strides = array<i32>} : memref<64x128xf32, #tpu.memory_space<vmem>>, vector<16xf32>,
        tpu.vector_store %arg17[%parallel_loop3A_836, %parallel_loop3A_837], %parallel_loop3A_835 {strides = array<i32>} : memref<64x128xf32, #tpu.memory_space<vmem>>, vector<16xf32>,
        %parallel_loop3A_839 = tpu.vector_load_idx %arg15[%parallel_loop3A_789, %parallel_loop3A_794, %parallel_loop3A_792] : memref<64x2x128xf32, #tpu.memory_space<vmem>>[vector<16xi32>, vector<16xi32>, vector<16xi32>], vector<16xf32>,
        %parallel_loop3A_840 = arith.index_cast %parallel_loop3A_818 : i32 to index
        %parallel_loop3A_841 = arith.index_cast %parallel_loop3A_834 : i32 to index
        %parallel_loop3A_842 = tpu.vector_load %arg19[%parallel_loop3A_840, %parallel_loop3A_841] {strides = array<i32>} : memref<64x128xf32, #tpu.memory_space<vmem>>, vector<16xf32>,
        tpu.vector_store %arg19[%parallel_loop3A_840, %parallel_loop3A_841], %parallel_loop3A_839 {strides = array<i32>} : memref<64x128xf32, #tpu.memory_space<vmem>>, vector<16xf32>,
      } {sc.loop_unroll_factor = 16 : i64, sc.parallel_access}
      %dma_start3A_366 = arith.constant 0 : i32
      %dma_start3A_367 = arith.constant 0 : i32
      %dma_start3A_368 = tpu.memref_slice %arg17[%dma_start3A_366, %dma_start3A_367] : memref<64x128xf32, #tpu.memory_space<vmem>> -> memref<48x128xf32, #tpu.memory_space<vmem>>
      %dma_start3A_369 = arith.constant 0 : i32
      %dma_start3A_370 = arith.constant 0 : i32
      %dma_start3A_371 = tpu.memref_slice %arg6[%select_n3A_268, %select_n3A_284, %select_n3A_308, %dma_start3A_369, %add3A_359, %dma_start3A_370] : memref<8x16x8x48x8x128xf32, #tpu.memory_space<hbm>> -> memref<1x1x1x48x1x128xf32, #tpu.memory_space<hbm>>
      %dma_start3A_372 = tpu.memref_squeeze %dma_start3A_371 : memref<1x1x1x48x1x128xf32, #tpu.memory_space<hbm>> -> memref<48x128xf32, #tpu.memory_space<hbm>>
      %dma_start3A_373 = arith.constant 0 : i32
      %dma_start3A_374 = arith.constant 0 : i32
      %dma_start3A_375 = tpu.memref_slice %arg6[%select_n3A_268, %select_n3A_284, %select_n3A_308, %dma_start3A_373, %add3A_359, %dma_start3A_374] : memref<8x16x8x48x8x128xf32, #tpu.memory_space<hbm>> -> memref<1x1x1x48x1x128xf32, #tpu.memory_space<hbm>>
      %dma_start3A_376 = tpu.memref_squeeze %dma_start3A_375 : memref<1x1x1x48x1x128xf32, #tpu.memory_space<hbm>> -> memref<48x128xf32, #tpu.memory_space<hbm>>
      %dma_start3A_377 = arith.constant 0 : i32
      %dma_start3A_378 = arith.constant 0 : i32
      %dma_start3A_379 = tpu.memref_slice %arg17[%dma_start3A_377, %dma_start3A_378] : memref<64x128xf32, #tpu.memory_space<vmem>> -> memref<48x128xf32, #tpu.memory_space<vmem>>
      tpu.enqueue_dma source(%dma_start3A_379 : memref<48x128xf32, #tpu.memory_space<vmem>>) target(%dma_start3A_376 : memref<48x128xf32, #tpu.memory_space<hbm>>) target_semaphore(%arg25 : memref<!tpu.dma_semaphore, #tpu.memory_space<semaphore_mem>>)
      %dma_start3A_380 = arith.constant 48 : i32
      %dma_start3A_381 = arith.constant 0 : i32
      %dma_start3A_382 = tpu.memref_slice %arg17[%dma_start3A_380, %dma_start3A_381] : memref<64x128xf32, #tpu.memory_space<vmem>> -> memref<16x128xf32, #tpu.memory_space<vmem>>
      %dma_start3A_383 = arith.constant 0 : i32
      %dma_start3A_384 = arith.constant 0 : i32
      %dma_start3A_385 = tpu.memref_slice %arg8[%select_n3A_268, %select_n3A_284, %select_n3A_308, %dma_start3A_383, %add3A_359, %dma_start3A_384] : memref<8x16x8x16x8x128xf32, #tpu.memory_space<hbm>> -> memref<1x1x1x16x1x128xf32, #tpu.memory_space<hbm>>
      %dma_start3A_386 = tpu.memref_squeeze %dma_start3A_385 : memref<1x1x1x16x1x128xf32, #tpu.memory_space<hbm>> -> memref<16x128xf32, #tpu.memory_space<hbm>>
      %dma_start3A_387 = arith.constant 0 : i32
      %dma_start3A_388 = arith.constant 0 : i32
      %dma_start3A_389 = tpu.memref_slice %arg8[%select_n3A_268, %select_n3A_284, %select_n3A_308, %dma_start3A_387, %add3A_359, %dma_start3A_388] : memref<8x16x8x16x8x128xf32, #tpu.memory_space<hbm>> -> memref<1x1x1x16x1x128xf32, #tpu.memory_space<hbm>>
      %dma_start3A_390 = tpu.memref_squeeze %dma_start3A_389 : memref<1x1x1x16x1x128xf32, #tpu.memory_space<hbm>> -> memref<16x128xf32, #tpu.memory_space<hbm>>
      %dma_start3A_391 = arith.constant 48 : i32
      %dma_start3A_392 = arith.constant 0 : i32
      %dma_start3A_393 = tpu.memref_slice %arg17[%dma_start3A_391, %dma_start3A_392] : memref<64x128xf32, #tpu.memory_space<vmem>> -> memref<16x128xf32, #tpu.memory_space<vmem>>
      tpu.enqueue_dma source(%dma_start3A_393 : memref<16x128xf32, #tpu.memory_space<vmem>>) target(%dma_start3A_390 : memref<16x128xf32, #tpu.memory_space<hbm>>) target_semaphore(%arg25 : memref<!tpu.dma_semaphore, #tpu.memory_space<semaphore_mem>>)
      %dma_start3A_394 = arith.constant 0 : i32
      %dma_start3A_395 = arith.constant 0 : i32
      %dma_start3A_396 = tpu.memref_slice %arg19[%dma_start3A_394, %dma_start3A_395] : memref<64x128xf32, #tpu.memory_space<vmem>> -> memref<48x128xf32, #tpu.memory_space<vmem>>
      %dma_start3A_397 = arith.constant 0 : i32
      %dma_start3A_398 = arith.constant 0 : i32
      %dma_start3A_399 = tpu.memref_slice %arg7[%select_n3A_268, %select_n3A_284, %select_n3A_308, %dma_start3A_397, %add3A_359, %dma_start3A_398] : memref<8x16x8x48x8x128xf32, #tpu.memory_space<hbm>> -> memref<1x1x1x48x1x128xf32, #tpu.memory_space<hbm>>
      %dma_start3A_400 = tpu.memref_squeeze %dma_start3A_399 : memref<1x1x1x48x1x128xf32, #tpu.memory_space<hbm>> -> memref<48x128xf32, #tpu.memory_space<hbm>>
      %dma_start3A_401 = arith.constant 0 : i32
      %dma_start3A_402 = arith.constant 0 : i32
      %dma_start3A_403 = tpu.memref_slice %arg7[%select_n3A_268, %select_n3A_284, %select_n3A_308, %dma_start3A_401, %add3A_359, %dma_start3A_402] : memref<8x16x8x48x8x128xf32, #tpu.memory_space<hbm>> -> memref<1x1x1x48x1x128xf32, #tpu.memory_space<hbm>>
      %dma_start3A_404 = tpu.memref_squeeze %dma_start3A_403 : memref<1x1x1x48x1x128xf32, #tpu.memory_space<hbm>> -> memref<48x128xf32, #tpu.memory_space<hbm>>
      %dma_start3A_405 = arith.constant 0 : i32
      %dma_start3A_406 = arith.constant 0 : i32
      %dma_start3A_407 = tpu.memref_slice %arg19[%dma_start3A_405, %dma_start3A_406] : memref<64x128xf32, #tpu.memory_space<vmem>> -> memref<48x128xf32, #tpu.memory_space<vmem>>
      tpu.enqueue_dma source(%dma_start3A_407 : memref<48x128xf32, #tpu.memory_space<vmem>>) target(%dma_start3A_404 : memref<48x128xf32, #tpu.memory_space<hbm>>) target_semaphore(%arg25 : memref<!tpu.dma_semaphore, #tpu.memory_space<semaphore_mem>>)
      %dma_start3A_408 = arith.constant 48 : i32
      %dma_start3A_409 = arith.constant 0 : i32
      %dma_start3A_410 = tpu.memref_slice %arg19[%dma_start3A_408, %dma_start3A_409] : memref<64x128xf32, #tpu.memory_space<vmem>> -> memref<16x128xf32, #tpu.memory_space<vmem>>
      %dma_start3A_411 = arith.constant 0 : i32
      %dma_start3A_412 = arith.constant 0 : i32
      %dma_start3A_413 = tpu.memref_slice %arg9[%select_n3A_268, %select_n3A_284, %select_n3A_308, %dma_start3A_411, %add3A_359, %dma_start3A_412] : memref<8x16x8x16x8x128xf32, #tpu.memory_space<hbm>> -> memref<1x1x1x16x1x128xf32, #tpu.memory_space<hbm>>
      %dma_start3A_414 = tpu.memref_squeeze %dma_start3A_413 : memref<1x1x1x16x1x128xf32, #tpu.memory_space<hbm>> -> memref<16x128xf32, #tpu.memory_space<hbm>>
      %dma_start3A_415 = arith.constant 0 : i32
      %dma_start3A_416 = arith.constant 0 : i32
      %dma_start3A_417 = tpu.memref_slice %arg9[%select_n3A_268, %select_n3A_284, %select_n3A_308, %dma_start3A_415, %add3A_359, %dma_start3A_416] : memref<8x16x8x16x8x128xf32, #tpu.memory_space<hbm>> -> memref<1x1x1x16x1x128xf32, #tpu.memory_space<hbm>>
      %dma_start3A_418 = tpu.memref_squeeze %dma_start3A_417 : memref<1x1x1x16x1x128xf32, #tpu.memory_space<hbm>> -> memref<16x128xf32, #tpu.memory_space<hbm>>
      %dma_start3A_419 = arith.constant 48 : i32
      %dma_start3A_420 = arith.constant 0 : i32
      %dma_start3A_421 = tpu.memref_slice %arg19[%dma_start3A_419, %dma_start3A_420] : memref<64x128xf32, #tpu.memory_space<vmem>> -> memref<16x128xf32, #tpu.memory_space<vmem>>
      tpu.enqueue_dma source(%dma_start3A_421 : memref<16x128xf32, #tpu.memory_space<vmem>>) target(%dma_start3A_418 : memref<16x128xf32, #tpu.memory_space<hbm>>) target_semaphore(%arg25 : memref<!tpu.dma_semaphore, #tpu.memory_space<semaphore_mem>>)
      %mul3A_422 = arith.constant 2 : i32
      %mul3A_423 = arith.muli %select_n3A_324, %mul3A_422 : i32
      %add3A_424 = arith.constant 1 : i32
      %add3A_425 = arith.addi %mul3A_423, %add3A_424 : i32
      %ge3A_426 = arith.constant 1 : i32
      %ge3A_427 = arith.cmpi sge, %mul3A_201, %ge3A_426 : i32
      %convert_element_type3A_428 = arith.extui %ge3A_427 : i1 to i32
      %cond3A_429 = arith.constant 0 : i32
      %cond3A_430 = arith.cmpi ne, %convert_element_type3A_428, %cond3A_429 : i32
      scf.if %cond3A_430 {
        %dma_wait3A_784 = arith.constant 0 : i32
        %dma_wait3A_785 = arith.constant 0 : i32
        %dma_wait3A_786 = arith.constant 0 : i32
        %dma_wait3A_787 = arith.constant 0 : i32
        %dma_wait3A_788 = arith.constant 0 : i32
        %dma_wait3A_789 = arith.constant 0 : i32
        %dma_wait3A_790 = tpu.memref_slice %arg6[%dma_wait3A_784, %dma_wait3A_785, %dma_wait3A_786, %dma_wait3A_788, %dma_wait3A_787, %dma_wait3A_789] : memref<8x16x8x48x8x128xf32, #tpu.memory_space<hbm>> -> memref<1x1x1x48x1x128xf32, #tpu.memory_space<hbm>>
        %dma_wait3A_791 = tpu.memref_squeeze %dma_wait3A_790 : memref<1x1x1x48x1x128xf32, #tpu.memory_space<hbm>> -> memref<48x128xf32, #tpu.memory_space<hbm>>
        %dma_wait3A_792 = arith.constant 0 : i32
        %dma_wait3A_793 = arith.constant 0 : i32
        %dma_wait3A_794 = tpu.memref_slice %arg6[%dma_wait3A_784, %dma_wait3A_785, %dma_wait3A_786, %dma_wait3A_792, %dma_wait3A_787, %dma_wait3A_793] : memref<8x16x8x48x8x128xf32, #tpu.memory_space<hbm>> -> memref<1x1x1x48x1x128xf32, #tpu.memory_space<hbm>>
        %dma_wait3A_795 = tpu.memref_squeeze %dma_wait3A_794 : memref<1x1x1x48x1x128xf32, #tpu.memory_space<hbm>> -> memref<48x128xf32, #tpu.memory_space<hbm>>
        tpu.wait_dma2 semaphore(%arg26 : memref<!tpu.dma_semaphore, #tpu.memory_space<semaphore_mem>>) src(%arg18 : memref<64x128xf32, #tpu.memory_space<vmem>>) dst(%dma_wait3A_795 : memref<48x128xf32, #tpu.memory_space<hbm>>)
        %dma_wait3A_796 = arith.constant 0 : i32
        %dma_wait3A_797 = arith.constant 0 : i32
        %dma_wait3A_798 = arith.constant 0 : i32
        %dma_wait3A_799 = arith.constant 0 : i32
        %dma_wait3A_800 = arith.constant 0 : i32
        %dma_wait3A_801 = arith.constant 0 : i32
        %dma_wait3A_802 = tpu.memref_slice %arg8[%dma_wait3A_796, %dma_wait3A_797, %dma_wait3A_798, %dma_wait3A_800, %dma_wait3A_799, %dma_wait3A_801] : memref<8x16x8x16x8x128xf32, #tpu.memory_space<hbm>> -> memref<1x1x1x16x1x128xf32, #tpu.memory_space<hbm>>
        %dma_wait3A_803 = tpu.memref_squeeze %dma_wait3A_802 : memref<1x1x1x16x1x128xf32, #tpu.memory_space<hbm>> -> memref<16x128xf32, #tpu.memory_space<hbm>>
        %dma_wait3A_804 = arith.constant 0 : i32
        %dma_wait3A_805 = arith.constant 0 : i32
        %dma_wait3A_806 = tpu.memref_slice %arg8[%dma_wait3A_796, %dma_wait3A_797, %dma_wait3A_798, %dma_wait3A_804, %dma_wait3A_799, %dma_wait3A_805] : memref<8x16x8x16x8x128xf32, #tpu.memory_space<hbm>> -> memref<1x1x1x16x1x128xf32, #tpu.memory_space<hbm>>
        %dma_wait3A_807 = tpu.memref_squeeze %dma_wait3A_806 : memref<1x1x1x16x1x128xf32, #tpu.memory_space<hbm>> -> memref<16x128xf32, #tpu.memory_space<hbm>>
        tpu.wait_dma2 semaphore(%arg26 : memref<!tpu.dma_semaphore, #tpu.memory_space<semaphore_mem>>) src(%arg18 : memref<64x128xf32, #tpu.memory_space<vmem>>) dst(%dma_wait3A_807 : memref<16x128xf32, #tpu.memory_space<hbm>>)
        %dma_wait3A_808 = arith.constant 0 : i32
        %dma_wait3A_809 = arith.constant 0 : i32
        %dma_wait3A_810 = arith.constant 0 : i32
        %dma_wait3A_811 = arith.constant 0 : i32
        %dma_wait3A_812 = arith.constant 0 : i32
        %dma_wait3A_813 = arith.constant 0 : i32
        %dma_wait3A_814 = tpu.memref_slice %arg6[%dma_wait3A_808, %dma_wait3A_809, %dma_wait3A_810, %dma_wait3A_812, %dma_wait3A_811, %dma_wait3A_813] : memref<8x16x8x48x8x128xf32, #tpu.memory_space<hbm>> -> memref<1x1x1x48x1x128xf32, #tpu.memory_space<hbm>>
        %dma_wait3A_815 = tpu.memref_squeeze %dma_wait3A_814 : memref<1x1x1x48x1x128xf32, #tpu.memory_space<hbm>> -> memref<48x128xf32, #tpu.memory_space<hbm>>
        %dma_wait3A_816 = arith.constant 0 : i32
        %dma_wait3A_817 = arith.constant 0 : i32
        %dma_wait3A_818 = tpu.memref_slice %arg6[%dma_wait3A_808, %dma_wait3A_809, %dma_wait3A_810, %dma_wait3A_816, %dma_wait3A_811, %dma_wait3A_817] : memref<8x16x8x48x8x128xf32, #tpu.memory_space<hbm>> -> memref<1x1x1x48x1x128xf32, #tpu.memory_space<hbm>>
        %dma_wait3A_819 = tpu.memref_squeeze %dma_wait3A_818 : memref<1x1x1x48x1x128xf32, #tpu.memory_space<hbm>> -> memref<48x128xf32, #tpu.memory_space<hbm>>
        tpu.wait_dma2 semaphore(%arg26 : memref<!tpu.dma_semaphore, #tpu.memory_space<semaphore_mem>>) src(%arg20 : memref<64x128xf32, #tpu.memory_space<vmem>>) dst(%dma_wait3A_819 : memref<48x128xf32, #tpu.memory_space<hbm>>)
        %dma_wait3A_820 = arith.constant 0 : i32
        %dma_wait3A_821 = arith.constant 0 : i32
        %dma_wait3A_822 = arith.constant 0 : i32
        %dma_wait3A_823 = arith.constant 0 : i32
        %dma_wait3A_824 = arith.constant 0 : i32
        %dma_wait3A_825 = arith.constant 0 : i32
        %dma_wait3A_826 = tpu.memref_slice %arg8[%dma_wait3A_820, %dma_wait3A_821, %dma_wait3A_822, %dma_wait3A_824, %dma_wait3A_823, %dma_wait3A_825] : memref<8x16x8x16x8x128xf32, #tpu.memory_space<hbm>> -> memref<1x1x1x16x1x128xf32, #tpu.memory_space<hbm>>
        %dma_wait3A_827 = tpu.memref_squeeze %dma_wait3A_826 : memref<1x1x1x16x1x128xf32, #tpu.memory_space<hbm>> -> memref<16x128xf32, #tpu.memory_space<hbm>>
        %dma_wait3A_828 = arith.constant 0 : i32
        %dma_wait3A_829 = arith.constant 0 : i32
        %dma_wait3A_830 = tpu.memref_slice %arg8[%dma_wait3A_820, %dma_wait3A_821, %dma_wait3A_822, %dma_wait3A_828, %dma_wait3A_823, %dma_wait3A_829] : memref<8x16x8x16x8x128xf32, #tpu.memory_space<hbm>> -> memref<1x1x1x16x1x128xf32, #tpu.memory_space<hbm>>
        %dma_wait3A_831 = tpu.memref_squeeze %dma_wait3A_830 : memref<1x1x1x16x1x128xf32, #tpu.memory_space<hbm>> -> memref<16x128xf32, #tpu.memory_space<hbm>>
        tpu.wait_dma2 semaphore(%arg26 : memref<!tpu.dma_semaphore, #tpu.memory_space<semaphore_mem>>) src(%arg20 : memref<64x128xf32, #tpu.memory_space<vmem>>) dst(%dma_wait3A_831 : memref<16x128xf32, #tpu.memory_space<hbm>>)
      } else {
      }
      %parallel_loop3A_431 = arith.constant 0 : i32
      %parallel_loop3A_432 = arith.constant 8192 : i32
      %parallel_loop3A_433 = arith.constant 16 : i32
      scf.for %parallel_loop3A_784 = %parallel_loop3A_431 to %parallel_loop3A_432 step %parallel_loop3A_433  : i32 {
        %parallel_loop3A_785 = arith.index_cast %parallel_loop3A_784 : i32 to index
        %parallel_loop3A_786 = tpu.vector_load %arg12[%parallel_loop3A_785] {strides = array<i32>} : memref<8192xi32, #tpu.memory_space<vmem>>, vector<16xi32>,
        %parallel_loop3A_787 = arith.constant 7 : i32
        %parallel_loop3A_788 = vector.broadcast %parallel_loop3A_787 : i32 to vector<16xi32>
        %parallel_loop3A_789 = arith.shrsi %parallel_loop3A_786, %parallel_loop3A_788 : vector<16xi32>
        %parallel_loop3A_790 = arith.constant 127 : i32
        %parallel_loop3A_791 = vector.broadcast %parallel_loop3A_790 : i32 to vector<16xi32>
        %parallel_loop3A_792 = arith.andi %parallel_loop3A_786, %parallel_loop3A_791 : vector<16xi32>
        %parallel_loop3A_793 = arith.constant 1 : i32
        %parallel_loop3A_794 = vector.broadcast %parallel_loop3A_793 : i32 to vector<16xi32>
        %parallel_loop3A_795 = arith.constant 128 : i32
        %parallel_loop3A_796 = arith.divsi %parallel_loop3A_784, %parallel_loop3A_795 : i32
        %parallel_loop3A_797 = arith.constant 0 : i32
        %parallel_loop3A_798 = arith.cmpi sgt, %parallel_loop3A_784, %parallel_loop3A_797 : i32
        %parallel_loop3A_799 = arith.extui %parallel_loop3A_798 : i1 to i32
        %parallel_loop3A_800 = arith.constant 0 : i32
        %parallel_loop3A_801 = arith.cmpi slt, %parallel_loop3A_784, %parallel_loop3A_800 : i32
        %parallel_loop3A_802 = arith.extui %parallel_loop3A_801 : i1 to i32
        %parallel_loop3A_803 = arith.subi %parallel_loop3A_799, %parallel_loop3A_802 : i32
        %parallel_loop3A_804 = arith.constant 0 : i32
        %parallel_loop3A_805 = arith.cmpi sgt, %parallel_loop3A_795, %parallel_loop3A_804 : i32
        %parallel_loop3A_806 = arith.extui %parallel_loop3A_805 : i1 to i32
        %parallel_loop3A_807 = arith.constant 0 : i32
        %parallel_loop3A_808 = arith.cmpi slt, %parallel_loop3A_795, %parallel_loop3A_807 : i32
        %parallel_loop3A_809 = arith.extui %parallel_loop3A_808 : i1 to i32
        %parallel_loop3A_810 = arith.subi %parallel_loop3A_806, %parallel_loop3A_809 : i32
        %parallel_loop3A_811 = arith.cmpi ne, %parallel_loop3A_803, %parallel_loop3A_810 : i32
        %parallel_loop3A_812 = arith.remsi %parallel_loop3A_784, %parallel_loop3A_795 : i32
        %parallel_loop3A_813 = arith.constant 0 : i32
        %parallel_loop3A_814 = arith.cmpi ne, %parallel_loop3A_812, %parallel_loop3A_813 : i32
        %parallel_loop3A_815 = arith.andi %parallel_loop3A_811, %parallel_loop3A_814 : i1
        %parallel_loop3A_816 = arith.constant 1 : i32
        %parallel_loop3A_817 = arith.subi %parallel_loop3A_796, %parallel_loop3A_816 : i32
        %parallel_loop3A_818 = arith.select %parallel_loop3A_815, %parallel_loop3A_817, %parallel_loop3A_796 : i32
        %parallel_loop3A_819 = arith.constant 128 : i32
        %parallel_loop3A_820 = arith.constant 0 : i32
        %parallel_loop3A_821 = arith.cmpi eq, %parallel_loop3A_819, %parallel_loop3A_820 : i32
        %parallel_loop3A_822 = arith.constant 1 : i32
        %parallel_loop3A_823 = arith.select %parallel_loop3A_821, %parallel_loop3A_822, %parallel_loop3A_819 : i32
        %parallel_loop3A_824 = arith.remsi %parallel_loop3A_784, %parallel_loop3A_823 : i32
        %parallel_loop3A_825 = arith.constant 0 : i32
        %parallel_loop3A_826 = arith.cmpi ne, %parallel_loop3A_824, %parallel_loop3A_825 : i32
        %parallel_loop3A_827 = arith.constant 0 : i32
        %parallel_loop3A_828 = arith.cmpi slt, %parallel_loop3A_824, %parallel_loop3A_827 : i32
        %parallel_loop3A_829 = arith.constant 0 : i32
        %parallel_loop3A_830 = arith.cmpi slt, %parallel_loop3A_823, %parallel_loop3A_829 : i32
        %parallel_loop3A_831 = arith.xori %parallel_loop3A_828, %parallel_loop3A_830 : i1
        %parallel_loop3A_832 = arith.andi %parallel_loop3A_831, %parallel_loop3A_826 : i1
        %parallel_loop3A_833 = arith.addi %parallel_loop3A_824, %parallel_loop3A_823 : i32
        %parallel_loop3A_834 = arith.select %parallel_loop3A_832, %parallel_loop3A_833, %parallel_loop3A_824 : i32
        %parallel_loop3A_835 = tpu.vector_load_idx %arg13[%parallel_loop3A_789, %parallel_loop3A_794, %parallel_loop3A_792] : memref<64x2x128xf32, #tpu.memory_space<vmem>>[vector<16xi32>, vector<16xi32>, vector<16xi32>], vector<16xf32>,
        %parallel_loop3A_836 = arith.index_cast %parallel_loop3A_818 : i32 to index
        %parallel_loop3A_837 = arith.index_cast %parallel_loop3A_834 : i32 to index
        %parallel_loop3A_838 = tpu.vector_load %arg18[%parallel_loop3A_836, %parallel_loop3A_837] {strides = array<i32>} : memref<64x128xf32, #tpu.memory_space<vmem>>, vector<16xf32>,
        tpu.vector_store %arg18[%parallel_loop3A_836, %parallel_loop3A_837], %parallel_loop3A_835 {strides = array<i32>} : memref<64x128xf32, #tpu.memory_space<vmem>>, vector<16xf32>,
        %parallel_loop3A_839 = tpu.vector_load_idx %arg15[%parallel_loop3A_789, %parallel_loop3A_794, %parallel_loop3A_792] : memref<64x2x128xf32, #tpu.memory_space<vmem>>[vector<16xi32>, vector<16xi32>, vector<16xi32>], vector<16xf32>,
        %parallel_loop3A_840 = arith.index_cast %parallel_loop3A_818 : i32 to index
        %parallel_loop3A_841 = arith.index_cast %parallel_loop3A_834 : i32 to index
        %parallel_loop3A_842 = tpu.vector_load %arg20[%parallel_loop3A_840, %parallel_loop3A_841] {strides = array<i32>} : memref<64x128xf32, #tpu.memory_space<vmem>>, vector<16xf32>,
        tpu.vector_store %arg20[%parallel_loop3A_840, %parallel_loop3A_841], %parallel_loop3A_839 {strides = array<i32>} : memref<64x128xf32, #tpu.memory_space<vmem>>, vector<16xf32>,
      } {sc.loop_unroll_factor = 16 : i64, sc.parallel_access}
      %dma_start3A_434 = arith.constant 0 : i32
      %dma_start3A_435 = arith.constant 0 : i32
      %dma_start3A_436 = tpu.memref_slice %arg18[%dma_start3A_434, %dma_start3A_435] : memref<64x128xf32, #tpu.memory_space<vmem>> -> memref<48x128xf32, #tpu.memory_space<vmem>>
      %dma_start3A_437 = arith.constant 0 : i32
      %dma_start3A_438 = arith.constant 0 : i32
      %dma_start3A_439 = tpu.memref_slice %arg6[%select_n3A_268, %select_n3A_284, %select_n3A_308, %dma_start3A_437, %add3A_425, %dma_start3A_438] : memref<8x16x8x48x8x128xf32, #tpu.memory_space<hbm>> -> memref<1x1x1x48x1x128xf32, #tpu.memory_space<hbm>>
      %dma_start3A_440 = tpu.memref_squeeze %dma_start3A_439 : memref<1x1x1x48x1x128xf32, #tpu.memory_space<hbm>> -> memref<48x128xf32, #tpu.memory_space<hbm>>
      %dma_start3A_441 = arith.constant 0 : i32
      %dma_start3A_442 = arith.constant 0 : i32
      %dma_start3A_443 = tpu.memref_slice %arg6[%select_n3A_268, %select_n3A_284, %select_n3A_308, %dma_start3A_441, %add3A_425, %dma_start3A_442] : memref<8x16x8x48x8x128xf32, #tpu.memory_space<hbm>> -> memref<1x1x1x48x1x128xf32, #tpu.memory_space<hbm>>
      %dma_start3A_444 = tpu.memref_squeeze %dma_start3A_443 : memref<1x1x1x48x1x128xf32, #tpu.memory_space<hbm>> -> memref<48x128xf32, #tpu.memory_space<hbm>>
      %dma_start3A_445 = arith.constant 0 : i32
      %dma_start3A_446 = arith.constant 0 : i32
      %dma_start3A_447 = tpu.memref_slice %arg18[%dma_start3A_445, %dma_start3A_446] : memref<64x128xf32, #tpu.memory_space<vmem>> -> memref<48x128xf32, #tpu.memory_space<vmem>>
      tpu.enqueue_dma source(%dma_start3A_447 : memref<48x128xf32, #tpu.memory_space<vmem>>) target(%dma_start3A_444 : memref<48x128xf32, #tpu.memory_space<hbm>>) target_semaphore(%arg26 : memref<!tpu.dma_semaphore, #tpu.memory_space<semaphore_mem>>)
      %dma_start3A_448 = arith.constant 48 : i32
      %dma_start3A_449 = arith.constant 0 : i32
      %dma_start3A_450 = tpu.memref_slice %arg18[%dma_start3A_448, %dma_start3A_449] : memref<64x128xf32, #tpu.memory_space<vmem>> -> memref<16x128xf32, #tpu.memory_space<vmem>>
      %dma_start3A_451 = arith.constant 0 : i32
      %dma_start3A_452 = arith.constant 0 : i32
      %dma_start3A_453 = tpu.memref_slice %arg8[%select_n3A_268, %select_n3A_284, %select_n3A_308, %dma_start3A_451, %add3A_425, %dma_start3A_452] : memref<8x16x8x16x8x128xf32, #tpu.memory_space<hbm>> -> memref<1x1x1x16x1x128xf32, #tpu.memory_space<hbm>>
      %dma_start3A_454 = tpu.memref_squeeze %dma_start3A_453 : memref<1x1x1x16x1x128xf32, #tpu.memory_space<hbm>> -> memref<16x128xf32, #tpu.memory_space<hbm>>
      %dma_start3A_455 = arith.constant 0 : i32
      %dma_start3A_456 = arith.constant 0 : i32
      %dma_start3A_457 = tpu.memref_slice %arg8[%select_n3A_268, %select_n3A_284, %select_n3A_308, %dma_start3A_455, %add3A_425, %dma_start3A_456] : memref<8x16x8x16x8x128xf32, #tpu.memory_space<hbm>> -> memref<1x1x1x16x1x128xf32, #tpu.memory_space<hbm>>
      %dma_start3A_458 = tpu.memref_squeeze %dma_start3A_457 : memref<1x1x1x16x1x128xf32, #tpu.memory_space<hbm>> -> memref<16x128xf32, #tpu.memory_space<hbm>>
      %dma_start3A_459 = arith.constant 48 : i32
      %dma_start3A_460 = arith.constant 0 : i32
      %dma_start3A_461 = tpu.memref_slice %arg18[%dma_start3A_459, %dma_start3A_460] : memref<64x128xf32, #tpu.memory_space<vmem>> -> memref<16x128xf32, #tpu.memory_space<vmem>>
      tpu.enqueue_dma source(%dma_start3A_461 : memref<16x128xf32, #tpu.memory_space<vmem>>) target(%dma_start3A_458 : memref<16x128xf32, #tpu.memory_space<hbm>>) target_semaphore(%arg26 : memref<!tpu.dma_semaphore, #tpu.memory_space<semaphore_mem>>)
      %dma_start3A_462 = arith.constant 0 : i32
      %dma_start3A_463 = arith.constant 0 : i32
      %dma_start3A_464 = tpu.memref_slice %arg20[%dma_start3A_462, %dma_start3A_463] : memref<64x128xf32, #tpu.memory_space<vmem>> -> memref<48x128xf32, #tpu.memory_space<vmem>>
      %dma_start3A_465 = arith.constant 0 : i32
      %dma_start3A_466 = arith.constant 0 : i32
      %dma_start3A_467 = tpu.memref_slice %arg7[%select_n3A_268, %select_n3A_284, %select_n3A_308, %dma_start3A_465, %add3A_425, %dma_start3A_466] : memref<8x16x8x48x8x128xf32, #tpu.memory_space<hbm>> -> memref<1x1x1x48x1x128xf32, #tpu.memory_space<hbm>>
      %dma_start3A_468 = tpu.memref_squeeze %dma_start3A_467 : memref<1x1x1x48x1x128xf32, #tpu.memory_space<hbm>> -> memref<48x128xf32, #tpu.memory_space<hbm>>
      %dma_start3A_469 = arith.constant 0 : i32
      %dma_start3A_470 = arith.constant 0 : i32
      %dma_start3A_471 = tpu.memref_slice %arg7[%select_n3A_268, %select_n3A_284, %select_n3A_308, %dma_start3A_469, %add3A_425, %dma_start3A_470] : memref<8x16x8x48x8x128xf32, #tpu.memory_space<hbm>> -> memref<1x1x1x48x1x128xf32, #tpu.memory_space<hbm>>
      %dma_start3A_472 = tpu.memref_squeeze %dma_start3A_471 : memref<1x1x1x48x1x128xf32, #tpu.memory_space<hbm>> -> memref<48x128xf32, #tpu.memory_space<hbm>>
      %dma_start3A_473 = arith.constant 0 : i32
      %dma_start3A_474 = arith.constant 0 : i32
      %dma_start3A_475 = tpu.memref_slice %arg20[%dma_start3A_473, %dma_start3A_474] : memref<64x128xf32, #tpu.memory_space<vmem>> -> memref<48x128xf32, #tpu.memory_space<vmem>>
      tpu.enqueue_dma source(%dma_start3A_475 : memref<48x128xf32, #tpu.memory_space<vmem>>) target(%dma_start3A_472 : memref<48x128xf32, #tpu.memory_space<hbm>>) target_semaphore(%arg26 : memref<!tpu.dma_semaphore, #tpu.memory_space<semaphore_mem>>)
      %dma_start3A_476 = arith.constant 48 : i32
      %dma_start3A_477 = arith.constant 0 : i32
      %dma_start3A_478 = tpu.memref_slice %arg20[%dma_start3A_476, %dma_start3A_477] : memref<64x128xf32, #tpu.memory_space<vmem>> -> memref<16x128xf32, #tpu.memory_space<vmem>>
      %dma_start3A_479 = arith.constant 0 : i32
      %dma_start3A_480 = arith.constant 0 : i32
      %dma_start3A_481 = tpu.memref_slice %arg9[%select_n3A_268, %select_n3A_284, %select_n3A_308, %dma_start3A_479, %add3A_425, %dma_start3A_480] : memref<8x16x8x16x8x128xf32, #tpu.memory_space<hbm>> -> memref<1x1x1x16x1x128xf32, #tpu.memory_space<hbm>>
      %dma_start3A_482 = tpu.memref_squeeze %dma_start3A_481 : memref<1x1x1x16x1x128xf32, #tpu.memory_space<hbm>> -> memref<16x128xf32, #tpu.memory_space<hbm>>
      %dma_start3A_483 = arith.constant 0 : i32
      %dma_start3A_484 = arith.constant 0 : i32
      %dma_start3A_485 = tpu.memref_slice %arg9[%select_n3A_268, %select_n3A_284, %select_n3A_308, %dma_start3A_483, %add3A_425, %dma_start3A_484] : memref<8x16x8x16x8x128xf32, #tpu.memory_space<hbm>> -> memref<1x1x1x16x1x128xf32, #tpu.memory_space<hbm>>
      %dma_start3A_486 = tpu.memref_squeeze %dma_start3A_485 : memref<1x1x1x16x1x128xf32, #tpu.memory_space<hbm>> -> memref<16x128xf32, #tpu.memory_space<hbm>>
      %dma_start3A_487 = arith.constant 48 : i32
      %dma_start3A_488 = arith.constant 0 : i32
      %dma_start3A_489 = tpu.memref_slice %arg20[%dma_start3A_487, %dma_start3A_488] : memref<64x128xf32, #tpu.memory_space<vmem>> -> memref<16x128xf32, #tpu.memory_space<vmem>>
      tpu.enqueue_dma source(%dma_start3A_489 : memref<16x128xf32, #tpu.memory_space<vmem>>) target(%dma_start3A_486 : memref<16x128xf32, #tpu.memory_space<hbm>>) target_semaphore(%arg26 : memref<!tpu.dma_semaphore, #tpu.memory_space<semaphore_mem>>)
      %mul3A_490 = arith.constant 2 : i32
      %mul3A_491 = arith.muli %scan3A_199, %mul3A_490 : i32
      %add3A_492 = arith.constant 1 : i32
      %add3A_493 = arith.addi %mul3A_491, %add3A_492 : i32
      %jit3A_494 = arith.constant 32 : i32
      %div3A_495 = arith.divsi %add3A_493, %jit3A_494 : i32
      %sign3A_496 = arith.constant 0 : i32
      %sign3A_497 = arith.cmpi sgt, %add3A_493, %sign3A_496 : i32
      %sign3A_498 = arith.extui %sign3A_497 : i1 to i32
      %sign3A_499 = arith.constant 0 : i32
      %sign3A_500 = arith.cmpi slt, %add3A_493, %sign3A_499 : i32
      %sign3A_501 = arith.extui %sign3A_500 : i1 to i32
      %sign3A_502 = arith.subi %sign3A_498, %sign3A_501 : i32
      %sign3A_503 = arith.constant 0 : i32
      %sign3A_504 = arith.cmpi sgt, %jit3A_494, %sign3A_503 : i32
      %sign3A_505 = arith.extui %sign3A_504 : i1 to i32
      %sign3A_506 = arith.constant 0 : i32
      %sign3A_507 = arith.cmpi slt, %jit3A_494, %sign3A_506 : i32
      %sign3A_508 = arith.extui %sign3A_507 : i1 to i32
      %sign3A_509 = arith.subi %sign3A_505, %sign3A_508 : i32
      %ne3A_510 = arith.cmpi ne, %sign3A_502, %sign3A_509 : i32
      %rem3A_511 = arith.remsi %add3A_493, %jit3A_494 : i32
      %ne3A_512 = arith.constant 0 : i32
      %ne3A_513 = arith.cmpi ne, %rem3A_511, %ne3A_512 : i32
      %and3A_514 = arith.andi %ne3A_510, %ne3A_513 : i1
      %sub3A_515 = arith.constant 1 : i32
      %sub3A_516 = arith.subi %div3A_495, %sub3A_515 : i32
      %select_n3A_517 = arith.select %and3A_514, %sub3A_516, %div3A_495 : i32
      %jit3A_518 = arith.constant 32 : i32
      %eq3A_519 = arith.constant 0 : i32
      %eq3A_520 = arith.cmpi eq, %jit3A_518, %eq3A_519 : i32
      %jit3A_521 = arith.constant 1 : i32
      %select_n3A_522 = arith.select %eq3A_520, %jit3A_521, %jit3A_518 : i32
      %rem3A_523 = arith.remsi %add3A_493, %select_n3A_522 : i32
      %ne3A_524 = arith.constant 0 : i32
      %ne3A_525 = arith.cmpi ne, %rem3A_523, %ne3A_524 : i32
      %lt3A_526 = arith.constant 0 : i32
      %lt3A_527 = arith.cmpi slt, %rem3A_523, %lt3A_526 : i32
      %lt3A_528 = arith.constant 0 : i32
      %lt3A_529 = arith.cmpi slt, %select_n3A_522, %lt3A_528 : i32
      %ne3A_530 = arith.xori %lt3A_527, %lt3A_529 : i1
      %and3A_531 = arith.andi %ne3A_530, %ne3A_525 : i1
      %add3A_532 = arith.addi %rem3A_523, %select_n3A_522 : i32
      %select_n3A_533 = arith.select %and3A_531, %add3A_532, %rem3A_523 : i32
      %mul3A_534 = arith.constant 4 : i32
      %mul3A_535 = arith.muli %add3A, %mul3A_534 : i32
      %add3A_536 = arith.addi %mul3A_535, %select_n3A_517 : i32
      %jit3A_537 = arith.constant 16 : i32
      %div3A_538 = arith.divsi %add3A_536, %jit3A_537 : i32
      %sign3A_539 = arith.constant 0 : i32
      %sign3A_540 = arith.cmpi sgt, %add3A_536, %sign3A_539 : i32
      %sign3A_541 = arith.extui %sign3A_540 : i1 to i32
      %sign3A_542 = arith.constant 0 : i32
      %sign3A_543 = arith.cmpi slt, %add3A_536, %sign3A_542 : i32
      %sign3A_544 = arith.extui %sign3A_543 : i1 to i32
      %sign3A_545 = arith.subi %sign3A_541, %sign3A_544 : i32
      %sign3A_546 = arith.constant 0 : i32
      %sign3A_547 = arith.cmpi sgt, %jit3A_537, %sign3A_546 : i32
      %sign3A_548 = arith.extui %sign3A_547 : i1 to i32
      %sign3A_549 = arith.constant 0 : i32
      %sign3A_550 = arith.cmpi slt, %jit3A_537, %sign3A_549 : i32
      %sign3A_551 = arith.extui %sign3A_550 : i1 to i32
      %sign3A_552 = arith.subi %sign3A_548, %sign3A_551 : i32
      %ne3A_553 = arith.cmpi ne, %sign3A_545, %sign3A_552 : i32
      %rem3A_554 = arith.remsi %add3A_536, %jit3A_537 : i32
      %ne3A_555 = arith.constant 0 : i32
      %ne3A_556 = arith.cmpi ne, %rem3A_554, %ne3A_555 : i32
      %and3A_557 = arith.andi %ne3A_553, %ne3A_556 : i1
      %sub3A_558 = arith.constant 1 : i32
      %sub3A_559 = arith.subi %div3A_538, %sub3A_558 : i32
      %select_n3A_560 = arith.select %and3A_557, %sub3A_559, %div3A_538 : i32
      %jit3A_561 = arith.constant 16 : i32
      %eq3A_562 = arith.constant 0 : i32
      %eq3A_563 = arith.cmpi eq, %jit3A_561, %eq3A_562 : i32
      %jit3A_564 = arith.constant 1 : i32
      %select_n3A_565 = arith.select %eq3A_563, %jit3A_564, %jit3A_561 : i32
      %rem3A_566 = arith.remsi %add3A_536, %select_n3A_565 : i32
      %ne3A_567 = arith.constant 0 : i32
      %ne3A_568 = arith.cmpi ne, %rem3A_566, %ne3A_567 : i32
      %lt3A_569 = arith.constant 0 : i32
      %lt3A_570 = arith.cmpi slt, %rem3A_566, %lt3A_569 : i32
      %lt3A_571 = arith.constant 0 : i32
      %lt3A_572 = arith.cmpi slt, %select_n3A_565, %lt3A_571 : i32
      %ne3A_573 = arith.xori %lt3A_570, %lt3A_572 : i1
      %and3A_574 = arith.andi %ne3A_573, %ne3A_568 : i1
      %add3A_575 = arith.addi %rem3A_566, %select_n3A_565 : i32
      %select_n3A_576 = arith.select %and3A_574, %add3A_575, %rem3A_566 : i32
      %jit3A_577 = arith.constant 4 : i32
      %div3A_578 = arith.divsi %select_n3A_533, %jit3A_577 : i32
      %sign3A_579 = arith.constant 0 : i32
      %sign3A_580 = arith.cmpi sgt, %select_n3A_533, %sign3A_579 : i32
      %sign3A_581 = arith.extui %sign3A_580 : i1 to i32
      %sign3A_582 = arith.constant 0 : i32
      %sign3A_583 = arith.cmpi slt, %select_n3A_533, %sign3A_582 : i32
      %sign3A_584 = arith.extui %sign3A_583 : i1 to i32
      %sign3A_585 = arith.subi %sign3A_581, %sign3A_584 : i32
      %sign3A_586 = arith.constant 0 : i32
      %sign3A_587 = arith.cmpi sgt, %jit3A_577, %sign3A_586 : i32
      %sign3A_588 = arith.extui %sign3A_587 : i1 to i32
      %sign3A_589 = arith.constant 0 : i32
      %sign3A_590 = arith.cmpi slt, %jit3A_577, %sign3A_589 : i32
      %sign3A_591 = arith.extui %sign3A_590 : i1 to i32
      %sign3A_592 = arith.subi %sign3A_588, %sign3A_591 : i32
      %ne3A_593 = arith.cmpi ne, %sign3A_585, %sign3A_592 : i32
      %rem3A_594 = arith.remsi %select_n3A_533, %jit3A_577 : i32
      %ne3A_595 = arith.constant 0 : i32
      %ne3A_596 = arith.cmpi ne, %rem3A_594, %ne3A_595 : i32
      %and3A_597 = arith.andi %ne3A_593, %ne3A_596 : i1
      %sub3A_598 = arith.constant 1 : i32
      %sub3A_599 = arith.subi %div3A_578, %sub3A_598 : i32
      %select_n3A_600 = arith.select %and3A_597, %sub3A_599, %div3A_578 : i32
      %jit3A_601 = arith.constant 4 : i32
      %eq3A_602 = arith.constant 0 : i32
      %eq3A_603 = arith.cmpi eq, %jit3A_601, %eq3A_602 : i32
      %jit3A_604 = arith.constant 1 : i32
      %select_n3A_605 = arith.select %eq3A_603, %jit3A_604, %jit3A_601 : i32
      %rem3A_606 = arith.remsi %select_n3A_533, %select_n3A_605 : i32
      %ne3A_607 = arith.constant 0 : i32
      %ne3A_608 = arith.cmpi ne, %rem3A_606, %ne3A_607 : i32
      %lt3A_609 = arith.constant 0 : i32
      %lt3A_610 = arith.cmpi slt, %rem3A_606, %lt3A_609 : i32
      %lt3A_611 = arith.constant 0 : i32
      %lt3A_612 = arith.cmpi slt, %select_n3A_605, %lt3A_611 : i32
      %ne3A_613 = arith.xori %lt3A_610, %lt3A_612 : i1
      %and3A_614 = arith.andi %ne3A_613, %ne3A_608 : i1
      %add3A_615 = arith.addi %rem3A_606, %select_n3A_605 : i32
      %select_n3A_616 = arith.select %and3A_614, %add3A_615, %rem3A_606 : i32
      %lt3A_617 = arith.constant 127 : i32
      %lt3A_618 = arith.cmpi slt, %add3A_493, %lt3A_617 : i32
      %convert_element_type3A_619 = arith.extui %lt3A_618 : i1 to i32
      %cond3A_620 = arith.constant 0 : i32
      %cond3A_621 = arith.cmpi ne, %convert_element_type3A_619, %cond3A_620 : i32
      scf.if %cond3A_621 {
        %add3A_784 = arith.constant 1 : i32
        %add3A_785 = arith.addi %add3A_493, %add3A_784 : i32
        %jit3A_786 = arith.constant 32 : i32
        %div3A_787 = arith.divsi %add3A_785, %jit3A_786 : i32
        %sign3A_788 = arith.constant 0 : i32
        %sign3A_789 = arith.cmpi sgt, %add3A_785, %sign3A_788 : i32
        %sign3A_790 = arith.extui %sign3A_789 : i1 to i32
        %sign3A_791 = arith.constant 0 : i32
        %sign3A_792 = arith.cmpi slt, %add3A_785, %sign3A_791 : i32
        %sign3A_793 = arith.extui %sign3A_792 : i1 to i32
        %sign3A_794 = arith.subi %sign3A_790, %sign3A_793 : i32
        %sign3A_795 = arith.constant 0 : i32
        %sign3A_796 = arith.cmpi sgt, %jit3A_786, %sign3A_795 : i32
        %sign3A_797 = arith.extui %sign3A_796 : i1 to i32
        %sign3A_798 = arith.constant 0 : i32
        %sign3A_799 = arith.cmpi slt, %jit3A_786, %sign3A_798 : i32
        %sign3A_800 = arith.extui %sign3A_799 : i1 to i32
        %sign3A_801 = arith.subi %sign3A_797, %sign3A_800 : i32
        %ne3A_802 = arith.cmpi ne, %sign3A_794, %sign3A_801 : i32
        %rem3A_803 = arith.remsi %add3A_785, %jit3A_786 : i32
        %ne3A_804 = arith.constant 0 : i32
        %ne3A_805 = arith.cmpi ne, %rem3A_803, %ne3A_804 : i32
        %and3A_806 = arith.andi %ne3A_802, %ne3A_805 : i1
        %sub3A_807 = arith.constant 1 : i32
        %sub3A_808 = arith.subi %div3A_787, %sub3A_807 : i32
        %select_n3A_809 = arith.select %and3A_806, %sub3A_808, %div3A_787 : i32
        %jit3A_810 = arith.constant 32 : i32
        %eq3A_811 = arith.constant 0 : i32
        %eq3A_812 = arith.cmpi eq, %jit3A_810, %eq3A_811 : i32
        %jit3A_813 = arith.constant 1 : i32
        %select_n3A_814 = arith.select %eq3A_812, %jit3A_813, %jit3A_810 : i32
        %rem3A_815 = arith.remsi %add3A_785, %select_n3A_814 : i32
        %ne3A_816 = arith.constant 0 : i32
        %ne3A_817 = arith.cmpi ne, %rem3A_815, %ne3A_816 : i32
        %lt3A_818 = arith.constant 0 : i32
        %lt3A_819 = arith.cmpi slt, %rem3A_815, %lt3A_818 : i32
        %lt3A_820 = arith.constant 0 : i32
        %lt3A_821 = arith.cmpi slt, %select_n3A_814, %lt3A_820 : i32
        %ne3A_822 = arith.xori %lt3A_819, %lt3A_821 : i1
        %and3A_823 = arith.andi %ne3A_822, %ne3A_817 : i1
        %add3A_824 = arith.addi %rem3A_815, %select_n3A_814 : i32
        %select_n3A_825 = arith.select %and3A_823, %add3A_824, %rem3A_815 : i32
        %mul3A_826 = arith.constant 4 : i32
        %mul3A_827 = arith.muli %add3A, %mul3A_826 : i32
        %add3A_828 = arith.addi %mul3A_827, %select_n3A_809 : i32
        %jit3A_829 = arith.constant 16 : i32
        %div3A_830 = arith.divsi %add3A_828, %jit3A_829 : i32
        %sign3A_831 = arith.constant 0 : i32
        %sign3A_832 = arith.cmpi sgt, %add3A_828, %sign3A_831 : i32
        %sign3A_833 = arith.extui %sign3A_832 : i1 to i32
        %sign3A_834 = arith.constant 0 : i32
        %sign3A_835 = arith.cmpi slt, %add3A_828, %sign3A_834 : i32
        %sign3A_836 = arith.extui %sign3A_835 : i1 to i32
        %sign3A_837 = arith.subi %sign3A_833, %sign3A_836 : i32
        %sign3A_838 = arith.constant 0 : i32
        %sign3A_839 = arith.cmpi sgt, %jit3A_829, %sign3A_838 : i32
        %sign3A_840 = arith.extui %sign3A_839 : i1 to i32
        %sign3A_841 = arith.constant 0 : i32
        %sign3A_842 = arith.cmpi slt, %jit3A_829, %sign3A_841 : i32
        %sign3A_843 = arith.extui %sign3A_842 : i1 to i32
        %sign3A_844 = arith.subi %sign3A_840, %sign3A_843 : i32
        %ne3A_845 = arith.cmpi ne, %sign3A_837, %sign3A_844 : i32
        %rem3A_846 = arith.remsi %add3A_828, %jit3A_829 : i32
        %ne3A_847 = arith.constant 0 : i32
        %ne3A_848 = arith.cmpi ne, %rem3A_846, %ne3A_847 : i32
        %and3A_849 = arith.andi %ne3A_845, %ne3A_848 : i1
        %sub3A_850 = arith.constant 1 : i32
        %sub3A_851 = arith.subi %div3A_830, %sub3A_850 : i32
        %select_n3A_852 = arith.select %and3A_849, %sub3A_851, %div3A_830 : i32
        %jit3A_853 = arith.constant 16 : i32
        %eq3A_854 = arith.constant 0 : i32
        %eq3A_855 = arith.cmpi eq, %jit3A_853, %eq3A_854 : i32
        %jit3A_856 = arith.constant 1 : i32
        %select_n3A_857 = arith.select %eq3A_855, %jit3A_856, %jit3A_853 : i32
        %rem3A_858 = arith.remsi %add3A_828, %select_n3A_857 : i32
        %ne3A_859 = arith.constant 0 : i32
        %ne3A_860 = arith.cmpi ne, %rem3A_858, %ne3A_859 : i32
        %lt3A_861 = arith.constant 0 : i32
        %lt3A_862 = arith.cmpi slt, %rem3A_858, %lt3A_861 : i32
        %lt3A_863 = arith.constant 0 : i32
        %lt3A_864 = arith.cmpi slt, %select_n3A_857, %lt3A_863 : i32
        %ne3A_865 = arith.xori %lt3A_862, %lt3A_864 : i1
        %and3A_866 = arith.andi %ne3A_865, %ne3A_860 : i1
        %add3A_867 = arith.addi %rem3A_858, %select_n3A_857 : i32
        %select_n3A_868 = arith.select %and3A_866, %add3A_867, %rem3A_858 : i32
        %jit3A_869 = arith.constant 4 : i32
        %div3A_870 = arith.divsi %select_n3A_825, %jit3A_869 : i32
        %sign3A_871 = arith.constant 0 : i32
        %sign3A_872 = arith.cmpi sgt, %select_n3A_825, %sign3A_871 : i32
        %sign3A_873 = arith.extui %sign3A_872 : i1 to i32
        %sign3A_874 = arith.constant 0 : i32
        %sign3A_875 = arith.cmpi slt, %select_n3A_825, %sign3A_874 : i32
        %sign3A_876 = arith.extui %sign3A_875 : i1 to i32
        %sign3A_877 = arith.subi %sign3A_873, %sign3A_876 : i32
        %sign3A_878 = arith.constant 0 : i32
        %sign3A_879 = arith.cmpi sgt, %jit3A_869, %sign3A_878 : i32
        %sign3A_880 = arith.extui %sign3A_879 : i1 to i32
        %sign3A_881 = arith.constant 0 : i32
        %sign3A_882 = arith.cmpi slt, %jit3A_869, %sign3A_881 : i32
        %sign3A_883 = arith.extui %sign3A_882 : i1 to i32
        %sign3A_884 = arith.subi %sign3A_880, %sign3A_883 : i32
        %ne3A_885 = arith.cmpi ne, %sign3A_877, %sign3A_884 : i32
        %rem3A_886 = arith.remsi %select_n3A_825, %jit3A_869 : i32
        %ne3A_887 = arith.constant 0 : i32
        %ne3A_888 = arith.cmpi ne, %rem3A_886, %ne3A_887 : i32
        %and3A_889 = arith.andi %ne3A_885, %ne3A_888 : i1
        %sub3A_890 = arith.constant 1 : i32
        %sub3A_891 = arith.subi %div3A_870, %sub3A_890 : i32
        %select_n3A_892 = arith.select %and3A_889, %sub3A_891, %div3A_870 : i32
        %jit3A_893 = arith.constant 4 : i32
        %eq3A_894 = arith.constant 0 : i32
        %eq3A_895 = arith.cmpi eq, %jit3A_893, %eq3A_894 : i32
        %jit3A_896 = arith.constant 1 : i32
        %select_n3A_897 = arith.select %eq3A_895, %jit3A_896, %jit3A_893 : i32
        %rem3A_898 = arith.remsi %select_n3A_825, %select_n3A_897 : i32
        %ne3A_899 = arith.constant 0 : i32
        %ne3A_900 = arith.cmpi ne, %rem3A_898, %ne3A_899 : i32
        %lt3A_901 = arith.constant 0 : i32
        %lt3A_902 = arith.cmpi slt, %rem3A_898, %lt3A_901 : i32
        %lt3A_903 = arith.constant 0 : i32
        %lt3A_904 = arith.cmpi slt, %select_n3A_897, %lt3A_903 : i32
        %ne3A_905 = arith.xori %lt3A_902, %lt3A_904 : i1
        %and3A_906 = arith.andi %ne3A_905, %ne3A_900 : i1
        %add3A_907 = arith.addi %rem3A_898, %select_n3A_897 : i32
        %select_n3A_908 = arith.select %and3A_906, %add3A_907, %rem3A_898 : i32
        %mul3A_909 = arith.constant 2 : i32
        %mul3A_910 = arith.muli %select_n3A_908, %mul3A_909 : i32
        %dma_start3A_911 = arith.constant 0 : i32
        %dma_start3A_912 = arith.constant 0 : i32
        %dma_start3A_913 = tpu.memref_slice %arg2[%select_n3A_852, %select_n3A_868, %select_n3A_892, %dma_start3A_911, %mul3A_910, %dma_start3A_912] : memref<8x16x8x64x8x128xf32, #tpu.memory_space<hbm>> -> memref<1x1x1x64x2x128xf32, #tpu.memory_space<hbm>>
        %dma_start3A_914 = tpu.memref_squeeze %dma_start3A_913 : memref<1x1x1x64x2x128xf32, #tpu.memory_space<hbm>> -> memref<64x2x128xf32, #tpu.memory_space<hbm>>
        %dma_start3A_915 = arith.constant 0 : i32
        %dma_start3A_916 = arith.constant 0 : i32
        %dma_start3A_917 = tpu.memref_slice %arg2[%select_n3A_852, %select_n3A_868, %select_n3A_892, %dma_start3A_915, %mul3A_910, %dma_start3A_916] : memref<8x16x8x64x8x128xf32, #tpu.memory_space<hbm>> -> memref<1x1x1x64x2x128xf32, #tpu.memory_space<hbm>>
        %dma_start3A_918 = tpu.memref_squeeze %dma_start3A_917 : memref<1x1x1x64x2x128xf32, #tpu.memory_space<hbm>> -> memref<64x2x128xf32, #tpu.memory_space<hbm>>
        tpu.enqueue_dma source(%dma_start3A_918 : memref<64x2x128xf32, #tpu.memory_space<hbm>>) target(%arg13 : memref<64x2x128xf32, #tpu.memory_space<vmem>>) target_semaphore(%arg23 : memref<!tpu.dma_semaphore, #tpu.memory_space<semaphore_mem>>)
        %mul3A_919 = arith.constant 2 : i32
        %mul3A_920 = arith.muli %select_n3A_908, %mul3A_919 : i32
        %dma_start3A_921 = arith.constant 0 : i32
        %dma_start3A_922 = arith.constant 0 : i32
        %dma_start3A_923 = tpu.memref_slice %arg3[%select_n3A_852, %select_n3A_868, %select_n3A_892, %dma_start3A_921, %mul3A_920, %dma_start3A_922] : memref<8x16x8x64x8x128xf32, #tpu.memory_space<hbm>> -> memref<1x1x1x64x2x128xf32, #tpu.memory_space<hbm>>
        %dma_start3A_924 = tpu.memref_squeeze %dma_start3A_923 : memref<1x1x1x64x2x128xf32, #tpu.memory_space<hbm>> -> memref<64x2x128xf32, #tpu.memory_space<hbm>>
        %dma_start3A_925 = arith.constant 0 : i32
        %dma_start3A_926 = arith.constant 0 : i32
        %dma_start3A_927 = tpu.memref_slice %arg3[%select_n3A_852, %select_n3A_868, %select_n3A_892, %dma_start3A_925, %mul3A_920, %dma_start3A_926] : memref<8x16x8x64x8x128xf32, #tpu.memory_space<hbm>> -> memref<1x1x1x64x2x128xf32, #tpu.memory_space<hbm>>
        %dma_start3A_928 = tpu.memref_squeeze %dma_start3A_927 : memref<1x1x1x64x2x128xf32, #tpu.memory_space<hbm>> -> memref<64x2x128xf32, #tpu.memory_space<hbm>>
        tpu.enqueue_dma source(%dma_start3A_928 : memref<64x2x128xf32, #tpu.memory_space<hbm>>) target(%arg15 : memref<64x2x128xf32, #tpu.memory_space<vmem>>) target_semaphore(%arg23 : memref<!tpu.dma_semaphore, #tpu.memory_space<semaphore_mem>>)
      } else {
      }
      %dma_wait3A_622 = arith.constant 0 : i32
      %dma_wait3A_623 = arith.constant 0 : i32
      %dma_wait3A_624 = arith.constant 0 : i32
      %dma_wait3A_625 = arith.constant 0 : i32
      %dma_wait3A_626 = arith.constant 0 : i32
      %dma_wait3A_627 = arith.constant 0 : i32
      %dma_wait3A_628 = tpu.memref_slice %arg2[%dma_wait3A_622, %dma_wait3A_623, %dma_wait3A_624, %dma_wait3A_625, %dma_wait3A_626, %dma_wait3A_627] : memref<8x16x8x64x8x128xf32, #tpu.memory_space<hbm>> -> memref<1x1x1x64x2x128xf32, #tpu.memory_space<hbm>>
      %dma_wait3A_629 = tpu.memref_squeeze %dma_wait3A_628 : memref<1x1x1x64x2x128xf32, #tpu.memory_space<hbm>> -> memref<64x2x128xf32, #tpu.memory_space<hbm>>
      %dma_wait3A_630 = arith.constant 0 : i32
      %dma_wait3A_631 = arith.constant 0 : i32
      %dma_wait3A_632 = arith.constant 0 : i32
      %dma_wait3A_633 = tpu.memref_slice %arg2[%dma_wait3A_622, %dma_wait3A_623, %dma_wait3A_624, %dma_wait3A_630, %dma_wait3A_631, %dma_wait3A_632] : memref<8x16x8x64x8x128xf32, #tpu.memory_space<hbm>> -> memref<1x1x1x64x2x128xf32, #tpu.memory_space<hbm>>
      %dma_wait3A_634 = tpu.memref_squeeze %dma_wait3A_633 : memref<1x1x1x64x2x128xf32, #tpu.memory_space<hbm>> -> memref<64x2x128xf32, #tpu.memory_space<hbm>>
      tpu.wait_dma2 semaphore(%arg24 : memref<!tpu.dma_semaphore, #tpu.memory_space<semaphore_mem>>) src(%dma_wait3A_634 : memref<64x2x128xf32, #tpu.memory_space<hbm>>) dst(%arg14 : memref<64x2x128xf32, #tpu.memory_space<vmem>>)
      %dma_wait3A_635 = arith.constant 0 : i32
      %dma_wait3A_636 = arith.constant 0 : i32
      %dma_wait3A_637 = arith.constant 0 : i32
      %dma_wait3A_638 = arith.constant 0 : i32
      %dma_wait3A_639 = arith.constant 0 : i32
      %dma_wait3A_640 = arith.constant 0 : i32
      %dma_wait3A_641 = tpu.memref_slice %arg2[%dma_wait3A_635, %dma_wait3A_636, %dma_wait3A_637, %dma_wait3A_638, %dma_wait3A_639, %dma_wait3A_640] : memref<8x16x8x64x8x128xf32, #tpu.memory_space<hbm>> -> memref<1x1x1x64x2x128xf32, #tpu.memory_space<hbm>>
      %dma_wait3A_642 = tpu.memref_squeeze %dma_wait3A_641 : memref<1x1x1x64x2x128xf32, #tpu.memory_space<hbm>> -> memref<64x2x128xf32, #tpu.memory_space<hbm>>
      %dma_wait3A_643 = arith.constant 0 : i32
      %dma_wait3A_644 = arith.constant 0 : i32
      %dma_wait3A_645 = arith.constant 0 : i32
      %dma_wait3A_646 = tpu.memref_slice %arg2[%dma_wait3A_635, %dma_wait3A_636, %dma_wait3A_637, %dma_wait3A_643, %dma_wait3A_644, %dma_wait3A_645] : memref<8x16x8x64x8x128xf32, #tpu.memory_space<hbm>> -> memref<1x1x1x64x2x128xf32, #tpu.memory_space<hbm>>
      %dma_wait3A_647 = tpu.memref_squeeze %dma_wait3A_646 : memref<1x1x1x64x2x128xf32, #tpu.memory_space<hbm>> -> memref<64x2x128xf32, #tpu.memory_space<hbm>>
      tpu.wait_dma2 semaphore(%arg24 : memref<!tpu.dma_semaphore, #tpu.memory_space<semaphore_mem>>) src(%dma_wait3A_647 : memref<64x2x128xf32, #tpu.memory_space<hbm>>) dst(%arg16 : memref<64x2x128xf32, #tpu.memory_space<vmem>>)
      %mul3A_648 = arith.constant 2 : i32
      %mul3A_649 = arith.muli %select_n3A_616, %mul3A_648 : i32
      %add3A_650 = arith.constant 0 : i32
      %add3A_651 = arith.addi %mul3A_649, %add3A_650 : i32
      %ge3A_652 = arith.constant 1 : i32
      %ge3A_653 = arith.cmpi sge, %add3A_493, %ge3A_652 : i32
      %convert_element_type3A_654 = arith.extui %ge3A_653 : i1 to i32
      %cond3A_655 = arith.constant 0 : i32
      %cond3A_656 = arith.cmpi ne, %convert_element_type3A_654, %cond3A_655 : i32
      scf.if %cond3A_656 {
        %dma_wait3A_784 = arith.constant 0 : i32
        %dma_wait3A_785 = arith.constant 0 : i32
        %dma_wait3A_786 = arith.constant 0 : i32
        %dma_wait3A_787 = arith.constant 0 : i32
        %dma_wait3A_788 = arith.constant 0 : i32
        %dma_wait3A_789 = arith.constant 0 : i32
        %dma_wait3A_790 = tpu.memref_slice %arg6[%dma_wait3A_784, %dma_wait3A_785, %dma_wait3A_786, %dma_wait3A_788, %dma_wait3A_787, %dma_wait3A_789] : memref<8x16x8x48x8x128xf32, #tpu.memory_space<hbm>> -> memref<1x1x1x48x1x128xf32, #tpu.memory_space<hbm>>
        %dma_wait3A_791 = tpu.memref_squeeze %dma_wait3A_790 : memref<1x1x1x48x1x128xf32, #tpu.memory_space<hbm>> -> memref<48x128xf32, #tpu.memory_space<hbm>>
        %dma_wait3A_792 = arith.constant 0 : i32
        %dma_wait3A_793 = arith.constant 0 : i32
        %dma_wait3A_794 = tpu.memref_slice %arg6[%dma_wait3A_784, %dma_wait3A_785, %dma_wait3A_786, %dma_wait3A_792, %dma_wait3A_787, %dma_wait3A_793] : memref<8x16x8x48x8x128xf32, #tpu.memory_space<hbm>> -> memref<1x1x1x48x1x128xf32, #tpu.memory_space<hbm>>
        %dma_wait3A_795 = tpu.memref_squeeze %dma_wait3A_794 : memref<1x1x1x48x1x128xf32, #tpu.memory_space<hbm>> -> memref<48x128xf32, #tpu.memory_space<hbm>>
        tpu.wait_dma2 semaphore(%arg25 : memref<!tpu.dma_semaphore, #tpu.memory_space<semaphore_mem>>) src(%arg17 : memref<64x128xf32, #tpu.memory_space<vmem>>) dst(%dma_wait3A_795 : memref<48x128xf32, #tpu.memory_space<hbm>>)
        %dma_wait3A_796 = arith.constant 0 : i32
        %dma_wait3A_797 = arith.constant 0 : i32
        %dma_wait3A_798 = arith.constant 0 : i32
        %dma_wait3A_799 = arith.constant 0 : i32
        %dma_wait3A_800 = arith.constant 0 : i32
        %dma_wait3A_801 = arith.constant 0 : i32
        %dma_wait3A_802 = tpu.memref_slice %arg8[%dma_wait3A_796, %dma_wait3A_797, %dma_wait3A_798, %dma_wait3A_800, %dma_wait3A_799, %dma_wait3A_801] : memref<8x16x8x16x8x128xf32, #tpu.memory_space<hbm>> -> memref<1x1x1x16x1x128xf32, #tpu.memory_space<hbm>>
        %dma_wait3A_803 = tpu.memref_squeeze %dma_wait3A_802 : memref<1x1x1x16x1x128xf32, #tpu.memory_space<hbm>> -> memref<16x128xf32, #tpu.memory_space<hbm>>
        %dma_wait3A_804 = arith.constant 0 : i32
        %dma_wait3A_805 = arith.constant 0 : i32
        %dma_wait3A_806 = tpu.memref_slice %arg8[%dma_wait3A_796, %dma_wait3A_797, %dma_wait3A_798, %dma_wait3A_804, %dma_wait3A_799, %dma_wait3A_805] : memref<8x16x8x16x8x128xf32, #tpu.memory_space<hbm>> -> memref<1x1x1x16x1x128xf32, #tpu.memory_space<hbm>>
        %dma_wait3A_807 = tpu.memref_squeeze %dma_wait3A_806 : memref<1x1x1x16x1x128xf32, #tpu.memory_space<hbm>> -> memref<16x128xf32, #tpu.memory_space<hbm>>
        tpu.wait_dma2 semaphore(%arg25 : memref<!tpu.dma_semaphore, #tpu.memory_space<semaphore_mem>>) src(%arg17 : memref<64x128xf32, #tpu.memory_space<vmem>>) dst(%dma_wait3A_807 : memref<16x128xf32, #tpu.memory_space<hbm>>)
        %dma_wait3A_808 = arith.constant 0 : i32
        %dma_wait3A_809 = arith.constant 0 : i32
        %dma_wait3A_810 = arith.constant 0 : i32
        %dma_wait3A_811 = arith.constant 0 : i32
        %dma_wait3A_812 = arith.constant 0 : i32
        %dma_wait3A_813 = arith.constant 0 : i32
        %dma_wait3A_814 = tpu.memref_slice %arg6[%dma_wait3A_808, %dma_wait3A_809, %dma_wait3A_810, %dma_wait3A_812, %dma_wait3A_811, %dma_wait3A_813] : memref<8x16x8x48x8x128xf32, #tpu.memory_space<hbm>> -> memref<1x1x1x48x1x128xf32, #tpu.memory_space<hbm>>
        %dma_wait3A_815 = tpu.memref_squeeze %dma_wait3A_814 : memref<1x1x1x48x1x128xf32, #tpu.memory_space<hbm>> -> memref<48x128xf32, #tpu.memory_space<hbm>>
        %dma_wait3A_816 = arith.constant 0 : i32
        %dma_wait3A_817 = arith.constant 0 : i32
        %dma_wait3A_818 = tpu.memref_slice %arg6[%dma_wait3A_808, %dma_wait3A_809, %dma_wait3A_810, %dma_wait3A_816, %dma_wait3A_811, %dma_wait3A_817] : memref<8x16x8x48x8x128xf32, #tpu.memory_space<hbm>> -> memref<1x1x1x48x1x128xf32, #tpu.memory_space<hbm>>
        %dma_wait3A_819 = tpu.memref_squeeze %dma_wait3A_818 : memref<1x1x1x48x1x128xf32, #tpu.memory_space<hbm>> -> memref<48x128xf32, #tpu.memory_space<hbm>>
        tpu.wait_dma2 semaphore(%arg25 : memref<!tpu.dma_semaphore, #tpu.memory_space<semaphore_mem>>) src(%arg19 : memref<64x128xf32, #tpu.memory_space<vmem>>) dst(%dma_wait3A_819 : memref<48x128xf32, #tpu.memory_space<hbm>>)
        %dma_wait3A_820 = arith.constant 0 : i32
        %dma_wait3A_821 = arith.constant 0 : i32
        %dma_wait3A_822 = arith.constant 0 : i32
        %dma_wait3A_823 = arith.constant 0 : i32
        %dma_wait3A_824 = arith.constant 0 : i32
        %dma_wait3A_825 = arith.constant 0 : i32
        %dma_wait3A_826 = tpu.memref_slice %arg8[%dma_wait3A_820, %dma_wait3A_821, %dma_wait3A_822, %dma_wait3A_824, %dma_wait3A_823, %dma_wait3A_825] : memref<8x16x8x16x8x128xf32, #tpu.memory_space<hbm>> -> memref<1x1x1x16x1x128xf32, #tpu.memory_space<hbm>>
        %dma_wait3A_827 = tpu.memref_squeeze %dma_wait3A_826 : memref<1x1x1x16x1x128xf32, #tpu.memory_space<hbm>> -> memref<16x128xf32, #tpu.memory_space<hbm>>
        %dma_wait3A_828 = arith.constant 0 : i32
        %dma_wait3A_829 = arith.constant 0 : i32
        %dma_wait3A_830 = tpu.memref_slice %arg8[%dma_wait3A_820, %dma_wait3A_821, %dma_wait3A_822, %dma_wait3A_828, %dma_wait3A_823, %dma_wait3A_829] : memref<8x16x8x16x8x128xf32, #tpu.memory_space<hbm>> -> memref<1x1x1x16x1x128xf32, #tpu.memory_space<hbm>>
        %dma_wait3A_831 = tpu.memref_squeeze %dma_wait3A_830 : memref<1x1x1x16x1x128xf32, #tpu.memory_space<hbm>> -> memref<16x128xf32, #tpu.memory_space<hbm>>
        tpu.wait_dma2 semaphore(%arg25 : memref<!tpu.dma_semaphore, #tpu.memory_space<semaphore_mem>>) src(%arg19 : memref<64x128xf32, #tpu.memory_space<vmem>>) dst(%dma_wait3A_831 : memref<16x128xf32, #tpu.memory_space<hbm>>)
      } else {
      }
      %parallel_loop3A_657 = arith.constant 0 : i32
      %parallel_loop3A_658 = arith.constant 8192 : i32
      %parallel_loop3A_659 = arith.constant 16 : i32
      scf.for %parallel_loop3A_784 = %parallel_loop3A_657 to %parallel_loop3A_658 step %parallel_loop3A_659  : i32 {
        %parallel_loop3A_785 = arith.index_cast %parallel_loop3A_784 : i32 to index
        %parallel_loop3A_786 = tpu.vector_load %arg12[%parallel_loop3A_785] {strides = array<i32>} : memref<8192xi32, #tpu.memory_space<vmem>>, vector<16xi32>,
        %parallel_loop3A_787 = arith.constant 7 : i32
        %parallel_loop3A_788 = vector.broadcast %parallel_loop3A_787 : i32 to vector<16xi32>
        %parallel_loop3A_789 = arith.shrsi %parallel_loop3A_786, %parallel_loop3A_788 : vector<16xi32>
        %parallel_loop3A_790 = arith.constant 127 : i32
        %parallel_loop3A_791 = vector.broadcast %parallel_loop3A_790 : i32 to vector<16xi32>
        %parallel_loop3A_792 = arith.andi %parallel_loop3A_786, %parallel_loop3A_791 : vector<16xi32>
        %parallel_loop3A_793 = arith.constant 0 : i32
        %parallel_loop3A_794 = vector.broadcast %parallel_loop3A_793 : i32 to vector<16xi32>
        %parallel_loop3A_795 = arith.constant 128 : i32
        %parallel_loop3A_796 = arith.divsi %parallel_loop3A_784, %parallel_loop3A_795 : i32
        %parallel_loop3A_797 = arith.constant 0 : i32
        %parallel_loop3A_798 = arith.cmpi sgt, %parallel_loop3A_784, %parallel_loop3A_797 : i32
        %parallel_loop3A_799 = arith.extui %parallel_loop3A_798 : i1 to i32
        %parallel_loop3A_800 = arith.constant 0 : i32
        %parallel_loop3A_801 = arith.cmpi slt, %parallel_loop3A_784, %parallel_loop3A_800 : i32
        %parallel_loop3A_802 = arith.extui %parallel_loop3A_801 : i1 to i32
        %parallel_loop3A_803 = arith.subi %parallel_loop3A_799, %parallel_loop3A_802 : i32
        %parallel_loop3A_804 = arith.constant 0 : i32
        %parallel_loop3A_805 = arith.cmpi sgt, %parallel_loop3A_795, %parallel_loop3A_804 : i32
        %parallel_loop3A_806 = arith.extui %parallel_loop3A_805 : i1 to i32
        %parallel_loop3A_807 = arith.constant 0 : i32
        %parallel_loop3A_808 = arith.cmpi slt, %parallel_loop3A_795, %parallel_loop3A_807 : i32
        %parallel_loop3A_809 = arith.extui %parallel_loop3A_808 : i1 to i32
        %parallel_loop3A_810 = arith.subi %parallel_loop3A_806, %parallel_loop3A_809 : i32
        %parallel_loop3A_811 = arith.cmpi ne, %parallel_loop3A_803, %parallel_loop3A_810 : i32
        %parallel_loop3A_812 = arith.remsi %parallel_loop3A_784, %parallel_loop3A_795 : i32
        %parallel_loop3A_813 = arith.constant 0 : i32
        %parallel_loop3A_814 = arith.cmpi ne, %parallel_loop3A_812, %parallel_loop3A_813 : i32
        %parallel_loop3A_815 = arith.andi %parallel_loop3A_811, %parallel_loop3A_814 : i1
        %parallel_loop3A_816 = arith.constant 1 : i32
        %parallel_loop3A_817 = arith.subi %parallel_loop3A_796, %parallel_loop3A_816 : i32
        %parallel_loop3A_818 = arith.select %parallel_loop3A_815, %parallel_loop3A_817, %parallel_loop3A_796 : i32
        %parallel_loop3A_819 = arith.constant 128 : i32
        %parallel_loop3A_820 = arith.constant 0 : i32
        %parallel_loop3A_821 = arith.cmpi eq, %parallel_loop3A_819, %parallel_loop3A_820 : i32
        %parallel_loop3A_822 = arith.constant 1 : i32
        %parallel_loop3A_823 = arith.select %parallel_loop3A_821, %parallel_loop3A_822, %parallel_loop3A_819 : i32
        %parallel_loop3A_824 = arith.remsi %parallel_loop3A_784, %parallel_loop3A_823 : i32
        %parallel_loop3A_825 = arith.constant 0 : i32
        %parallel_loop3A_826 = arith.cmpi ne, %parallel_loop3A_824, %parallel_loop3A_825 : i32
        %parallel_loop3A_827 = arith.constant 0 : i32
        %parallel_loop3A_828 = arith.cmpi slt, %parallel_loop3A_824, %parallel_loop3A_827 : i32
        %parallel_loop3A_829 = arith.constant 0 : i32
        %parallel_loop3A_830 = arith.cmpi slt, %parallel_loop3A_823, %parallel_loop3A_829 : i32
        %parallel_loop3A_831 = arith.xori %parallel_loop3A_828, %parallel_loop3A_830 : i1
        %parallel_loop3A_832 = arith.andi %parallel_loop3A_831, %parallel_loop3A_826 : i1
        %parallel_loop3A_833 = arith.addi %parallel_loop3A_824, %parallel_loop3A_823 : i32
        %parallel_loop3A_834 = arith.select %parallel_loop3A_832, %parallel_loop3A_833, %parallel_loop3A_824 : i32
        %parallel_loop3A_835 = tpu.vector_load_idx %arg14[%parallel_loop3A_789, %parallel_loop3A_794, %parallel_loop3A_792] : memref<64x2x128xf32, #tpu.memory_space<vmem>>[vector<16xi32>, vector<16xi32>, vector<16xi32>], vector<16xf32>,
        %parallel_loop3A_836 = arith.index_cast %parallel_loop3A_818 : i32 to index
        %parallel_loop3A_837 = arith.index_cast %parallel_loop3A_834 : i32 to index
        %parallel_loop3A_838 = tpu.vector_load %arg17[%parallel_loop3A_836, %parallel_loop3A_837] {strides = array<i32>} : memref<64x128xf32, #tpu.memory_space<vmem>>, vector<16xf32>,
        tpu.vector_store %arg17[%parallel_loop3A_836, %parallel_loop3A_837], %parallel_loop3A_835 {strides = array<i32>} : memref<64x128xf32, #tpu.memory_space<vmem>>, vector<16xf32>,
        %parallel_loop3A_839 = tpu.vector_load_idx %arg16[%parallel_loop3A_789, %parallel_loop3A_794, %parallel_loop3A_792] : memref<64x2x128xf32, #tpu.memory_space<vmem>>[vector<16xi32>, vector<16xi32>, vector<16xi32>], vector<16xf32>,
        %parallel_loop3A_840 = arith.index_cast %parallel_loop3A_818 : i32 to index
        %parallel_loop3A_841 = arith.index_cast %parallel_loop3A_834 : i32 to index
        %parallel_loop3A_842 = tpu.vector_load %arg19[%parallel_loop3A_840, %parallel_loop3A_841] {strides = array<i32>} : memref<64x128xf32, #tpu.memory_space<vmem>>, vector<16xf32>,
        tpu.vector_store %arg19[%parallel_loop3A_840, %parallel_loop3A_841], %parallel_loop3A_839 {strides = array<i32>} : memref<64x128xf32, #tpu.memory_space<vmem>>, vector<16xf32>,
      } {sc.loop_unroll_factor = 16 : i64, sc.parallel_access}
      %dma_start3A_660 = arith.constant 0 : i32
      %dma_start3A_661 = arith.constant 0 : i32
      %dma_start3A_662 = tpu.memref_slice %arg17[%dma_start3A_660, %dma_start3A_661] : memref<64x128xf32, #tpu.memory_space<vmem>> -> memref<48x128xf32, #tpu.memory_space<vmem>>
      %dma_start3A_663 = arith.constant 0 : i32
      %dma_start3A_664 = arith.constant 0 : i32
      %dma_start3A_665 = tpu.memref_slice %arg6[%select_n3A_560, %select_n3A_576, %select_n3A_600, %dma_start3A_663, %add3A_651, %dma_start3A_664] : memref<8x16x8x48x8x128xf32, #tpu.memory_space<hbm>> -> memref<1x1x1x48x1x128xf32, #tpu.memory_space<hbm>>
      %dma_start3A_666 = tpu.memref_squeeze %dma_start3A_665 : memref<1x1x1x48x1x128xf32, #tpu.memory_space<hbm>> -> memref<48x128xf32, #tpu.memory_space<hbm>>
      %dma_start3A_667 = arith.constant 0 : i32
      %dma_start3A_668 = arith.constant 0 : i32
      %dma_start3A_669 = tpu.memref_slice %arg6[%select_n3A_560, %select_n3A_576, %select_n3A_600, %dma_start3A_667, %add3A_651, %dma_start3A_668] : memref<8x16x8x48x8x128xf32, #tpu.memory_space<hbm>> -> memref<1x1x1x48x1x128xf32, #tpu.memory_space<hbm>>
      %dma_start3A_670 = tpu.memref_squeeze %dma_start3A_669 : memref<1x1x1x48x1x128xf32, #tpu.memory_space<hbm>> -> memref<48x128xf32, #tpu.memory_space<hbm>>
      %dma_start3A_671 = arith.constant 0 : i32
      %dma_start3A_672 = arith.constant 0 : i32
      %dma_start3A_673 = tpu.memref_slice %arg17[%dma_start3A_671, %dma_start3A_672] : memref<64x128xf32, #tpu.memory_space<vmem>> -> memref<48x128xf32, #tpu.memory_space<vmem>>
      tpu.enqueue_dma source(%dma_start3A_673 : memref<48x128xf32, #tpu.memory_space<vmem>>) target(%dma_start3A_670 : memref<48x128xf32, #tpu.memory_space<hbm>>) target_semaphore(%arg25 : memref<!tpu.dma_semaphore, #tpu.memory_space<semaphore_mem>>)
      %dma_start3A_674 = arith.constant 48 : i32
      %dma_start3A_675 = arith.constant 0 : i32
      %dma_start3A_676 = tpu.memref_slice %arg17[%dma_start3A_674, %dma_start3A_675] : memref<64x128xf32, #tpu.memory_space<vmem>> -> memref<16x128xf32, #tpu.memory_space<vmem>>
      %dma_start3A_677 = arith.constant 0 : i32
      %dma_start3A_678 = arith.constant 0 : i32
      %dma_start3A_679 = tpu.memref_slice %arg8[%select_n3A_560, %select_n3A_576, %select_n3A_600, %dma_start3A_677, %add3A_651, %dma_start3A_678] : memref<8x16x8x16x8x128xf32, #tpu.memory_space<hbm>> -> memref<1x1x1x16x1x128xf32, #tpu.memory_space<hbm>>
      %dma_start3A_680 = tpu.memref_squeeze %dma_start3A_679 : memref<1x1x1x16x1x128xf32, #tpu.memory_space<hbm>> -> memref<16x128xf32, #tpu.memory_space<hbm>>
      %dma_start3A_681 = arith.constant 0 : i32
      %dma_start3A_682 = arith.constant 0 : i32
      %dma_start3A_683 = tpu.memref_slice %arg8[%select_n3A_560, %select_n3A_576, %select_n3A_600, %dma_start3A_681, %add3A_651, %dma_start3A_682] : memref<8x16x8x16x8x128xf32, #tpu.memory_space<hbm>> -> memref<1x1x1x16x1x128xf32, #tpu.memory_space<hbm>>
      %dma_start3A_684 = tpu.memref_squeeze %dma_start3A_683 : memref<1x1x1x16x1x128xf32, #tpu.memory_space<hbm>> -> memref<16x128xf32, #tpu.memory_space<hbm>>
      %dma_start3A_685 = arith.constant 48 : i32
      %dma_start3A_686 = arith.constant 0 : i32
      %dma_start3A_687 = tpu.memref_slice %arg17[%dma_start3A_685, %dma_start3A_686] : memref<64x128xf32, #tpu.memory_space<vmem>> -> memref<16x128xf32, #tpu.memory_space<vmem>>
      tpu.enqueue_dma source(%dma_start3A_687 : memref<16x128xf32, #tpu.memory_space<vmem>>) target(%dma_start3A_684 : memref<16x128xf32, #tpu.memory_space<hbm>>) target_semaphore(%arg25 : memref<!tpu.dma_semaphore, #tpu.memory_space<semaphore_mem>>)
      %dma_start3A_688 = arith.constant 0 : i32
      %dma_start3A_689 = arith.constant 0 : i32
      %dma_start3A_690 = tpu.memref_slice %arg19[%dma_start3A_688, %dma_start3A_689] : memref<64x128xf32, #tpu.memory_space<vmem>> -> memref<48x128xf32, #tpu.memory_space<vmem>>
      %dma_start3A_691 = arith.constant 0 : i32
      %dma_start3A_692 = arith.constant 0 : i32
      %dma_start3A_693 = tpu.memref_slice %arg7[%select_n3A_560, %select_n3A_576, %select_n3A_600, %dma_start3A_691, %add3A_651, %dma_start3A_692] : memref<8x16x8x48x8x128xf32, #tpu.memory_space<hbm>> -> memref<1x1x1x48x1x128xf32, #tpu.memory_space<hbm>>
      %dma_start3A_694 = tpu.memref_squeeze %dma_start3A_693 : memref<1x1x1x48x1x128xf32, #tpu.memory_space<hbm>> -> memref<48x128xf32, #tpu.memory_space<hbm>>
      %dma_start3A_695 = arith.constant 0 : i32
      %dma_start3A_696 = arith.constant 0 : i32
      %dma_start3A_697 = tpu.memref_slice %arg7[%select_n3A_560, %select_n3A_576, %select_n3A_600, %dma_start3A_695, %add3A_651, %dma_start3A_696] : memref<8x16x8x48x8x128xf32, #tpu.memory_space<hbm>> -> memref<1x1x1x48x1x128xf32, #tpu.memory_space<hbm>>
      %dma_start3A_698 = tpu.memref_squeeze %dma_start3A_697 : memref<1x1x1x48x1x128xf32, #tpu.memory_space<hbm>> -> memref<48x128xf32, #tpu.memory_space<hbm>>
      %dma_start3A_699 = arith.constant 0 : i32
      %dma_start3A_700 = arith.constant 0 : i32
      %dma_start3A_701 = tpu.memref_slice %arg19[%dma_start3A_699, %dma_start3A_700] : memref<64x128xf32, #tpu.memory_space<vmem>> -> memref<48x128xf32, #tpu.memory_space<vmem>>
      tpu.enqueue_dma source(%dma_start3A_701 : memref<48x128xf32, #tpu.memory_space<vmem>>) target(%dma_start3A_698 : memref<48x128xf32, #tpu.memory_space<hbm>>) target_semaphore(%arg25 : memref<!tpu.dma_semaphore, #tpu.memory_space<semaphore_mem>>)
      %dma_start3A_702 = arith.constant 48 : i32
      %dma_start3A_703 = arith.constant 0 : i32
      %dma_start3A_704 = tpu.memref_slice %arg19[%dma_start3A_702, %dma_start3A_703] : memref<64x128xf32, #tpu.memory_space<vmem>> -> memref<16x128xf32, #tpu.memory_space<vmem>>
      %dma_start3A_705 = arith.constant 0 : i32
      %dma_start3A_706 = arith.constant 0 : i32
      %dma_start3A_707 = tpu.memref_slice %arg9[%select_n3A_560, %select_n3A_576, %select_n3A_600, %dma_start3A_705, %add3A_651, %dma_start3A_706] : memref<8x16x8x16x8x128xf32, #tpu.memory_space<hbm>> -> memref<1x1x1x16x1x128xf32, #tpu.memory_space<hbm>>
      %dma_start3A_708 = tpu.memref_squeeze %dma_start3A_707 : memref<1x1x1x16x1x128xf32, #tpu.memory_space<hbm>> -> memref<16x128xf32, #tpu.memory_space<hbm>>
      %dma_start3A_709 = arith.constant 0 : i32
      %dma_start3A_710 = arith.constant 0 : i32
      %dma_start3A_711 = tpu.memref_slice %arg9[%select_n3A_560, %select_n3A_576, %select_n3A_600, %dma_start3A_709, %add3A_651, %dma_start3A_710] : memref<8x16x8x16x8x128xf32, #tpu.memory_space<hbm>> -> memref<1x1x1x16x1x128xf32, #tpu.memory_space<hbm>>
      %dma_start3A_712 = tpu.memref_squeeze %dma_start3A_711 : memref<1x1x1x16x1x128xf32, #tpu.memory_space<hbm>> -> memref<16x128xf32, #tpu.memory_space<hbm>>
      %dma_start3A_713 = arith.constant 48 : i32
      %dma_start3A_714 = arith.constant 0 : i32
      %dma_start3A_715 = tpu.memref_slice %arg19[%dma_start3A_713, %dma_start3A_714] : memref<64x128xf32, #tpu.memory_space<vmem>> -> memref<16x128xf32, #tpu.memory_space<vmem>>
      tpu.enqueue_dma source(%dma_start3A_715 : memref<16x128xf32, #tpu.memory_space<vmem>>) target(%dma_start3A_712 : memref<16x128xf32, #tpu.memory_space<hbm>>) target_semaphore(%arg25 : memref<!tpu.dma_semaphore, #tpu.memory_space<semaphore_mem>>)
      %mul3A_716 = arith.constant 2 : i32
      %mul3A_717 = arith.muli %select_n3A_616, %mul3A_716 : i32
      %add3A_718 = arith.constant 1 : i32
      %add3A_719 = arith.addi %mul3A_717, %add3A_718 : i32
      %ge3A_720 = arith.constant 1 : i32
      %ge3A_721 = arith.cmpi sge, %add3A_493, %ge3A_720 : i32
      %convert_element_type3A_722 = arith.extui %ge3A_721 : i1 to i32
      %cond3A_723 = arith.constant 0 : i32
      %cond3A_724 = arith.cmpi ne, %convert_element_type3A_722, %cond3A_723 : i32
      scf.if %cond3A_724 {
        %dma_wait3A_784 = arith.constant 0 : i32
        %dma_wait3A_785 = arith.constant 0 : i32
        %dma_wait3A_786 = arith.constant 0 : i32
        %dma_wait3A_787 = arith.constant 0 : i32
        %dma_wait3A_788 = arith.constant 0 : i32
        %dma_wait3A_789 = arith.constant 0 : i32
        %dma_wait3A_790 = tpu.memref_slice %arg6[%dma_wait3A_784, %dma_wait3A_785, %dma_wait3A_786, %dma_wait3A_788, %dma_wait3A_787, %dma_wait3A_789] : memref<8x16x8x48x8x128xf32, #tpu.memory_space<hbm>> -> memref<1x1x1x48x1x128xf32, #tpu.memory_space<hbm>>
        %dma_wait3A_791 = tpu.memref_squeeze %dma_wait3A_790 : memref<1x1x1x48x1x128xf32, #tpu.memory_space<hbm>> -> memref<48x128xf32, #tpu.memory_space<hbm>>
        %dma_wait3A_792 = arith.constant 0 : i32
        %dma_wait3A_793 = arith.constant 0 : i32
        %dma_wait3A_794 = tpu.memref_slice %arg6[%dma_wait3A_784, %dma_wait3A_785, %dma_wait3A_786, %dma_wait3A_792, %dma_wait3A_787, %dma_wait3A_793] : memref<8x16x8x48x8x128xf32, #tpu.memory_space<hbm>> -> memref<1x1x1x48x1x128xf32, #tpu.memory_space<hbm>>
        %dma_wait3A_795 = tpu.memref_squeeze %dma_wait3A_794 : memref<1x1x1x48x1x128xf32, #tpu.memory_space<hbm>> -> memref<48x128xf32, #tpu.memory_space<hbm>>
        tpu.wait_dma2 semaphore(%arg26 : memref<!tpu.dma_semaphore, #tpu.memory_space<semaphore_mem>>) src(%arg18 : memref<64x128xf32, #tpu.memory_space<vmem>>) dst(%dma_wait3A_795 : memref<48x128xf32, #tpu.memory_space<hbm>>)
        %dma_wait3A_796 = arith.constant 0 : i32
        %dma_wait3A_797 = arith.constant 0 : i32
        %dma_wait3A_798 = arith.constant 0 : i32
        %dma_wait3A_799 = arith.constant 0 : i32
        %dma_wait3A_800 = arith.constant 0 : i32
        %dma_wait3A_801 = arith.constant 0 : i32
        %dma_wait3A_802 = tpu.memref_slice %arg8[%dma_wait3A_796, %dma_wait3A_797, %dma_wait3A_798, %dma_wait3A_800, %dma_wait3A_799, %dma_wait3A_801] : memref<8x16x8x16x8x128xf32, #tpu.memory_space<hbm>> -> memref<1x1x1x16x1x128xf32, #tpu.memory_space<hbm>>
        %dma_wait3A_803 = tpu.memref_squeeze %dma_wait3A_802 : memref<1x1x1x16x1x128xf32, #tpu.memory_space<hbm>> -> memref<16x128xf32, #tpu.memory_space<hbm>>
        %dma_wait3A_804 = arith.constant 0 : i32
        %dma_wait3A_805 = arith.constant 0 : i32
        %dma_wait3A_806 = tpu.memref_slice %arg8[%dma_wait3A_796, %dma_wait3A_797, %dma_wait3A_798, %dma_wait3A_804, %dma_wait3A_799, %dma_wait3A_805] : memref<8x16x8x16x8x128xf32, #tpu.memory_space<hbm>> -> memref<1x1x1x16x1x128xf32, #tpu.memory_space<hbm>>
        %dma_wait3A_807 = tpu.memref_squeeze %dma_wait3A_806 : memref<1x1x1x16x1x128xf32, #tpu.memory_space<hbm>> -> memref<16x128xf32, #tpu.memory_space<hbm>>
        tpu.wait_dma2 semaphore(%arg26 : memref<!tpu.dma_semaphore, #tpu.memory_space<semaphore_mem>>) src(%arg18 : memref<64x128xf32, #tpu.memory_space<vmem>>) dst(%dma_wait3A_807 : memref<16x128xf32, #tpu.memory_space<hbm>>)
        %dma_wait3A_808 = arith.constant 0 : i32
        %dma_wait3A_809 = arith.constant 0 : i32
        %dma_wait3A_810 = arith.constant 0 : i32
        %dma_wait3A_811 = arith.constant 0 : i32
        %dma_wait3A_812 = arith.constant 0 : i32
        %dma_wait3A_813 = arith.constant 0 : i32
        %dma_wait3A_814 = tpu.memref_slice %arg6[%dma_wait3A_808, %dma_wait3A_809, %dma_wait3A_810, %dma_wait3A_812, %dma_wait3A_811, %dma_wait3A_813] : memref<8x16x8x48x8x128xf32, #tpu.memory_space<hbm>> -> memref<1x1x1x48x1x128xf32, #tpu.memory_space<hbm>>
        %dma_wait3A_815 = tpu.memref_squeeze %dma_wait3A_814 : memref<1x1x1x48x1x128xf32, #tpu.memory_space<hbm>> -> memref<48x128xf32, #tpu.memory_space<hbm>>
        %dma_wait3A_816 = arith.constant 0 : i32
        %dma_wait3A_817 = arith.constant 0 : i32
        %dma_wait3A_818 = tpu.memref_slice %arg6[%dma_wait3A_808, %dma_wait3A_809, %dma_wait3A_810, %dma_wait3A_816, %dma_wait3A_811, %dma_wait3A_817] : memref<8x16x8x48x8x128xf32, #tpu.memory_space<hbm>> -> memref<1x1x1x48x1x128xf32, #tpu.memory_space<hbm>>
        %dma_wait3A_819 = tpu.memref_squeeze %dma_wait3A_818 : memref<1x1x1x48x1x128xf32, #tpu.memory_space<hbm>> -> memref<48x128xf32, #tpu.memory_space<hbm>>
        tpu.wait_dma2 semaphore(%arg26 : memref<!tpu.dma_semaphore, #tpu.memory_space<semaphore_mem>>) src(%arg20 : memref<64x128xf32, #tpu.memory_space<vmem>>) dst(%dma_wait3A_819 : memref<48x128xf32, #tpu.memory_space<hbm>>)
        %dma_wait3A_820 = arith.constant 0 : i32
        %dma_wait3A_821 = arith.constant 0 : i32
        %dma_wait3A_822 = arith.constant 0 : i32
        %dma_wait3A_823 = arith.constant 0 : i32
        %dma_wait3A_824 = arith.constant 0 : i32
        %dma_wait3A_825 = arith.constant 0 : i32
        %dma_wait3A_826 = tpu.memref_slice %arg8[%dma_wait3A_820, %dma_wait3A_821, %dma_wait3A_822, %dma_wait3A_824, %dma_wait3A_823, %dma_wait3A_825] : memref<8x16x8x16x8x128xf32, #tpu.memory_space<hbm>> -> memref<1x1x1x16x1x128xf32, #tpu.memory_space<hbm>>
        %dma_wait3A_827 = tpu.memref_squeeze %dma_wait3A_826 : memref<1x1x1x16x1x128xf32, #tpu.memory_space<hbm>> -> memref<16x128xf32, #tpu.memory_space<hbm>>
        %dma_wait3A_828 = arith.constant 0 : i32
        %dma_wait3A_829 = arith.constant 0 : i32
        %dma_wait3A_830 = tpu.memref_slice %arg8[%dma_wait3A_820, %dma_wait3A_821, %dma_wait3A_822, %dma_wait3A_828, %dma_wait3A_823, %dma_wait3A_829] : memref<8x16x8x16x8x128xf32, #tpu.memory_space<hbm>> -> memref<1x1x1x16x1x128xf32, #tpu.memory_space<hbm>>
        %dma_wait3A_831 = tpu.memref_squeeze %dma_wait3A_830 : memref<1x1x1x16x1x128xf32, #tpu.memory_space<hbm>> -> memref<16x128xf32, #tpu.memory_space<hbm>>
        tpu.wait_dma2 semaphore(%arg26 : memref<!tpu.dma_semaphore, #tpu.memory_space<semaphore_mem>>) src(%arg20 : memref<64x128xf32, #tpu.memory_space<vmem>>) dst(%dma_wait3A_831 : memref<16x128xf32, #tpu.memory_space<hbm>>)
      } else {
      }
      %parallel_loop3A_725 = arith.constant 0 : i32
      %parallel_loop3A_726 = arith.constant 8192 : i32
      %parallel_loop3A_727 = arith.constant 16 : i32
      scf.for %parallel_loop3A_784 = %parallel_loop3A_725 to %parallel_loop3A_726 step %parallel_loop3A_727  : i32 {
        %parallel_loop3A_785 = arith.index_cast %parallel_loop3A_784 : i32 to index
        %parallel_loop3A_786 = tpu.vector_load %arg12[%parallel_loop3A_785] {strides = array<i32>} : memref<8192xi32, #tpu.memory_space<vmem>>, vector<16xi32>,
        %parallel_loop3A_787 = arith.constant 7 : i32
        %parallel_loop3A_788 = vector.broadcast %parallel_loop3A_787 : i32 to vector<16xi32>
        %parallel_loop3A_789 = arith.shrsi %parallel_loop3A_786, %parallel_loop3A_788 : vector<16xi32>
        %parallel_loop3A_790 = arith.constant 127 : i32
        %parallel_loop3A_791 = vector.broadcast %parallel_loop3A_790 : i32 to vector<16xi32>
        %parallel_loop3A_792 = arith.andi %parallel_loop3A_786, %parallel_loop3A_791 : vector<16xi32>
        %parallel_loop3A_793 = arith.constant 1 : i32
        %parallel_loop3A_794 = vector.broadcast %parallel_loop3A_793 : i32 to vector<16xi32>
        %parallel_loop3A_795 = arith.constant 128 : i32
        %parallel_loop3A_796 = arith.divsi %parallel_loop3A_784, %parallel_loop3A_795 : i32
        %parallel_loop3A_797 = arith.constant 0 : i32
        %parallel_loop3A_798 = arith.cmpi sgt, %parallel_loop3A_784, %parallel_loop3A_797 : i32
        %parallel_loop3A_799 = arith.extui %parallel_loop3A_798 : i1 to i32
        %parallel_loop3A_800 = arith.constant 0 : i32
        %parallel_loop3A_801 = arith.cmpi slt, %parallel_loop3A_784, %parallel_loop3A_800 : i32
        %parallel_loop3A_802 = arith.extui %parallel_loop3A_801 : i1 to i32
        %parallel_loop3A_803 = arith.subi %parallel_loop3A_799, %parallel_loop3A_802 : i32
        %parallel_loop3A_804 = arith.constant 0 : i32
        %parallel_loop3A_805 = arith.cmpi sgt, %parallel_loop3A_795, %parallel_loop3A_804 : i32
        %parallel_loop3A_806 = arith.extui %parallel_loop3A_805 : i1 to i32
        %parallel_loop3A_807 = arith.constant 0 : i32
        %parallel_loop3A_808 = arith.cmpi slt, %parallel_loop3A_795, %parallel_loop3A_807 : i32
        %parallel_loop3A_809 = arith.extui %parallel_loop3A_808 : i1 to i32
        %parallel_loop3A_810 = arith.subi %parallel_loop3A_806, %parallel_loop3A_809 : i32
        %parallel_loop3A_811 = arith.cmpi ne, %parallel_loop3A_803, %parallel_loop3A_810 : i32
        %parallel_loop3A_812 = arith.remsi %parallel_loop3A_784, %parallel_loop3A_795 : i32
        %parallel_loop3A_813 = arith.constant 0 : i32
        %parallel_loop3A_814 = arith.cmpi ne, %parallel_loop3A_812, %parallel_loop3A_813 : i32
        %parallel_loop3A_815 = arith.andi %parallel_loop3A_811, %parallel_loop3A_814 : i1
        %parallel_loop3A_816 = arith.constant 1 : i32
        %parallel_loop3A_817 = arith.subi %parallel_loop3A_796, %parallel_loop3A_816 : i32
        %parallel_loop3A_818 = arith.select %parallel_loop3A_815, %parallel_loop3A_817, %parallel_loop3A_796 : i32
        %parallel_loop3A_819 = arith.constant 128 : i32
        %parallel_loop3A_820 = arith.constant 0 : i32
        %parallel_loop3A_821 = arith.cmpi eq, %parallel_loop3A_819, %parallel_loop3A_820 : i32
        %parallel_loop3A_822 = arith.constant 1 : i32
        %parallel_loop3A_823 = arith.select %parallel_loop3A_821, %parallel_loop3A_822, %parallel_loop3A_819 : i32
        %parallel_loop3A_824 = arith.remsi %parallel_loop3A_784, %parallel_loop3A_823 : i32
        %parallel_loop3A_825 = arith.constant 0 : i32
        %parallel_loop3A_826 = arith.cmpi ne, %parallel_loop3A_824, %parallel_loop3A_825 : i32
        %parallel_loop3A_827 = arith.constant 0 : i32
        %parallel_loop3A_828 = arith.cmpi slt, %parallel_loop3A_824, %parallel_loop3A_827 : i32
        %parallel_loop3A_829 = arith.constant 0 : i32
        %parallel_loop3A_830 = arith.cmpi slt, %parallel_loop3A_823, %parallel_loop3A_829 : i32
        %parallel_loop3A_831 = arith.xori %parallel_loop3A_828, %parallel_loop3A_830 : i1
        %parallel_loop3A_832 = arith.andi %parallel_loop3A_831, %parallel_loop3A_826 : i1
        %parallel_loop3A_833 = arith.addi %parallel_loop3A_824, %parallel_loop3A_823 : i32
        %parallel_loop3A_834 = arith.select %parallel_loop3A_832, %parallel_loop3A_833, %parallel_loop3A_824 : i32
        %parallel_loop3A_835 = tpu.vector_load_idx %arg14[%parallel_loop3A_789, %parallel_loop3A_794, %parallel_loop3A_792] : memref<64x2x128xf32, #tpu.memory_space<vmem>>[vector<16xi32>, vector<16xi32>, vector<16xi32>], vector<16xf32>,
        %parallel_loop3A_836 = arith.index_cast %parallel_loop3A_818 : i32 to index
        %parallel_loop3A_837 = arith.index_cast %parallel_loop3A_834 : i32 to index
        %parallel_loop3A_838 = tpu.vector_load %arg18[%parallel_loop3A_836, %parallel_loop3A_837] {strides = array<i32>} : memref<64x128xf32, #tpu.memory_space<vmem>>, vector<16xf32>,
        tpu.vector_store %arg18[%parallel_loop3A_836, %parallel_loop3A_837], %parallel_loop3A_835 {strides = array<i32>} : memref<64x128xf32, #tpu.memory_space<vmem>>, vector<16xf32>,
        %parallel_loop3A_839 = tpu.vector_load_idx %arg16[%parallel_loop3A_789, %parallel_loop3A_794, %parallel_loop3A_792] : memref<64x2x128xf32, #tpu.memory_space<vmem>>[vector<16xi32>, vector<16xi32>, vector<16xi32>], vector<16xf32>,
        %parallel_loop3A_840 = arith.index_cast %parallel_loop3A_818 : i32 to index
        %parallel_loop3A_841 = arith.index_cast %parallel_loop3A_834 : i32 to index
        %parallel_loop3A_842 = tpu.vector_load %arg20[%parallel_loop3A_840, %parallel_loop3A_841] {strides = array<i32>} : memref<64x128xf32, #tpu.memory_space<vmem>>, vector<16xf32>,
        tpu.vector_store %arg20[%parallel_loop3A_840, %parallel_loop3A_841], %parallel_loop3A_839 {strides = array<i32>} : memref<64x128xf32, #tpu.memory_space<vmem>>, vector<16xf32>,
      } {sc.loop_unroll_factor = 16 : i64, sc.parallel_access}
      %dma_start3A_728 = arith.constant 0 : i32
      %dma_start3A_729 = arith.constant 0 : i32
      %dma_start3A_730 = tpu.memref_slice %arg18[%dma_start3A_728, %dma_start3A_729] : memref<64x128xf32, #tpu.memory_space<vmem>> -> memref<48x128xf32, #tpu.memory_space<vmem>>
      %dma_start3A_731 = arith.constant 0 : i32
      %dma_start3A_732 = arith.constant 0 : i32
      %dma_start3A_733 = tpu.memref_slice %arg6[%select_n3A_560, %select_n3A_576, %select_n3A_600, %dma_start3A_731, %add3A_719, %dma_start3A_732] : memref<8x16x8x48x8x128xf32, #tpu.memory_space<hbm>> -> memref<1x1x1x48x1x128xf32, #tpu.memory_space<hbm>>
      %dma_start3A_734 = tpu.memref_squeeze %dma_start3A_733 : memref<1x1x1x48x1x128xf32, #tpu.memory_space<hbm>> -> memref<48x128xf32, #tpu.memory_space<hbm>>
      %dma_start3A_735 = arith.constant 0 : i32
      %dma_start3A_736 = arith.constant 0 : i32
      %dma_start3A_737 = tpu.memref_slice %arg6[%select_n3A_560, %select_n3A_576, %select_n3A_600, %dma_start3A_735, %add3A_719, %dma_start3A_736] : memref<8x16x8x48x8x128xf32, #tpu.memory_space<hbm>> -> memref<1x1x1x48x1x128xf32, #tpu.memory_space<hbm>>
      %dma_start3A_738 = tpu.memref_squeeze %dma_start3A_737 : memref<1x1x1x48x1x128xf32, #tpu.memory_space<hbm>> -> memref<48x128xf32, #tpu.memory_space<hbm>>
      %dma_start3A_739 = arith.constant 0 : i32
      %dma_start3A_740 = arith.constant 0 : i32
      %dma_start3A_741 = tpu.memref_slice %arg18[%dma_start3A_739, %dma_start3A_740] : memref<64x128xf32, #tpu.memory_space<vmem>> -> memref<48x128xf32, #tpu.memory_space<vmem>>
      tpu.enqueue_dma source(%dma_start3A_741 : memref<48x128xf32, #tpu.memory_space<vmem>>) target(%dma_start3A_738 : memref<48x128xf32, #tpu.memory_space<hbm>>) target_semaphore(%arg26 : memref<!tpu.dma_semaphore, #tpu.memory_space<semaphore_mem>>)
      %dma_start3A_742 = arith.constant 48 : i32
      %dma_start3A_743 = arith.constant 0 : i32
      %dma_start3A_744 = tpu.memref_slice %arg18[%dma_start3A_742, %dma_start3A_743] : memref<64x128xf32, #tpu.memory_space<vmem>> -> memref<16x128xf32, #tpu.memory_space<vmem>>
      %dma_start3A_745 = arith.constant 0 : i32
      %dma_start3A_746 = arith.constant 0 : i32
      %dma_start3A_747 = tpu.memref_slice %arg8[%select_n3A_560, %select_n3A_576, %select_n3A_600, %dma_start3A_745, %add3A_719, %dma_start3A_746] : memref<8x16x8x16x8x128xf32, #tpu.memory_space<hbm>> -> memref<1x1x1x16x1x128xf32, #tpu.memory_space<hbm>>
      %dma_start3A_748 = tpu.memref_squeeze %dma_start3A_747 : memref<1x1x1x16x1x128xf32, #tpu.memory_space<hbm>> -> memref<16x128xf32, #tpu.memory_space<hbm>>
      %dma_start3A_749 = arith.constant 0 : i32
      %dma_start3A_750 = arith.constant 0 : i32
      %dma_start3A_751 = tpu.memref_slice %arg8[%select_n3A_560, %select_n3A_576, %select_n3A_600, %dma_start3A_749, %add3A_719, %dma_start3A_750] : memref<8x16x8x16x8x128xf32, #tpu.memory_space<hbm>> -> memref<1x1x1x16x1x128xf32, #tpu.memory_space<hbm>>
      %dma_start3A_752 = tpu.memref_squeeze %dma_start3A_751 : memref<1x1x1x16x1x128xf32, #tpu.memory_space<hbm>> -> memref<16x128xf32, #tpu.memory_space<hbm>>
      %dma_start3A_753 = arith.constant 48 : i32
      %dma_start3A_754 = arith.constant 0 : i32
      %dma_start3A_755 = tpu.memref_slice %arg18[%dma_start3A_753, %dma_start3A_754] : memref<64x128xf32, #tpu.memory_space<vmem>> -> memref<16x128xf32, #tpu.memory_space<vmem>>
      tpu.enqueue_dma source(%dma_start3A_755 : memref<16x128xf32, #tpu.memory_space<vmem>>) target(%dma_start3A_752 : memref<16x128xf32, #tpu.memory_space<hbm>>) target_semaphore(%arg26 : memref<!tpu.dma_semaphore, #tpu.memory_space<semaphore_mem>>)
      %dma_start3A_756 = arith.constant 0 : i32
      %dma_start3A_757 = arith.constant 0 : i32
      %dma_start3A_758 = tpu.memref_slice %arg20[%dma_start3A_756, %dma_start3A_757] : memref<64x128xf32, #tpu.memory_space<vmem>> -> memref<48x128xf32, #tpu.memory_space<vmem>>
      %dma_start3A_759 = arith.constant 0 : i32
      %dma_start3A_760 = arith.constant 0 : i32
      %dma_start3A_761 = tpu.memref_slice %arg7[%select_n3A_560, %select_n3A_576, %select_n3A_600, %dma_start3A_759, %add3A_719, %dma_start3A_760] : memref<8x16x8x48x8x128xf32, #tpu.memory_space<hbm>> -> memref<1x1x1x48x1x128xf32, #tpu.memory_space<hbm>>
      %dma_start3A_762 = tpu.memref_squeeze %dma_start3A_761 : memref<1x1x1x48x1x128xf32, #tpu.memory_space<hbm>> -> memref<48x128xf32, #tpu.memory_space<hbm>>
      %dma_start3A_763 = arith.constant 0 : i32
      %dma_start3A_764 = arith.constant 0 : i32
      %dma_start3A_765 = tpu.memref_slice %arg7[%select_n3A_560, %select_n3A_576, %select_n3A_600, %dma_start3A_763, %add3A_719, %dma_start3A_764] : memref<8x16x8x48x8x128xf32, #tpu.memory_space<hbm>> -> memref<1x1x1x48x1x128xf32, #tpu.memory_space<hbm>>
      %dma_start3A_766 = tpu.memref_squeeze %dma_start3A_765 : memref<1x1x1x48x1x128xf32, #tpu.memory_space<hbm>> -> memref<48x128xf32, #tpu.memory_space<hbm>>
      %dma_start3A_767 = arith.constant 0 : i32
      %dma_start3A_768 = arith.constant 0 : i32
      %dma_start3A_769 = tpu.memref_slice %arg20[%dma_start3A_767, %dma_start3A_768] : memref<64x128xf32, #tpu.memory_space<vmem>> -> memref<48x128xf32, #tpu.memory_space<vmem>>
      tpu.enqueue_dma source(%dma_start3A_769 : memref<48x128xf32, #tpu.memory_space<vmem>>) target(%dma_start3A_766 : memref<48x128xf32, #tpu.memory_space<hbm>>) target_semaphore(%arg26 : memref<!tpu.dma_semaphore, #tpu.memory_space<semaphore_mem>>)
      %dma_start3A_770 = arith.constant 48 : i32
      %dma_start3A_771 = arith.constant 0 : i32
      %dma_start3A_772 = tpu.memref_slice %arg20[%dma_start3A_770, %dma_start3A_771] : memref<64x128xf32, #tpu.memory_space<vmem>> -> memref<16x128xf32, #tpu.memory_space<vmem>>
      %dma_start3A_773 = arith.constant 0 : i32
      %dma_start3A_774 = arith.constant 0 : i32
      %dma_start3A_775 = tpu.memref_slice %arg9[%select_n3A_560, %select_n3A_576, %select_n3A_600, %dma_start3A_773, %add3A_719, %dma_start3A_774] : memref<8x16x8x16x8x128xf32, #tpu.memory_space<hbm>> -> memref<1x1x1x16x1x128xf32, #tpu.memory_space<hbm>>
      %dma_start3A_776 = tpu.memref_squeeze %dma_start3A_775 : memref<1x1x1x16x1x128xf32, #tpu.memory_space<hbm>> -> memref<16x128xf32, #tpu.memory_space<hbm>>
      %dma_start3A_777 = arith.constant 0 : i32
      %dma_start3A_778 = arith.constant 0 : i32
      %dma_start3A_779 = tpu.memref_slice %arg9[%select_n3A_560, %select_n3A_576, %select_n3A_600, %dma_start3A_777, %add3A_719, %dma_start3A_778] : memref<8x16x8x16x8x128xf32, #tpu.memory_space<hbm>> -> memref<1x1x1x16x1x128xf32, #tpu.memory_space<hbm>>
      %dma_start3A_780 = tpu.memref_squeeze %dma_start3A_779 : memref<1x1x1x16x1x128xf32, #tpu.memory_space<hbm>> -> memref<16x128xf32, #tpu.memory_space<hbm>>
      %dma_start3A_781 = arith.constant 48 : i32
      %dma_start3A_782 = arith.constant 0 : i32
      %dma_start3A_783 = tpu.memref_slice %arg20[%dma_start3A_781, %dma_start3A_782] : memref<64x128xf32, #tpu.memory_space<vmem>> -> memref<16x128xf32, #tpu.memory_space<vmem>>
      tpu.enqueue_dma source(%dma_start3A_783 : memref<16x128xf32, #tpu.memory_space<vmem>>) target(%dma_start3A_780 : memref<16x128xf32, #tpu.memory_space<hbm>>) target_semaphore(%arg26 : memref<!tpu.dma_semaphore, #tpu.memory_space<semaphore_mem>>)
    }
    %scan3A_84 = arith.constant 64 : i32
    %jit3A_85 = arith.constant 4 : i32
    %eq3A_86 = arith.constant 0 : i32
    %eq3A_87 = arith.cmpi eq, %jit3A_85, %eq3A_86 : i32
    %jit3A_88 = arith.constant 1 : i32
    %select_n3A_89 = arith.select %eq3A_87, %jit3A_88, %jit3A_85 : i32
    %rem3A_90 = arith.remsi %add3A, %select_n3A_89 : i32
    %ne3A_91 = arith.constant 0 : i32
    %ne3A_92 = arith.cmpi ne, %rem3A_90, %ne3A_91 : i32
    %lt3A_93 = arith.constant 0 : i32
    %lt3A_94 = arith.cmpi slt, %rem3A_90, %lt3A_93 : i32
    %lt3A_95 = arith.constant 0 : i32
    %lt3A_96 = arith.cmpi slt, %select_n3A_89, %lt3A_95 : i32
    %ne3A_97 = arith.xori %lt3A_94, %lt3A_96 : i1
    %and3A_98 = arith.andi %ne3A_97, %ne3A_92 : i1
    %add3A_99 = arith.addi %rem3A_90, %select_n3A_89 : i32
    %select_n3A_100 = arith.select %and3A_98, %add3A_99, %rem3A_90 : i32
    %eq3A_101 = arith.constant 0 : i32
    %eq3A_102 = arith.cmpi eq, %select_n3A_100, %eq3A_101 : i32
    %convert_element_type3A = arith.extui %eq3A_102 : i1 to i32
    %cond3A = arith.constant 0 : i32
    %cond3A_103 = arith.cmpi ne, %convert_element_type3A, %cond3A : i32
    scf.if %cond3A_103 {
      "tpu.region"() ({
        %run_scoped3A = tpu.sem_alloc : memref<!tpu.dma_semaphore, #tpu.memory_space<semaphore_mem>>
        %dma_start3A_201 = arith.constant 0 : i32
        %dma_start3A_202 = tpu.memref_slice %arg5[%select_n3A, %dma_start3A_201] : memref<8x8192xf32, #tpu.memory_space<hbm>> -> memref<1x8192xf32, #tpu.memory_space<hbm>>
        %dma_start3A_203 = tpu.memref_squeeze %dma_start3A_202 : memref<1x8192xf32, #tpu.memory_space<hbm>> -> memref<8192xf32, #tpu.memory_space<hbm>>
        %dma_start3A_204 = arith.constant 0 : i32
        %dma_start3A_205 = tpu.memref_slice %arg5[%select_n3A, %dma_start3A_204] : memref<8x8192xf32, #tpu.memory_space<hbm>> -> memref<1x8192xf32, #tpu.memory_space<hbm>>
        %dma_start3A_206 = tpu.memref_squeeze %dma_start3A_205 : memref<1x8192xf32, #tpu.memory_space<hbm>> -> memref<8192xf32, #tpu.memory_space<hbm>>
        tpu.enqueue_dma source(%dma_start3A_206 : memref<8192xf32, #tpu.memory_space<hbm>>) target(%arg21 : memref<8192xf32, #tpu.memory_space<vmem>>) target_semaphore(%run_scoped3A : memref<!tpu.dma_semaphore, #tpu.memory_space<semaphore_mem>>)
        %dma_wait3A_207 = arith.constant 0 : i32
        %dma_wait3A_208 = tpu.memref_slice %arg5[%select_n3A, %dma_wait3A_207] : memref<8x8192xf32, #tpu.memory_space<hbm>> -> memref<1x8192xf32, #tpu.memory_space<hbm>>
        %dma_wait3A_209 = tpu.memref_squeeze %dma_wait3A_208 : memref<1x8192xf32, #tpu.memory_space<hbm>> -> memref<8192xf32, #tpu.memory_space<hbm>>
        %dma_wait3A_210 = arith.constant 0 : i32
        %dma_wait3A_211 = tpu.memref_slice %arg5[%select_n3A, %dma_wait3A_210] : memref<8x8192xf32, #tpu.memory_space<hbm>> -> memref<1x8192xf32, #tpu.memory_space<hbm>>
        %dma_wait3A_212 = tpu.memref_squeeze %dma_wait3A_211 : memref<1x8192xf32, #tpu.memory_space<hbm>> -> memref<8192xf32, #tpu.memory_space<hbm>>
        tpu.wait_dma2 semaphore(%run_scoped3A : memref<!tpu.dma_semaphore, #tpu.memory_space<semaphore_mem>>) src(%dma_wait3A_212 : memref<8192xf32, #tpu.memory_space<hbm>>) dst(%arg21 : memref<8192xf32, #tpu.memory_space<vmem>>)
        tpu.yield
      }) : () -> ()
      %parallel_loop3A = arith.constant 0 : i32
      %parallel_loop3A_199 = arith.constant 8192 : i32
      %parallel_loop3A_200 = arith.constant 16 : i32
      scf.for %parallel_loop3A_201 = %parallel_loop3A to %parallel_loop3A_199 step %parallel_loop3A_200  : i32 {
        %parallel_loop3A_202 = arith.index_cast %parallel_loop3A_201 : i32 to index
        %parallel_loop3A_203 = tpu.vector_load %arg12[%parallel_loop3A_202] {strides = array<i32>} : memref<8192xi32, #tpu.memory_space<vmem>>, vector<16xi32>,
        %parallel_loop3A_204 = tpu.vector_load_idx %arg21[%parallel_loop3A_203] : memref<8192xf32, #tpu.memory_space<vmem>>[vector<16xi32>], vector<16xf32>,
        %parallel_loop3A_205 = arith.index_cast %parallel_loop3A_201 : i32 to index
        %parallel_loop3A_206 = tpu.vector_load %arg22[%parallel_loop3A_205] {strides = array<i32>} : memref<8192xf32, #tpu.memory_space<vmem>>, vector<16xf32>,
        tpu.vector_store %arg22[%parallel_loop3A_205], %parallel_loop3A_204 {strides = array<i32>} : memref<8192xf32, #tpu.memory_space<vmem>>, vector<16xf32>,
      } {sc.loop_unroll_factor = 16 : i64, sc.parallel_access}
      "tpu.region"() ({
        %run_scoped3A = tpu.sem_alloc : memref<!tpu.dma_semaphore, #tpu.memory_space<semaphore_mem>>
        %dma_start3A_201 = arith.constant 0 : i32
        %dma_start3A_202 = tpu.memref_slice %arg22[%dma_start3A_201] : memref<8192xf32, #tpu.memory_space<vmem>> -> memref<6144xf32, #tpu.memory_space<vmem>>
        %dma_start3A_203 = arith.constant 0 : i32
        %dma_start3A_204 = tpu.memref_slice %arg10[%select_n3A, %dma_start3A_203] : memref<8x6144xf32, #tpu.memory_space<hbm>> -> memref<1x6144xf32, #tpu.memory_space<hbm>>
        %dma_start3A_205 = tpu.memref_squeeze %dma_start3A_204 : memref<1x6144xf32, #tpu.memory_space<hbm>> -> memref<6144xf32, #tpu.memory_space<hbm>>
        %dma_start3A_206 = arith.constant 0 : i32
        %dma_start3A_207 = tpu.memref_slice %arg10[%select_n3A, %dma_start3A_206] : memref<8x6144xf32, #tpu.memory_space<hbm>> -> memref<1x6144xf32, #tpu.memory_space<hbm>>
        %dma_start3A_208 = tpu.memref_squeeze %dma_start3A_207 : memref<1x6144xf32, #tpu.memory_space<hbm>> -> memref<6144xf32, #tpu.memory_space<hbm>>
        %dma_start3A_209 = arith.constant 0 : i32
        %dma_start3A_210 = tpu.memref_slice %arg22[%dma_start3A_209] : memref<8192xf32, #tpu.memory_space<vmem>> -> memref<6144xf32, #tpu.memory_space<vmem>>
        tpu.enqueue_dma source(%dma_start3A_210 : memref<6144xf32, #tpu.memory_space<vmem>>) target(%dma_start3A_208 : memref<6144xf32, #tpu.memory_space<hbm>>) target_semaphore(%run_scoped3A : memref<!tpu.dma_semaphore, #tpu.memory_space<semaphore_mem>>)
        %dma_wait3A_211 = arith.constant 0 : i32
        %dma_wait3A_212 = tpu.memref_slice %arg22[%dma_wait3A_211] : memref<8192xf32, #tpu.memory_space<vmem>> -> memref<6144xf32, #tpu.memory_space<vmem>>
        %dma_wait3A_213 = arith.constant 0 : i32
        %dma_wait3A_214 = tpu.memref_slice %arg10[%select_n3A, %dma_wait3A_213] : memref<8x6144xf32, #tpu.memory_space<hbm>> -> memref<1x6144xf32, #tpu.memory_space<hbm>>
        %dma_wait3A_215 = tpu.memref_squeeze %dma_wait3A_214 : memref<1x6144xf32, #tpu.memory_space<hbm>> -> memref<6144xf32, #tpu.memory_space<hbm>>
        %dma_wait3A_216 = arith.constant 0 : i32
        %dma_wait3A_217 = tpu.memref_slice %arg10[%select_n3A, %dma_wait3A_216] : memref<8x6144xf32, #tpu.memory_space<hbm>> -> memref<1x6144xf32, #tpu.memory_space<hbm>>
        %dma_wait3A_218 = tpu.memref_squeeze %dma_wait3A_217 : memref<1x6144xf32, #tpu.memory_space<hbm>> -> memref<6144xf32, #tpu.memory_space<hbm>>
        %dma_wait3A_219 = arith.constant 0 : i32
        %dma_wait3A_220 = tpu.memref_slice %arg22[%dma_wait3A_219] : memref<8192xf32, #tpu.memory_space<vmem>> -> memref<6144xf32, #tpu.memory_space<vmem>>
        tpu.wait_dma2 semaphore(%run_scoped3A : memref<!tpu.dma_semaphore, #tpu.memory_space<semaphore_mem>>) src(%dma_wait3A_220 : memref<6144xf32, #tpu.memory_space<vmem>>) dst(%dma_wait3A_218 : memref<6144xf32, #tpu.memory_space<hbm>>)
        tpu.yield
      }) : () -> ()
      "tpu.region"() ({
        %run_scoped3A = tpu.sem_alloc : memref<!tpu.dma_semaphore, #tpu.memory_space<semaphore_mem>>
        %dma_start3A_201 = arith.constant 6144 : i32
        %dma_start3A_202 = tpu.memref_slice %arg22[%dma_start3A_201] : memref<8192xf32, #tpu.memory_space<vmem>> -> memref<2048xf32, #tpu.memory_space<vmem>>
        %dma_start3A_203 = arith.constant 0 : i32
        %dma_start3A_204 = tpu.memref_slice %arg11[%select_n3A, %dma_start3A_203] : memref<8x2048xf32, #tpu.memory_space<hbm>> -> memref<1x2048xf32, #tpu.memory_space<hbm>>
        %dma_start3A_205 = tpu.memref_squeeze %dma_start3A_204 : memref<1x2048xf32, #tpu.memory_space<hbm>> -> memref<2048xf32, #tpu.memory_space<hbm>>
        %dma_start3A_206 = arith.constant 0 : i32
        %dma_start3A_207 = tpu.memref_slice %arg11[%select_n3A, %dma_start3A_206] : memref<8x2048xf32, #tpu.memory_space<hbm>> -> memref<1x2048xf32, #tpu.memory_space<hbm>>
        %dma_start3A_208 = tpu.memref_squeeze %dma_start3A_207 : memref<1x2048xf32, #tpu.memory_space<hbm>> -> memref<2048xf32, #tpu.memory_space<hbm>>
        %dma_start3A_209 = arith.constant 6144 : i32
        %dma_start3A_210 = tpu.memref_slice %arg22[%dma_start3A_209] : memref<8192xf32, #tpu.memory_space<vmem>> -> memref<2048xf32, #tpu.memory_space<vmem>>
        tpu.enqueue_dma source(%dma_start3A_210 : memref<2048xf32, #tpu.memory_space<vmem>>) target(%dma_start3A_208 : memref<2048xf32, #tpu.memory_space<hbm>>) target_semaphore(%run_scoped3A : memref<!tpu.dma_semaphore, #tpu.memory_space<semaphore_mem>>)
        %dma_wait3A_211 = arith.constant 6144 : i32
        %dma_wait3A_212 = tpu.memref_slice %arg22[%dma_wait3A_211] : memref<8192xf32, #tpu.memory_space<vmem>> -> memref<2048xf32, #tpu.memory_space<vmem>>
        %dma_wait3A_213 = arith.constant 0 : i32
        %dma_wait3A_214 = tpu.memref_slice %arg11[%select_n3A, %dma_wait3A_213] : memref<8x2048xf32, #tpu.memory_space<hbm>> -> memref<1x2048xf32, #tpu.memory_space<hbm>>
        %dma_wait3A_215 = tpu.memref_squeeze %dma_wait3A_214 : memref<1x2048xf32, #tpu.memory_space<hbm>> -> memref<2048xf32, #tpu.memory_space<hbm>>
        %dma_wait3A_216 = arith.constant 0 : i32
        %dma_wait3A_217 = tpu.memref_slice %arg11[%select_n3A, %dma_wait3A_216] : memref<8x2048xf32, #tpu.memory_space<hbm>> -> memref<1x2048xf32, #tpu.memory_space<hbm>>
        %dma_wait3A_218 = tpu.memref_squeeze %dma_wait3A_217 : memref<1x2048xf32, #tpu.memory_space<hbm>> -> memref<2048xf32, #tpu.memory_space<hbm>>
        %dma_wait3A_219 = arith.constant 6144 : i32
        %dma_wait3A_220 = tpu.memref_slice %arg22[%dma_wait3A_219] : memref<8192xf32, #tpu.memory_space<vmem>> -> memref<2048xf32, #tpu.memory_space<vmem>>
        tpu.wait_dma2 semaphore(%run_scoped3A : memref<!tpu.dma_semaphore, #tpu.memory_space<semaphore_mem>>) src(%dma_wait3A_220 : memref<2048xf32, #tpu.memory_space<vmem>>) dst(%dma_wait3A_218 : memref<2048xf32, #tpu.memory_space<hbm>>)
        tpu.yield
      }) : () -> ()
    } else {
    }
    %dma_wait3A = arith.constant 0 : i32
    %dma_wait3A_104 = arith.constant 0 : i32
    %dma_wait3A_105 = arith.constant 0 : i32
    %dma_wait3A_106 = arith.constant 0 : i32
    %dma_wait3A_107 = arith.constant 0 : i32
    %dma_wait3A_108 = arith.constant 0 : i32
    %dma_wait3A_109 = tpu.memref_slice %arg6[%dma_wait3A, %dma_wait3A_104, %dma_wait3A_105, %dma_wait3A_107, %dma_wait3A_106, %dma_wait3A_108] : memref<8x16x8x48x8x128xf32, #tpu.memory_space<hbm>> -> memref<1x1x1x48x1x128xf32, #tpu.memory_space<hbm>>
    %dma_wait3A_110 = tpu.memref_squeeze %dma_wait3A_109 : memref<1x1x1x48x1x128xf32, #tpu.memory_space<hbm>> -> memref<48x128xf32, #tpu.memory_space<hbm>>
    %dma_wait3A_111 = arith.constant 0 : i32
    %dma_wait3A_112 = arith.constant 0 : i32
    %dma_wait3A_113 = tpu.memref_slice %arg6[%dma_wait3A, %dma_wait3A_104, %dma_wait3A_105, %dma_wait3A_111, %dma_wait3A_106, %dma_wait3A_112] : memref<8x16x8x48x8x128xf32, #tpu.memory_space<hbm>> -> memref<1x1x1x48x1x128xf32, #tpu.memory_space<hbm>>
    %dma_wait3A_114 = tpu.memref_squeeze %dma_wait3A_113 : memref<1x1x1x48x1x128xf32, #tpu.memory_space<hbm>> -> memref<48x128xf32, #tpu.memory_space<hbm>>
    tpu.wait_dma2 semaphore(%arg25 : memref<!tpu.dma_semaphore, #tpu.memory_space<semaphore_mem>>) src(%arg17 : memref<64x128xf32, #tpu.memory_space<vmem>>) dst(%dma_wait3A_114 : memref<48x128xf32, #tpu.memory_space<hbm>>)
    %dma_wait3A_115 = arith.constant 0 : i32
    %dma_wait3A_116 = arith.constant 0 : i32
    %dma_wait3A_117 = arith.constant 0 : i32
    %dma_wait3A_118 = arith.constant 0 : i32
    %dma_wait3A_119 = arith.constant 0 : i32
    %dma_wait3A_120 = arith.constant 0 : i32
    %dma_wait3A_121 = tpu.memref_slice %arg8[%dma_wait3A_115, %dma_wait3A_116, %dma_wait3A_117, %dma_wait3A_119, %dma_wait3A_118, %dma_wait3A_120] : memref<8x16x8x16x8x128xf32, #tpu.memory_space<hbm>> -> memref<1x1x1x16x1x128xf32, #tpu.memory_space<hbm>>
    %dma_wait3A_122 = tpu.memref_squeeze %dma_wait3A_121 : memref<1x1x1x16x1x128xf32, #tpu.memory_space<hbm>> -> memref<16x128xf32, #tpu.memory_space<hbm>>
    %dma_wait3A_123 = arith.constant 0 : i32
    %dma_wait3A_124 = arith.constant 0 : i32
    %dma_wait3A_125 = tpu.memref_slice %arg8[%dma_wait3A_115, %dma_wait3A_116, %dma_wait3A_117, %dma_wait3A_123, %dma_wait3A_118, %dma_wait3A_124] : memref<8x16x8x16x8x128xf32, #tpu.memory_space<hbm>> -> memref<1x1x1x16x1x128xf32, #tpu.memory_space<hbm>>
    %dma_wait3A_126 = tpu.memref_squeeze %dma_wait3A_125 : memref<1x1x1x16x1x128xf32, #tpu.memory_space<hbm>> -> memref<16x128xf32, #tpu.memory_space<hbm>>
    tpu.wait_dma2 semaphore(%arg25 : memref<!tpu.dma_semaphore, #tpu.memory_space<semaphore_mem>>) src(%arg17 : memref<64x128xf32, #tpu.memory_space<vmem>>) dst(%dma_wait3A_126 : memref<16x128xf32, #tpu.memory_space<hbm>>)
    %dma_wait3A_127 = arith.constant 0 : i32
    %dma_wait3A_128 = arith.constant 0 : i32
    %dma_wait3A_129 = arith.constant 0 : i32
    %dma_wait3A_130 = arith.constant 0 : i32
    %dma_wait3A_131 = arith.constant 0 : i32
    %dma_wait3A_132 = arith.constant 0 : i32
    %dma_wait3A_133 = tpu.memref_slice %arg6[%dma_wait3A_127, %dma_wait3A_128, %dma_wait3A_129, %dma_wait3A_131, %dma_wait3A_130, %dma_wait3A_132] : memref<8x16x8x48x8x128xf32, #tpu.memory_space<hbm>> -> memref<1x1x1x48x1x128xf32, #tpu.memory_space<hbm>>
    %dma_wait3A_134 = tpu.memref_squeeze %dma_wait3A_133 : memref<1x1x1x48x1x128xf32, #tpu.memory_space<hbm>> -> memref<48x128xf32, #tpu.memory_space<hbm>>
    %dma_wait3A_135 = arith.constant 0 : i32
    %dma_wait3A_136 = arith.constant 0 : i32
    %dma_wait3A_137 = tpu.memref_slice %arg6[%dma_wait3A_127, %dma_wait3A_128, %dma_wait3A_129, %dma_wait3A_135, %dma_wait3A_130, %dma_wait3A_136] : memref<8x16x8x48x8x128xf32, #tpu.memory_space<hbm>> -> memref<1x1x1x48x1x128xf32, #tpu.memory_space<hbm>>
    %dma_wait3A_138 = tpu.memref_squeeze %dma_wait3A_137 : memref<1x1x1x48x1x128xf32, #tpu.memory_space<hbm>> -> memref<48x128xf32, #tpu.memory_space<hbm>>
    tpu.wait_dma2 semaphore(%arg25 : memref<!tpu.dma_semaphore, #tpu.memory_space<semaphore_mem>>) src(%arg19 : memref<64x128xf32, #tpu.memory_space<vmem>>) dst(%dma_wait3A_138 : memref<48x128xf32, #tpu.memory_space<hbm>>)
    %dma_wait3A_139 = arith.constant 0 : i32
    %dma_wait3A_140 = arith.constant 0 : i32
    %dma_wait3A_141 = arith.constant 0 : i32
    %dma_wait3A_142 = arith.constant 0 : i32
    %dma_wait3A_143 = arith.constant 0 : i32
    %dma_wait3A_144 = arith.constant 0 : i32
    %dma_wait3A_145 = tpu.memref_slice %arg8[%dma_wait3A_139, %dma_wait3A_140, %dma_wait3A_141, %dma_wait3A_143, %dma_wait3A_142, %dma_wait3A_144] : memref<8x16x8x16x8x128xf32, #tpu.memory_space<hbm>> -> memref<1x1x1x16x1x128xf32, #tpu.memory_space<hbm>>
    %dma_wait3A_146 = tpu.memref_squeeze %dma_wait3A_145 : memref<1x1x1x16x1x128xf32, #tpu.memory_space<hbm>> -> memref<16x128xf32, #tpu.memory_space<hbm>>
    %dma_wait3A_147 = arith.constant 0 : i32
    %dma_wait3A_148 = arith.constant 0 : i32
    %dma_wait3A_149 = tpu.memref_slice %arg8[%dma_wait3A_139, %dma_wait3A_140, %dma_wait3A_141, %dma_wait3A_147, %dma_wait3A_142, %dma_wait3A_148] : memref<8x16x8x16x8x128xf32, #tpu.memory_space<hbm>> -> memref<1x1x1x16x1x128xf32, #tpu.memory_space<hbm>>
    %dma_wait3A_150 = tpu.memref_squeeze %dma_wait3A_149 : memref<1x1x1x16x1x128xf32, #tpu.memory_space<hbm>> -> memref<16x128xf32, #tpu.memory_space<hbm>>
    tpu.wait_dma2 semaphore(%arg25 : memref<!tpu.dma_semaphore, #tpu.memory_space<semaphore_mem>>) src(%arg19 : memref<64x128xf32, #tpu.memory_space<vmem>>) dst(%dma_wait3A_150 : memref<16x128xf32, #tpu.memory_space<hbm>>)
    %dma_wait3A_151 = arith.constant 0 : i32
    %dma_wait3A_152 = arith.constant 0 : i32
    %dma_wait3A_153 = arith.constant 0 : i32
    %dma_wait3A_154 = arith.constant 0 : i32
    %dma_wait3A_155 = arith.constant 0 : i32
    %dma_wait3A_156 = arith.constant 0 : i32
    %dma_wait3A_157 = tpu.memref_slice %arg6[%dma_wait3A_151, %dma_wait3A_152, %dma_wait3A_153, %dma_wait3A_155, %dma_wait3A_154, %dma_wait3A_156] : memref<8x16x8x48x8x128xf32, #tpu.memory_space<hbm>> -> memref<1x1x1x48x1x128xf32, #tpu.memory_space<hbm>>
    %dma_wait3A_158 = tpu.memref_squeeze %dma_wait3A_157 : memref<1x1x1x48x1x128xf32, #tpu.memory_space<hbm>> -> memref<48x128xf32, #tpu.memory_space<hbm>>
    %dma_wait3A_159 = arith.constant 0 : i32
    %dma_wait3A_160 = arith.constant 0 : i32
    %dma_wait3A_161 = tpu.memref_slice %arg6[%dma_wait3A_151, %dma_wait3A_152, %dma_wait3A_153, %dma_wait3A_159, %dma_wait3A_154, %dma_wait3A_160] : memref<8x16x8x48x8x128xf32, #tpu.memory_space<hbm>> -> memref<1x1x1x48x1x128xf32, #tpu.memory_space<hbm>>
    %dma_wait3A_162 = tpu.memref_squeeze %dma_wait3A_161 : memref<1x1x1x48x1x128xf32, #tpu.memory_space<hbm>> -> memref<48x128xf32, #tpu.memory_space<hbm>>
    tpu.wait_dma2 semaphore(%arg26 : memref<!tpu.dma_semaphore, #tpu.memory_space<semaphore_mem>>) src(%arg18 : memref<64x128xf32, #tpu.memory_space<vmem>>) dst(%dma_wait3A_162 : memref<48x128xf32, #tpu.memory_space<hbm>>)
    %dma_wait3A_163 = arith.constant 0 : i32
    %dma_wait3A_164 = arith.constant 0 : i32
    %dma_wait3A_165 = arith.constant 0 : i32
    %dma_wait3A_166 = arith.constant 0 : i32
    %dma_wait3A_167 = arith.constant 0 : i32
    %dma_wait3A_168 = arith.constant 0 : i32
    %dma_wait3A_169 = tpu.memref_slice %arg8[%dma_wait3A_163, %dma_wait3A_164, %dma_wait3A_165, %dma_wait3A_167, %dma_wait3A_166, %dma_wait3A_168] : memref<8x16x8x16x8x128xf32, #tpu.memory_space<hbm>> -> memref<1x1x1x16x1x128xf32, #tpu.memory_space<hbm>>
    %dma_wait3A_170 = tpu.memref_squeeze %dma_wait3A_169 : memref<1x1x1x16x1x128xf32, #tpu.memory_space<hbm>> -> memref<16x128xf32, #tpu.memory_space<hbm>>
    %dma_wait3A_171 = arith.constant 0 : i32
    %dma_wait3A_172 = arith.constant 0 : i32
    %dma_wait3A_173 = tpu.memref_slice %arg8[%dma_wait3A_163, %dma_wait3A_164, %dma_wait3A_165, %dma_wait3A_171, %dma_wait3A_166, %dma_wait3A_172] : memref<8x16x8x16x8x128xf32, #tpu.memory_space<hbm>> -> memref<1x1x1x16x1x128xf32, #tpu.memory_space<hbm>>
    %dma_wait3A_174 = tpu.memref_squeeze %dma_wait3A_173 : memref<1x1x1x16x1x128xf32, #tpu.memory_space<hbm>> -> memref<16x128xf32, #tpu.memory_space<hbm>>
    tpu.wait_dma2 semaphore(%arg26 : memref<!tpu.dma_semaphore, #tpu.memory_space<semaphore_mem>>) src(%arg18 : memref<64x128xf32, #tpu.memory_space<vmem>>) dst(%dma_wait3A_174 : memref<16x128xf32, #tpu.memory_space<hbm>>)
    %dma_wait3A_175 = arith.constant 0 : i32
    %dma_wait3A_176 = arith.constant 0 : i32
    %dma_wait3A_177 = arith.constant 0 : i32
    %dma_wait3A_178 = arith.constant 0 : i32
    %dma_wait3A_179 = arith.constant 0 : i32
    %dma_wait3A_180 = arith.constant 0 : i32
    %dma_wait3A_181 = tpu.memref_slice %arg6[%dma_wait3A_175, %dma_wait3A_176, %dma_wait3A_177, %dma_wait3A_179, %dma_wait3A_178, %dma_wait3A_180] : memref<8x16x8x48x8x128xf32, #tpu.memory_space<hbm>> -> memref<1x1x1x48x1x128xf32, #tpu.memory_space<hbm>>
    %dma_wait3A_182 = tpu.memref_squeeze %dma_wait3A_181 : memref<1x1x1x48x1x128xf32, #tpu.memory_space<hbm>> -> memref<48x128xf32, #tpu.memory_space<hbm>>
    %dma_wait3A_183 = arith.constant 0 : i32
    %dma_wait3A_184 = arith.constant 0 : i32
    %dma_wait3A_185 = tpu.memref_slice %arg6[%dma_wait3A_175, %dma_wait3A_176, %dma_wait3A_177, %dma_wait3A_183, %dma_wait3A_178, %dma_wait3A_184] : memref<8x16x8x48x8x128xf32, #tpu.memory_space<hbm>> -> memref<1x1x1x48x1x128xf32, #tpu.memory_space<hbm>>
    %dma_wait3A_186 = tpu.memref_squeeze %dma_wait3A_185 : memref<1x1x1x48x1x128xf32, #tpu.memory_space<hbm>> -> memref<48x128xf32, #tpu.memory_space<hbm>>
    tpu.wait_dma2 semaphore(%arg26 : memref<!tpu.dma_semaphore, #tpu.memory_space<semaphore_mem>>) src(%arg20 : memref<64x128xf32, #tpu.memory_space<vmem>>) dst(%dma_wait3A_186 : memref<48x128xf32, #tpu.memory_space<hbm>>)
    %dma_wait3A_187 = arith.constant 0 : i32
    %dma_wait3A_188 = arith.constant 0 : i32
    %dma_wait3A_189 = arith.constant 0 : i32
    %dma_wait3A_190 = arith.constant 0 : i32
    %dma_wait3A_191 = arith.constant 0 : i32
    %dma_wait3A_192 = arith.constant 0 : i32
    %dma_wait3A_193 = tpu.memref_slice %arg8[%dma_wait3A_187, %dma_wait3A_188, %dma_wait3A_189, %dma_wait3A_191, %dma_wait3A_190, %dma_wait3A_192] : memref<8x16x8x16x8x128xf32, #tpu.memory_space<hbm>> -> memref<1x1x1x16x1x128xf32, #tpu.memory_space<hbm>>
    %dma_wait3A_194 = tpu.memref_squeeze %dma_wait3A_193 : memref<1x1x1x16x1x128xf32, #tpu.memory_space<hbm>> -> memref<16x128xf32, #tpu.memory_space<hbm>>
    %dma_wait3A_195 = arith.constant 0 : i32
    %dma_wait3A_196 = arith.constant 0 : i32
    %dma_wait3A_197 = tpu.memref_slice %arg8[%dma_wait3A_187, %dma_wait3A_188, %dma_wait3A_189, %dma_wait3A_195, %dma_wait3A_190, %dma_wait3A_196] : memref<8x16x8x16x8x128xf32, #tpu.memory_space<hbm>> -> memref<1x1x1x16x1x128xf32, #tpu.memory_space<hbm>>
    %dma_wait3A_198 = tpu.memref_squeeze %dma_wait3A_197 : memref<1x1x1x16x1x128xf32, #tpu.memory_space<hbm>> -> memref<16x128xf32, #tpu.memory_space<hbm>>
    tpu.wait_dma2 semaphore(%arg26 : memref<!tpu.dma_semaphore, #tpu.memory_space<semaphore_mem>>) src(%arg20 : memref<64x128xf32, #tpu.memory_space<vmem>>) dst(%dma_wait3A_198 : memref<16x128xf32, #tpu.memory_space<hbm>>)
    return
  }
}

module attributes {stable_mosaic.version = 14 : i64} {
  func.func @_sort_body(%arg0: i32, %arg1: memref<91xi32, #tpu.memory_space<smem>>, %arg2: memref<91xi32, #tpu.memory_space<smem>>, %arg3: memref<8x8192xf32, #tpu.memory_space<vmem>>, %arg4: memref<8x8192xf32, #tpu.memory_space<vmem>>, %arg5: memref<8x8192xi32, #tpu.memory_space<vmem>>) attributes {dimension_semantics = [#tpu.dimension_semantics<arbitrary>], iteration_bounds = array<i64: 13>, scalar_prefetch = 0 : i64, scratch_operands = 0 : i64, tpu.core_type = #tpu.core_type<tc>, window_params = [{transform_indices = @transform_0, window_bounds = array<i64: 91>}, {transform_indices = @transform_1, window_bounds = array<i64: 91>}, {pipeline_mode = #tpu.pipeline_mode<synchronous>, transform_indices = @transform_2, window_bounds = array<i64: 8, 8192>}, {pipeline_mode = #tpu.pipeline_mode<synchronous>, transform_indices = @transform_3, window_bounds = array<i64: 8, 8192>}, {pipeline_mode = #tpu.pipeline_mode<synchronous>, transform_indices = @transform_4, window_bounds = array<i64: 8, 8192>}]} {
    %eq3A = arith.constant 0 : i32
    %eq3A_0 = arith.cmpi eq, %arg0, %eq3A : i32
    %convert_element_type3A = arith.extui %eq3A_0 : i1 to i32
    %cond3A = arith.constant 0 : i32
    %cond3A_1 = arith.cmpi ne, %convert_element_type3A, %cond3A : i32
    scf.if %cond3A_1 {
      %get3A_318 = arith.constant 0 : index
      %get3A_319 = arith.constant 0 : index
      %get3A_320 = vector.load %arg3[%get3A_318, %get3A_319] : memref<8x8192xf32, #tpu.memory_space<vmem>>, vector<8x8192xf32>
      %swap3A_321 = arith.constant 0 : index
      %swap3A_322 = arith.constant 0 : index
      %swap3A_323 = vector.load %arg4[%swap3A_321, %swap3A_322] : memref<8x8192xf32, #tpu.memory_space<vmem>>, vector<8x8192xf32>
      tpu.vector_store %arg4[%swap3A_321, %swap3A_322], %get3A_320 {strides = array<i32>} : memref<8x8192xf32, #tpu.memory_space<vmem>>, vector<8x8192xf32>,
      %iota3A_324 = tpu.iota {dimensions = array<i32: 1>} : vector<8x8192xi32>
      %swap3A_325 = arith.constant 0 : index
      %swap3A_326 = arith.constant 0 : index
      %swap3A_327 = vector.load %arg5[%swap3A_325, %swap3A_326] : memref<8x8192xi32, #tpu.memory_space<vmem>>, vector<8x8192xi32>
      tpu.vector_store %arg5[%swap3A_325, %swap3A_326], %iota3A_324 {strides = array<i32>} : memref<8x8192xi32, #tpu.memory_space<vmem>>, vector<8x8192xi32>,
    } else {
    }
    %get3A = arith.constant 0 : index
    %get3A_2 = arith.constant 0 : index
    %get3A_3 = vector.load %arg4[%get3A, %get3A_2] : memref<8x8192xf32, #tpu.memory_space<vmem>>, vector<8x8192xf32>
    %get3A_4 = arith.constant 0 : index
    %get3A_5 = arith.constant 0 : index
    %get3A_6 = vector.load %arg5[%get3A_4, %get3A_5] : memref<8x8192xi32, #tpu.memory_space<vmem>>, vector<8x8192xi32>
    %iota3A = tpu.iota {dimensions = array<i32: 1>} : vector<8x8192xi32>
    %mul3A = arith.constant 7 : i32
    %mul3A_7 = arith.muli %arg0, %mul3A : i32
    %add3A = arith.constant 0 : i32
    %add3A_8 = arith.addi %mul3A_7, %add3A : i32
    %get3A_9 = arith.index_cast %add3A_8 : i32 to index
    %get3A_10 = memref.load %arg1[%get3A_9] : memref<91xi32, #tpu.memory_space<smem>>
    %mul3A_11 = arith.constant 7 : i32
    %mul3A_12 = arith.muli %arg0, %mul3A_11 : i32
    %add3A_13 = arith.constant 0 : i32
    %add3A_14 = arith.addi %mul3A_12, %add3A_13 : i32
    %get3A_15 = arith.index_cast %add3A_14 : i32 to index
    %get3A_16 = memref.load %arg2[%get3A_15] : memref<91xi32, #tpu.memory_space<smem>>
    %and3A = vector.broadcast %get3A_10 : i32 to vector<8x8192xi32>
    %and3A_17 = arith.andi %iota3A, %and3A : vector<8x8192xi32>
    %eq3A_18 = arith.constant 0 : i32
    %eq3A_19 = vector.broadcast %eq3A_18 : i32 to vector<8x8192xi32>
    %eq3A_20 = arith.cmpi eq, %and3A_17, %eq3A_19 : vector<8x8192xi32>
    %sub3A = arith.constant 8192 : i32
    %sub3A_21 = arith.subi %sub3A, %get3A_10 : i32
    %roll3A = tpu.dynamic_rotate %get3A_3 by %sub3A_21 dim 1 : vector<8x8192xf32>, i32 -> vector<8x8192xf32>
    %roll3A_22 = tpu.dynamic_rotate %get3A_3 by %get3A_10 dim 1 : vector<8x8192xf32>, i32 -> vector<8x8192xf32>
    %select_n3A = arith.select %eq3A_20, %roll3A, %roll3A_22 : vector<8x8192xi1>, vector<8x8192xf32>
    %sub3A_23 = arith.constant 8192 : i32
    %sub3A_24 = arith.subi %sub3A_23, %get3A_10 : i32
    %roll3A_25 = tpu.dynamic_rotate %get3A_6 by %sub3A_24 dim 1 : vector<8x8192xi32>, i32 -> vector<8x8192xi32>
    %roll3A_26 = tpu.dynamic_rotate %get3A_6 by %get3A_10 dim 1 : vector<8x8192xi32>, i32 -> vector<8x8192xi32>
    %select_n3A_27 = arith.select %eq3A_20, %roll3A_25, %roll3A_26 : vector<8x8192xi1>, vector<8x8192xi32>
    %and3A_28 = vector.broadcast %get3A_16 : i32 to vector<8x8192xi32>
    %and3A_29 = arith.andi %iota3A, %and3A_28 : vector<8x8192xi32>
    %eq3A_30 = arith.constant 0 : i32
    %eq3A_31 = vector.broadcast %eq3A_30 : i32 to vector<8x8192xi32>
    %eq3A_32 = arith.cmpi eq, %and3A_29, %eq3A_31 : vector<8x8192xi32>
    %gt3A = arith.cmpf ogt, %select_n3A, %get3A_3 : vector<8x8192xf32>
    %eq3A_33 = arith.cmpf oeq, %select_n3A, %get3A_3 : vector<8x8192xf32>
    %lt3A = arith.cmpi slt, %select_n3A_27, %get3A_6 : vector<8x8192xi32>
    %and3A_34 = arith.andi %eq3A_33, %lt3A : vector<8x8192xi1>
    %or3A = arith.ori %gt3A, %and3A_34 : vector<8x8192xi1>
    %eq3A_35 = arith.xori %eq3A_20, %eq3A_32 : vector<8x8192xi1>
    %eq3A_36 = arith.constant dense<true> : vector<8x8192xi1>
    %eq3A_37 = arith.xori %eq3A_35, %eq3A_36 : vector<8x8192xi1>
    %eq3A_38 = arith.xori %or3A, %eq3A_37 : vector<8x8192xi1>
    %eq3A_39 = arith.constant dense<true> : vector<8x8192xi1>
    %eq3A_40 = arith.xori %eq3A_38, %eq3A_39 : vector<8x8192xi1>
    %select_n3A_41 = arith.select %eq3A_40, %select_n3A, %get3A_3 : vector<8x8192xi1>, vector<8x8192xf32>
    %select_n3A_42 = arith.select %eq3A_40, %select_n3A_27, %get3A_6 : vector<8x8192xi1>, vector<8x8192xi32>
    %mul3A_43 = arith.constant 7 : i32
    %mul3A_44 = arith.muli %arg0, %mul3A_43 : i32
    %add3A_45 = arith.constant 1 : i32
    %add3A_46 = arith.addi %mul3A_44, %add3A_45 : i32
    %get3A_47 = arith.index_cast %add3A_46 : i32 to index
    %get3A_48 = memref.load %arg1[%get3A_47] : memref<91xi32, #tpu.memory_space<smem>>
    %mul3A_49 = arith.constant 7 : i32
    %mul3A_50 = arith.muli %arg0, %mul3A_49 : i32
    %add3A_51 = arith.constant 1 : i32
    %add3A_52 = arith.addi %mul3A_50, %add3A_51 : i32
    %get3A_53 = arith.index_cast %add3A_52 : i32 to index
    %get3A_54 = memref.load %arg2[%get3A_53] : memref<91xi32, #tpu.memory_space<smem>>
    %and3A_55 = vector.broadcast %get3A_48 : i32 to vector<8x8192xi32>
    %and3A_56 = arith.andi %iota3A, %and3A_55 : vector<8x8192xi32>
    %eq3A_57 = arith.constant 0 : i32
    %eq3A_58 = vector.broadcast %eq3A_57 : i32 to vector<8x8192xi32>
    %eq3A_59 = arith.cmpi eq, %and3A_56, %eq3A_58 : vector<8x8192xi32>
    %sub3A_60 = arith.constant 8192 : i32
    %sub3A_61 = arith.subi %sub3A_60, %get3A_48 : i32
    %roll3A_62 = tpu.dynamic_rotate %select_n3A_41 by %sub3A_61 dim 1 : vector<8x8192xf32>, i32 -> vector<8x8192xf32>
    %roll3A_63 = tpu.dynamic_rotate %select_n3A_41 by %get3A_48 dim 1 : vector<8x8192xf32>, i32 -> vector<8x8192xf32>
    %select_n3A_64 = arith.select %eq3A_59, %roll3A_62, %roll3A_63 : vector<8x8192xi1>, vector<8x8192xf32>
    %sub3A_65 = arith.constant 8192 : i32
    %sub3A_66 = arith.subi %sub3A_65, %get3A_48 : i32
    %roll3A_67 = tpu.dynamic_rotate %select_n3A_42 by %sub3A_66 dim 1 : vector<8x8192xi32>, i32 -> vector<8x8192xi32>
    %roll3A_68 = tpu.dynamic_rotate %select_n3A_42 by %get3A_48 dim 1 : vector<8x8192xi32>, i32 -> vector<8x8192xi32>
    %select_n3A_69 = arith.select %eq3A_59, %roll3A_67, %roll3A_68 : vector<8x8192xi1>, vector<8x8192xi32>
    %and3A_70 = vector.broadcast %get3A_54 : i32 to vector<8x8192xi32>
    %and3A_71 = arith.andi %iota3A, %and3A_70 : vector<8x8192xi32>
    %eq3A_72 = arith.constant 0 : i32
    %eq3A_73 = vector.broadcast %eq3A_72 : i32 to vector<8x8192xi32>
    %eq3A_74 = arith.cmpi eq, %and3A_71, %eq3A_73 : vector<8x8192xi32>
    %gt3A_75 = arith.cmpf ogt, %select_n3A_64, %select_n3A_41 : vector<8x8192xf32>
    %eq3A_76 = arith.cmpf oeq, %select_n3A_64, %select_n3A_41 : vector<8x8192xf32>
    %lt3A_77 = arith.cmpi slt, %select_n3A_69, %select_n3A_42 : vector<8x8192xi32>
    %and3A_78 = arith.andi %eq3A_76, %lt3A_77 : vector<8x8192xi1>
    %or3A_79 = arith.ori %gt3A_75, %and3A_78 : vector<8x8192xi1>
    %eq3A_80 = arith.xori %eq3A_59, %eq3A_74 : vector<8x8192xi1>
    %eq3A_81 = arith.constant dense<true> : vector<8x8192xi1>
    %eq3A_82 = arith.xori %eq3A_80, %eq3A_81 : vector<8x8192xi1>
    %eq3A_83 = arith.xori %or3A_79, %eq3A_82 : vector<8x8192xi1>
    %eq3A_84 = arith.constant dense<true> : vector<8x8192xi1>
    %eq3A_85 = arith.xori %eq3A_83, %eq3A_84 : vector<8x8192xi1>
    %select_n3A_86 = arith.select %eq3A_85, %select_n3A_64, %select_n3A_41 : vector<8x8192xi1>, vector<8x8192xf32>
    %select_n3A_87 = arith.select %eq3A_85, %select_n3A_69, %select_n3A_42 : vector<8x8192xi1>, vector<8x8192xi32>
    %mul3A_88 = arith.constant 7 : i32
    %mul3A_89 = arith.muli %arg0, %mul3A_88 : i32
    %add3A_90 = arith.constant 2 : i32
    %add3A_91 = arith.addi %mul3A_89, %add3A_90 : i32
    %get3A_92 = arith.index_cast %add3A_91 : i32 to index
    %get3A_93 = memref.load %arg1[%get3A_92] : memref<91xi32, #tpu.memory_space<smem>>
    %mul3A_94 = arith.constant 7 : i32
    %mul3A_95 = arith.muli %arg0, %mul3A_94 : i32
    %add3A_96 = arith.constant 2 : i32
    %add3A_97 = arith.addi %mul3A_95, %add3A_96 : i32
    %get3A_98 = arith.index_cast %add3A_97 : i32 to index
    %get3A_99 = memref.load %arg2[%get3A_98] : memref<91xi32, #tpu.memory_space<smem>>
    %and3A_100 = vector.broadcast %get3A_93 : i32 to vector<8x8192xi32>
    %and3A_101 = arith.andi %iota3A, %and3A_100 : vector<8x8192xi32>
    %eq3A_102 = arith.constant 0 : i32
    %eq3A_103 = vector.broadcast %eq3A_102 : i32 to vector<8x8192xi32>
    %eq3A_104 = arith.cmpi eq, %and3A_101, %eq3A_103 : vector<8x8192xi32>
    %sub3A_105 = arith.constant 8192 : i32
    %sub3A_106 = arith.subi %sub3A_105, %get3A_93 : i32
    %roll3A_107 = tpu.dynamic_rotate %select_n3A_86 by %sub3A_106 dim 1 : vector<8x8192xf32>, i32 -> vector<8x8192xf32>
    %roll3A_108 = tpu.dynamic_rotate %select_n3A_86 by %get3A_93 dim 1 : vector<8x8192xf32>, i32 -> vector<8x8192xf32>
    %select_n3A_109 = arith.select %eq3A_104, %roll3A_107, %roll3A_108 : vector<8x8192xi1>, vector<8x8192xf32>
    %sub3A_110 = arith.constant 8192 : i32
    %sub3A_111 = arith.subi %sub3A_110, %get3A_93 : i32
    %roll3A_112 = tpu.dynamic_rotate %select_n3A_87 by %sub3A_111 dim 1 : vector<8x8192xi32>, i32 -> vector<8x8192xi32>
    %roll3A_113 = tpu.dynamic_rotate %select_n3A_87 by %get3A_93 dim 1 : vector<8x8192xi32>, i32 -> vector<8x8192xi32>
    %select_n3A_114 = arith.select %eq3A_104, %roll3A_112, %roll3A_113 : vector<8x8192xi1>, vector<8x8192xi32>
    %and3A_115 = vector.broadcast %get3A_99 : i32 to vector<8x8192xi32>
    %and3A_116 = arith.andi %iota3A, %and3A_115 : vector<8x8192xi32>
    %eq3A_117 = arith.constant 0 : i32
    %eq3A_118 = vector.broadcast %eq3A_117 : i32 to vector<8x8192xi32>
    %eq3A_119 = arith.cmpi eq, %and3A_116, %eq3A_118 : vector<8x8192xi32>
    %gt3A_120 = arith.cmpf ogt, %select_n3A_109, %select_n3A_86 : vector<8x8192xf32>
    %eq3A_121 = arith.cmpf oeq, %select_n3A_109, %select_n3A_86 : vector<8x8192xf32>
    %lt3A_122 = arith.cmpi slt, %select_n3A_114, %select_n3A_87 : vector<8x8192xi32>
    %and3A_123 = arith.andi %eq3A_121, %lt3A_122 : vector<8x8192xi1>
    %or3A_124 = arith.ori %gt3A_120, %and3A_123 : vector<8x8192xi1>
    %eq3A_125 = arith.xori %eq3A_104, %eq3A_119 : vector<8x8192xi1>
    %eq3A_126 = arith.constant dense<true> : vector<8x8192xi1>
    %eq3A_127 = arith.xori %eq3A_125, %eq3A_126 : vector<8x8192xi1>
    %eq3A_128 = arith.xori %or3A_124, %eq3A_127 : vector<8x8192xi1>
    %eq3A_129 = arith.constant dense<true> : vector<8x8192xi1>
    %eq3A_130 = arith.xori %eq3A_128, %eq3A_129 : vector<8x8192xi1>
    %select_n3A_131 = arith.select %eq3A_130, %select_n3A_109, %select_n3A_86 : vector<8x8192xi1>, vector<8x8192xf32>
    %select_n3A_132 = arith.select %eq3A_130, %select_n3A_114, %select_n3A_87 : vector<8x8192xi1>, vector<8x8192xi32>
    %mul3A_133 = arith.constant 7 : i32
    %mul3A_134 = arith.muli %arg0, %mul3A_133 : i32
    %add3A_135 = arith.constant 3 : i32
    %add3A_136 = arith.addi %mul3A_134, %add3A_135 : i32
    %get3A_137 = arith.index_cast %add3A_136 : i32 to index
    %get3A_138 = memref.load %arg1[%get3A_137] : memref<91xi32, #tpu.memory_space<smem>>
    %mul3A_139 = arith.constant 7 : i32
    %mul3A_140 = arith.muli %arg0, %mul3A_139 : i32
    %add3A_141 = arith.constant 3 : i32
    %add3A_142 = arith.addi %mul3A_140, %add3A_141 : i32
    %get3A_143 = arith.index_cast %add3A_142 : i32 to index
    %get3A_144 = memref.load %arg2[%get3A_143] : memref<91xi32, #tpu.memory_space<smem>>
    %and3A_145 = vector.broadcast %get3A_138 : i32 to vector<8x8192xi32>
    %and3A_146 = arith.andi %iota3A, %and3A_145 : vector<8x8192xi32>
    %eq3A_147 = arith.constant 0 : i32
    %eq3A_148 = vector.broadcast %eq3A_147 : i32 to vector<8x8192xi32>
    %eq3A_149 = arith.cmpi eq, %and3A_146, %eq3A_148 : vector<8x8192xi32>
    %sub3A_150 = arith.constant 8192 : i32
    %sub3A_151 = arith.subi %sub3A_150, %get3A_138 : i32
    %roll3A_152 = tpu.dynamic_rotate %select_n3A_131 by %sub3A_151 dim 1 : vector<8x8192xf32>, i32 -> vector<8x8192xf32>
    %roll3A_153 = tpu.dynamic_rotate %select_n3A_131 by %get3A_138 dim 1 : vector<8x8192xf32>, i32 -> vector<8x8192xf32>
    %select_n3A_154 = arith.select %eq3A_149, %roll3A_152, %roll3A_153 : vector<8x8192xi1>, vector<8x8192xf32>
    %sub3A_155 = arith.constant 8192 : i32
    %sub3A_156 = arith.subi %sub3A_155, %get3A_138 : i32
    %roll3A_157 = tpu.dynamic_rotate %select_n3A_132 by %sub3A_156 dim 1 : vector<8x8192xi32>, i32 -> vector<8x8192xi32>
    %roll3A_158 = tpu.dynamic_rotate %select_n3A_132 by %get3A_138 dim 1 : vector<8x8192xi32>, i32 -> vector<8x8192xi32>
    %select_n3A_159 = arith.select %eq3A_149, %roll3A_157, %roll3A_158 : vector<8x8192xi1>, vector<8x8192xi32>
    %and3A_160 = vector.broadcast %get3A_144 : i32 to vector<8x8192xi32>
    %and3A_161 = arith.andi %iota3A, %and3A_160 : vector<8x8192xi32>
    %eq3A_162 = arith.constant 0 : i32
    %eq3A_163 = vector.broadcast %eq3A_162 : i32 to vector<8x8192xi32>
    %eq3A_164 = arith.cmpi eq, %and3A_161, %eq3A_163 : vector<8x8192xi32>
    %gt3A_165 = arith.cmpf ogt, %select_n3A_154, %select_n3A_131 : vector<8x8192xf32>
    %eq3A_166 = arith.cmpf oeq, %select_n3A_154, %select_n3A_131 : vector<8x8192xf32>
    %lt3A_167 = arith.cmpi slt, %select_n3A_159, %select_n3A_132 : vector<8x8192xi32>
    %and3A_168 = arith.andi %eq3A_166, %lt3A_167 : vector<8x8192xi1>
    %or3A_169 = arith.ori %gt3A_165, %and3A_168 : vector<8x8192xi1>
    %eq3A_170 = arith.xori %eq3A_149, %eq3A_164 : vector<8x8192xi1>
    %eq3A_171 = arith.constant dense<true> : vector<8x8192xi1>
    %eq3A_172 = arith.xori %eq3A_170, %eq3A_171 : vector<8x8192xi1>
    %eq3A_173 = arith.xori %or3A_169, %eq3A_172 : vector<8x8192xi1>
    %eq3A_174 = arith.constant dense<true> : vector<8x8192xi1>
    %eq3A_175 = arith.xori %eq3A_173, %eq3A_174 : vector<8x8192xi1>
    %select_n3A_176 = arith.select %eq3A_175, %select_n3A_154, %select_n3A_131 : vector<8x8192xi1>, vector<8x8192xf32>
    %select_n3A_177 = arith.select %eq3A_175, %select_n3A_159, %select_n3A_132 : vector<8x8192xi1>, vector<8x8192xi32>
    %mul3A_178 = arith.constant 7 : i32
    %mul3A_179 = arith.muli %arg0, %mul3A_178 : i32
    %add3A_180 = arith.constant 4 : i32
    %add3A_181 = arith.addi %mul3A_179, %add3A_180 : i32
    %get3A_182 = arith.index_cast %add3A_181 : i32 to index
    %get3A_183 = memref.load %arg1[%get3A_182] : memref<91xi32, #tpu.memory_space<smem>>
    %mul3A_184 = arith.constant 7 : i32
    %mul3A_185 = arith.muli %arg0, %mul3A_184 : i32
    %add3A_186 = arith.constant 4 : i32
    %add3A_187 = arith.addi %mul3A_185, %add3A_186 : i32
    %get3A_188 = arith.index_cast %add3A_187 : i32 to index
    %get3A_189 = memref.load %arg2[%get3A_188] : memref<91xi32, #tpu.memory_space<smem>>
    %and3A_190 = vector.broadcast %get3A_183 : i32 to vector<8x8192xi32>
    %and3A_191 = arith.andi %iota3A, %and3A_190 : vector<8x8192xi32>
    %eq3A_192 = arith.constant 0 : i32
    %eq3A_193 = vector.broadcast %eq3A_192 : i32 to vector<8x8192xi32>
    %eq3A_194 = arith.cmpi eq, %and3A_191, %eq3A_193 : vector<8x8192xi32>
    %sub3A_195 = arith.constant 8192 : i32
    %sub3A_196 = arith.subi %sub3A_195, %get3A_183 : i32
    %roll3A_197 = tpu.dynamic_rotate %select_n3A_176 by %sub3A_196 dim 1 : vector<8x8192xf32>, i32 -> vector<8x8192xf32>
    %roll3A_198 = tpu.dynamic_rotate %select_n3A_176 by %get3A_183 dim 1 : vector<8x8192xf32>, i32 -> vector<8x8192xf32>
    %select_n3A_199 = arith.select %eq3A_194, %roll3A_197, %roll3A_198 : vector<8x8192xi1>, vector<8x8192xf32>
    %sub3A_200 = arith.constant 8192 : i32
    %sub3A_201 = arith.subi %sub3A_200, %get3A_183 : i32
    %roll3A_202 = tpu.dynamic_rotate %select_n3A_177 by %sub3A_201 dim 1 : vector<8x8192xi32>, i32 -> vector<8x8192xi32>
    %roll3A_203 = tpu.dynamic_rotate %select_n3A_177 by %get3A_183 dim 1 : vector<8x8192xi32>, i32 -> vector<8x8192xi32>
    %select_n3A_204 = arith.select %eq3A_194, %roll3A_202, %roll3A_203 : vector<8x8192xi1>, vector<8x8192xi32>
    %and3A_205 = vector.broadcast %get3A_189 : i32 to vector<8x8192xi32>
    %and3A_206 = arith.andi %iota3A, %and3A_205 : vector<8x8192xi32>
    %eq3A_207 = arith.constant 0 : i32
    %eq3A_208 = vector.broadcast %eq3A_207 : i32 to vector<8x8192xi32>
    %eq3A_209 = arith.cmpi eq, %and3A_206, %eq3A_208 : vector<8x8192xi32>
    %gt3A_210 = arith.cmpf ogt, %select_n3A_199, %select_n3A_176 : vector<8x8192xf32>
    %eq3A_211 = arith.cmpf oeq, %select_n3A_199, %select_n3A_176 : vector<8x8192xf32>
    %lt3A_212 = arith.cmpi slt, %select_n3A_204, %select_n3A_177 : vector<8x8192xi32>
    %and3A_213 = arith.andi %eq3A_211, %lt3A_212 : vector<8x8192xi1>
    %or3A_214 = arith.ori %gt3A_210, %and3A_213 : vector<8x8192xi1>
    %eq3A_215 = arith.xori %eq3A_194, %eq3A_209 : vector<8x8192xi1>
    %eq3A_216 = arith.constant dense<true> : vector<8x8192xi1>
    %eq3A_217 = arith.xori %eq3A_215, %eq3A_216 : vector<8x8192xi1>
    %eq3A_218 = arith.xori %or3A_214, %eq3A_217 : vector<8x8192xi1>
    %eq3A_219 = arith.constant dense<true> : vector<8x8192xi1>
    %eq3A_220 = arith.xori %eq3A_218, %eq3A_219 : vector<8x8192xi1>
    %select_n3A_221 = arith.select %eq3A_220, %select_n3A_199, %select_n3A_176 : vector<8x8192xi1>, vector<8x8192xf32>
    %select_n3A_222 = arith.select %eq3A_220, %select_n3A_204, %select_n3A_177 : vector<8x8192xi1>, vector<8x8192xi32>
    %mul3A_223 = arith.constant 7 : i32
    %mul3A_224 = arith.muli %arg0, %mul3A_223 : i32
    %add3A_225 = arith.constant 5 : i32
    %add3A_226 = arith.addi %mul3A_224, %add3A_225 : i32
    %get3A_227 = arith.index_cast %add3A_226 : i32 to index
    %get3A_228 = memref.load %arg1[%get3A_227] : memref<91xi32, #tpu.memory_space<smem>>
    %mul3A_229 = arith.constant 7 : i32
    %mul3A_230 = arith.muli %arg0, %mul3A_229 : i32
    %add3A_231 = arith.constant 5 : i32
    %add3A_232 = arith.addi %mul3A_230, %add3A_231 : i32
    %get3A_233 = arith.index_cast %add3A_232 : i32 to index
    %get3A_234 = memref.load %arg2[%get3A_233] : memref<91xi32, #tpu.memory_space<smem>>
    %and3A_235 = vector.broadcast %get3A_228 : i32 to vector<8x8192xi32>
    %and3A_236 = arith.andi %iota3A, %and3A_235 : vector<8x8192xi32>
    %eq3A_237 = arith.constant 0 : i32
    %eq3A_238 = vector.broadcast %eq3A_237 : i32 to vector<8x8192xi32>
    %eq3A_239 = arith.cmpi eq, %and3A_236, %eq3A_238 : vector<8x8192xi32>
    %sub3A_240 = arith.constant 8192 : i32
    %sub3A_241 = arith.subi %sub3A_240, %get3A_228 : i32
    %roll3A_242 = tpu.dynamic_rotate %select_n3A_221 by %sub3A_241 dim 1 : vector<8x8192xf32>, i32 -> vector<8x8192xf32>
    %roll3A_243 = tpu.dynamic_rotate %select_n3A_221 by %get3A_228 dim 1 : vector<8x8192xf32>, i32 -> vector<8x8192xf32>
    %select_n3A_244 = arith.select %eq3A_239, %roll3A_242, %roll3A_243 : vector<8x8192xi1>, vector<8x8192xf32>
    %sub3A_245 = arith.constant 8192 : i32
    %sub3A_246 = arith.subi %sub3A_245, %get3A_228 : i32
    %roll3A_247 = tpu.dynamic_rotate %select_n3A_222 by %sub3A_246 dim 1 : vector<8x8192xi32>, i32 -> vector<8x8192xi32>
    %roll3A_248 = tpu.dynamic_rotate %select_n3A_222 by %get3A_228 dim 1 : vector<8x8192xi32>, i32 -> vector<8x8192xi32>
    %select_n3A_249 = arith.select %eq3A_239, %roll3A_247, %roll3A_248 : vector<8x8192xi1>, vector<8x8192xi32>
    %and3A_250 = vector.broadcast %get3A_234 : i32 to vector<8x8192xi32>
    %and3A_251 = arith.andi %iota3A, %and3A_250 : vector<8x8192xi32>
    %eq3A_252 = arith.constant 0 : i32
    %eq3A_253 = vector.broadcast %eq3A_252 : i32 to vector<8x8192xi32>
    %eq3A_254 = arith.cmpi eq, %and3A_251, %eq3A_253 : vector<8x8192xi32>
    %gt3A_255 = arith.cmpf ogt, %select_n3A_244, %select_n3A_221 : vector<8x8192xf32>
    %eq3A_256 = arith.cmpf oeq, %select_n3A_244, %select_n3A_221 : vector<8x8192xf32>
    %lt3A_257 = arith.cmpi slt, %select_n3A_249, %select_n3A_222 : vector<8x8192xi32>
    %and3A_258 = arith.andi %eq3A_256, %lt3A_257 : vector<8x8192xi1>
    %or3A_259 = arith.ori %gt3A_255, %and3A_258 : vector<8x8192xi1>
    %eq3A_260 = arith.xori %eq3A_239, %eq3A_254 : vector<8x8192xi1>
    %eq3A_261 = arith.constant dense<true> : vector<8x8192xi1>
    %eq3A_262 = arith.xori %eq3A_260, %eq3A_261 : vector<8x8192xi1>
    %eq3A_263 = arith.xori %or3A_259, %eq3A_262 : vector<8x8192xi1>
    %eq3A_264 = arith.constant dense<true> : vector<8x8192xi1>
    %eq3A_265 = arith.xori %eq3A_263, %eq3A_264 : vector<8x8192xi1>
    %select_n3A_266 = arith.select %eq3A_265, %select_n3A_244, %select_n3A_221 : vector<8x8192xi1>, vector<8x8192xf32>
    %select_n3A_267 = arith.select %eq3A_265, %select_n3A_249, %select_n3A_222 : vector<8x8192xi1>, vector<8x8192xi32>
    %mul3A_268 = arith.constant 7 : i32
    %mul3A_269 = arith.muli %arg0, %mul3A_268 : i32
    %add3A_270 = arith.constant 6 : i32
    %add3A_271 = arith.addi %mul3A_269, %add3A_270 : i32
    %get3A_272 = arith.index_cast %add3A_271 : i32 to index
    %get3A_273 = memref.load %arg1[%get3A_272] : memref<91xi32, #tpu.memory_space<smem>>
    %mul3A_274 = arith.constant 7 : i32
    %mul3A_275 = arith.muli %arg0, %mul3A_274 : i32
    %add3A_276 = arith.constant 6 : i32
    %add3A_277 = arith.addi %mul3A_275, %add3A_276 : i32
    %get3A_278 = arith.index_cast %add3A_277 : i32 to index
    %get3A_279 = memref.load %arg2[%get3A_278] : memref<91xi32, #tpu.memory_space<smem>>
    %and3A_280 = vector.broadcast %get3A_273 : i32 to vector<8x8192xi32>
    %and3A_281 = arith.andi %iota3A, %and3A_280 : vector<8x8192xi32>
    %eq3A_282 = arith.constant 0 : i32
    %eq3A_283 = vector.broadcast %eq3A_282 : i32 to vector<8x8192xi32>
    %eq3A_284 = arith.cmpi eq, %and3A_281, %eq3A_283 : vector<8x8192xi32>
    %sub3A_285 = arith.constant 8192 : i32
    %sub3A_286 = arith.subi %sub3A_285, %get3A_273 : i32
    %roll3A_287 = tpu.dynamic_rotate %select_n3A_266 by %sub3A_286 dim 1 : vector<8x8192xf32>, i32 -> vector<8x8192xf32>
    %roll3A_288 = tpu.dynamic_rotate %select_n3A_266 by %get3A_273 dim 1 : vector<8x8192xf32>, i32 -> vector<8x8192xf32>
    %select_n3A_289 = arith.select %eq3A_284, %roll3A_287, %roll3A_288 : vector<8x8192xi1>, vector<8x8192xf32>
    %sub3A_290 = arith.constant 8192 : i32
    %sub3A_291 = arith.subi %sub3A_290, %get3A_273 : i32
    %roll3A_292 = tpu.dynamic_rotate %select_n3A_267 by %sub3A_291 dim 1 : vector<8x8192xi32>, i32 -> vector<8x8192xi32>
    %roll3A_293 = tpu.dynamic_rotate %select_n3A_267 by %get3A_273 dim 1 : vector<8x8192xi32>, i32 -> vector<8x8192xi32>
    %select_n3A_294 = arith.select %eq3A_284, %roll3A_292, %roll3A_293 : vector<8x8192xi1>, vector<8x8192xi32>
    %and3A_295 = vector.broadcast %get3A_279 : i32 to vector<8x8192xi32>
    %and3A_296 = arith.andi %iota3A, %and3A_295 : vector<8x8192xi32>
    %eq3A_297 = arith.constant 0 : i32
    %eq3A_298 = vector.broadcast %eq3A_297 : i32 to vector<8x8192xi32>
    %eq3A_299 = arith.cmpi eq, %and3A_296, %eq3A_298 : vector<8x8192xi32>
    %gt3A_300 = arith.cmpf ogt, %select_n3A_289, %select_n3A_266 : vector<8x8192xf32>
    %eq3A_301 = arith.cmpf oeq, %select_n3A_289, %select_n3A_266 : vector<8x8192xf32>
    %lt3A_302 = arith.cmpi slt, %select_n3A_294, %select_n3A_267 : vector<8x8192xi32>
    %and3A_303 = arith.andi %eq3A_301, %lt3A_302 : vector<8x8192xi1>
    %or3A_304 = arith.ori %gt3A_300, %and3A_303 : vector<8x8192xi1>
    %eq3A_305 = arith.xori %eq3A_284, %eq3A_299 : vector<8x8192xi1>
    %eq3A_306 = arith.constant dense<true> : vector<8x8192xi1>
    %eq3A_307 = arith.xori %eq3A_305, %eq3A_306 : vector<8x8192xi1>
    %eq3A_308 = arith.xori %or3A_304, %eq3A_307 : vector<8x8192xi1>
    %eq3A_309 = arith.constant dense<true> : vector<8x8192xi1>
    %eq3A_310 = arith.xori %eq3A_308, %eq3A_309 : vector<8x8192xi1>
    %select_n3A_311 = arith.select %eq3A_310, %select_n3A_289, %select_n3A_266 : vector<8x8192xi1>, vector<8x8192xf32>
    %select_n3A_312 = arith.select %eq3A_310, %select_n3A_294, %select_n3A_267 : vector<8x8192xi1>, vector<8x8192xi32>
    %swap3A = arith.constant 0 : index
    %swap3A_313 = arith.constant 0 : index
    %swap3A_314 = vector.load %arg4[%swap3A, %swap3A_313] : memref<8x8192xf32, #tpu.memory_space<vmem>>, vector<8x8192xf32>
    tpu.vector_store %arg4[%swap3A, %swap3A_313], %select_n3A_311 {strides = array<i32>} : memref<8x8192xf32, #tpu.memory_space<vmem>>, vector<8x8192xf32>,
    %swap3A_315 = arith.constant 0 : index
    %swap3A_316 = arith.constant 0 : index
    %swap3A_317 = vector.load %arg5[%swap3A_315, %swap3A_316] : memref<8x8192xi32, #tpu.memory_space<vmem>>, vector<8x8192xi32>
    tpu.vector_store %arg5[%swap3A_315, %swap3A_316], %select_n3A_312 {strides = array<i32>} : memref<8x8192xi32, #tpu.memory_space<vmem>>, vector<8x8192xi32>,
    return
  }
  func.func @transform_0(%arg0: i32) -> i32 {
    %c0_i32 = arith.constant 0 : i32
    %c0_i32_0 = arith.constant 0 : i32
    return %c0_i32 : i32
  }
  func.func @transform_1(%arg0: i32) -> i32 {
    %c0_i32 = arith.constant 0 : i32
    %c0_i32_0 = arith.constant 0 : i32
    return %c0_i32 : i32
  }
  func.func @transform_2(%arg0: i32) -> (i32, i32) {
    %c0_i32 = arith.constant 0 : i32
    %c0_i32_0 = arith.constant 0 : i32
    %c0_i32_1 = arith.constant 0 : i32
    return %c0_i32, %c0_i32_0 : i32, i32
  }
  func.func @transform_3(%arg0: i32) -> (i32, i32) {
    %c0_i32 = arith.constant 0 : i32
    %c0_i32_0 = arith.constant 0 : i32
    %c0_i32_1 = arith.constant 0 : i32
    return %c0_i32, %c0_i32_0 : i32, i32
  }
  func.func @transform_4(%arg0: i32) -> (i32, i32) {
    %c0_i32 = arith.constant 0 : i32
    %c0_i32_0 = arith.constant 0 : i32
    %c0_i32_1 = arith.constant 0 : i32
    return %c0_i32, %c0_i32_0 : i32, i32
  }
}

</mosaic_0001>

<sc_bundles>
// kernel: kernel.4.cloned.1.call-start
scs
__scs_entry_jumppad:
0x0: {  	(pc) =	sbr.rel $0x88, $3  }
0x1: {  	(tag) =	ssettag $0x0;
	lr =	simm.s32 $0x1  }
0x2: {  	[smem:$0x3F9E] =	sst lr;
	_ =	strace $0xD0000000  }
0x3: {  	_ = 	snop  }
0x4: {  	_ = 	snop  }
0x5: {  	_ = 	snop  }
0x6: {  	_ = 	snop  }
0x7: {  	_ = 	snop  }
__scs_overlays_trampoline_lowered:
0x8: {  	[smem:$0x3FAD] =	sst s0  }
0x9: {  	[smem:$0x3FAE] =	sst s1  }
0xa: {  	[smem:$0x3FAF] =	sst s2  }
0xb: {  	[smem:$0x3FB0] =	sst s3  }
0xc: {  	[smem:$0x3FB1] =	sst s4  }
0xd: {  	[smem:$0x3FB2] =	sst s5  }
0xe: {  	[smem:$0x3FB3] =	sst s6  }
0xf: {  	[smem:$0x3FB4] =	sst s7  }
0x10: {  	[smem:$0x3FB5] =	sst s8  }
0x11: {  	[smem:$0x3FB6] =	sst s9;
	s0 =	simm.s32 @!p0 $0x0  }
0x12: {  	s1 =	sld [smem:$0x3F9C];
	s0 =	simm.s32 @p0 $0x1  }
0x13: {  	[smem:$0x3FB7] =	sst s0;
	s0 =	simm.s32 @!p1 $0x0  }
0x14: {  	s2 =	sld [smem:$0x3F9B];
	s0 =	simm.s32 @p1 $0x1  }
0x15: {  	[smem:$0x3FB8] =	sst s0;
	s0 =	simm.s32 @!p2 $0x0  }
0x16: {  	s3 =	sld [smem:$0x3FDB];
	s0 =	simm.s32 @p2 $0x1  }
0x17: {  	s4 =	simm.s32 $0x1BF5;
	[smem:$0x3FBA] =	sst s0  }
0x18: {  	s0 =	sld [smem:$0x3F9D];
	_ =	swait.ge [sflag:s4], $0x0  }
0x19: {  	s7 =	sld [smem:$0x3F9E]  }
0x1a: {  	s8 =	sadd.s32 $0xFFFFE003, lr  }
0x1b: {  	s9 =	sadd.s32 $0xFFFFFEF7, lr;
	s5 =	simm.s32 $0xFFFFFFFF;
	p2 =	slt.u32 s8, $0xFFFFF086  }
0x1c: {  	p1 =	slt.u32 s9, $0xF7A;
	s5 =	simm.s32 @!p2 $0x0  }
0x1d: {  	s5 =	simm.s32 @p1 $0x1;
	p0 =	seq.s32 s7, s2  }
0x1e: {  	s7 =	smul.u32 @!p0 $0xF7A, s2;
	p2 =	seq.s32 @!p0 s5, $0x0  }
0x1f: {  	s9 =	smul.u32 $0xF7A, s1;
	s8 =	simm.s32 @!p0 $0x1BF5;
	p2 =	por !p2, p0  }
0x20: {  	[sflag:s8] =	ssyncset.s32 @!p0 $0xFFFFF086;
	s6 =	sadd.s32 @!p0 s3, s7;
	s7 =	simm.s32 @!p0 $0x108  }
0x21: {  	s3 =	sadd.s32 s3, s9;
	s6 =	sadd.s32 @!p0 $0x88, s6;
	s7 =	simm.s32 @p2 $0x1082  }
0x22: {  	[simem:s7], [sflag:s8] =	dma.local @!p0 [hbm:s6], $0xF7A  }
0x23: {  	s9 =	sor.u32 $0xD0000000, s2;
	s6 =	simm.s32 $0x108;
	_ =	swait.ge @!p0 [sflag:s8], $0x0  }
0x24: {  	s3 =	sadd.s32 $0x88, s3;
	s6 =	simm.s32 @!p1 $0x1082;
	[sflag:s4] =	ssyncset.s32 $0xFFFFF086  }
0x25: {  	[simem:s6], [sflag:s4] =	dma.local [hbm:s3], $0xF7A  }
0x26: {  	[smem:$0x3F9E] =	sst s1;
	(tag) =	ssettag s2;
	_ =	strace s9  }
0x27: {  	s1 =	sld [smem:$0x3FAE]  }
0x28: {  	s2 =	sld [smem:$0x3FAF]  }
0x29: {  	s4 =	sld [smem:$0x3FB1]  }
0x2a: {  	p0 =	seq.s32 s5, $0x0;
	s5 =	sld [smem:$0x3FB2]  }
0x2b: {  	s6 =	sld [smem:$0x3FB3]  }
0x2c: {  	s7 =	sld [smem:$0x3FB4]  }
0x2d: {  	s3 =	simm.s32 $0x108;
	s8 =	sld [smem:$0x3FB5]  }
0x2e: {  	s3 =	simm.s32 @!p0 $0x1082;
	s9 =	sld [smem:$0x3FB6]  }
0x2f: {  	lr =	sadd.s32 s0, s3;
	s0 =	sld [smem:$0x3FAD]  }
0x30: {  	s3 =	sld [smem:$0x3FB0]  }
0x31: {  	[smem:$0x3FB9] =	sst s10  }
0x32: {  	s10 =	sld [smem:$0x3FB7];
	_ =	sdelay $0x3  }
0x33: {  	p0 =	seq.s32 s10, $0x1;
	s10 =	sld [smem:$0x3FB9];
	_ =	sdelay $0x3  }
0x34: {  	[smem:$0x3FB9] =	sst s10  }
0x35: {  	s10 =	sld [smem:$0x3FB8];
	_ =	sdelay $0x3  }
0x36: {  	p1 =	seq.s32 s10, $0x1;
	s10 =	sld [smem:$0x3FB9];
	_ =	sdelay $0x3  }
0x37: {  	[smem:$0x3FB9] =	sst s10  }
0x38: {  	s10 =	sld [smem:$0x3FBA]  }
0x39: {  	_ = 	snop;
	(pc) =	sbr.ind lr, $3  }
0x3a: {  	_ = 	snop  }
0x3b: {  	_ = 	snop  }
0x3c: {  	p2 =	seq.s32 s10, $0x1;
	s10 =	sld [smem:$0x3FB9]  }
0x3d: {  	_ =	shalt  }
0x3e: {  	_ =	shalt  }
0x3f: {  	_ =	shalt  }
0x40: {  	_ =	shalt  }
0x41: {  	_ =	shalt  }
0x42: {  	_ =	shalt  }
0x43: {  	_ =	shalt  }
0x44: {  	_ =	shalt  }
0x45: {  	_ =	shalt  }
0x46: {  	_ =	shalt  }
0x47: {  	_ =	shalt  }
0x48: {  	_ =	shalt  }
0x49: {  	_ =	shalt  }
0x4a: {  	_ =	shalt  }
0x4b: {  	_ =	shalt  }
0x4c: {  	_ =	shalt  }
0x4d: {  	_ =	shalt  }
0x4e: {  	_ =	shalt  }
0x4f: {  	_ =	shalt  }
0x50: {  	_ =	shalt  }
0x51: {  	_ =	shalt  }
0x52: {  	_ =	shalt  }
0x53: {  	_ =	shalt  }
0x54: {  	_ =	shalt  }
0x55: {  	_ =	shalt  }
0x56: {  	_ =	shalt  }
0x57: {  	_ =	shalt  }
0x58: {  	_ =	shalt  }
0x59: {  	_ =	shalt  }
0x5a: {  	_ =	shalt  }
0x5b: {  	_ =	shalt  }
0x5c: {  	_ =	shalt  }
0x5d: {  	_ =	shalt  }
0x5e: {  	_ =	shalt  }
0x5f: {  	_ =	shalt  }
0x60: {  	_ =	shalt  }
0x61: {  	_ =	shalt  }
0x62: {  	_ =	shalt  }
0x63: {  	_ =	shalt  }
0x64: {  	_ =	shalt  }
0x65: {  	_ =	shalt  }
0x66: {  	_ =	shalt  }
0x67: {  	_ =	shalt  }
0x68: {  	_ =	shalt  }
0x69: {  	_ =	shalt  }
0x6a: {  	_ =	shalt  }
0x6b: {  	_ =	shalt  }
0x6c: {  	_ =	shalt  }
0x6d: {  	_ =	shalt  }
0x6e: {  	_ =	shalt  }
0x6f: {  	_ =	shalt  }
0x70: {  	_ =	shalt  }
0x71: {  	_ =	shalt  }
0x72: {  	_ =	shalt  }
0x73: {  	_ =	shalt  }
0x74: {  	_ =	shalt  }
0x75: {  	_ =	shalt  }
0x76: {  	_ =	shalt  }
0x77: {  	_ =	shalt  }
0x78: {  	_ =	shalt  }
0x79: {  	_ =	shalt  }
0x7a: {  	_ =	shalt  }
0x7b: {  	_ =	shalt  }
0x7c: {  	_ =	shalt  }
0x7d: {  	_ =	shalt  }
0x7e: {  	_ =	shalt  }
0x7f: {  	_ =	shalt  }
0x80: {  	_ =	shalt  }
0x81: {  	_ =	shalt  }
0x82: {  	_ =	shalt  }
0x83: {  	_ =	shalt  }
0x84: {  	_ =	shalt  }
0x85: {  	_ =	shalt  }
0x86: {  	_ =	shalt  }
0x87: {  	_ =	shalt  }
.Lfunc_end0:
.L_simem_size_0:
called_computation_lowered:
.L_overlay_start_0:
0x88: {  	s2 =	sld [smem:$0x3FD9]  }
0x89: {  	s3 =	sld [smem:$0x3FFE];
	_ =	sdelay $0x1  }
0x8a: {  	s1 =	srdreg.scid  }
0x8b: {  	s0 =	sand.u32 $0x1, s1  }
0x8c: {  	s14 =	sshll.u32 s0, $0xA;
	s2 =	sadd.s32 s3, s2  }
0x8d: {  	s2 =	sadd.s32 s2, s14  }
0x8e: {  	[smem:$0x3FC5] =	sst s2  }
0x8f: {  	_ = 	snop  }
0x90: {  	s2 =	sld [smem:$0x3FD0];
	_ =	sdelay $0x1  }
0x91: {  	s15 =	sld [smem:$0x3FC9]  }
0x92: {  	s5 =	simm.s32 $0xA;
	s6 =	simm.s32 $0x10;
	s4 =	sld [smem:$0x3FC8]  }
0x93: {  	[smem:s6], [sflag:s5] =	dma.local [hbm:s2], $0x1  }
0x94: {  	_ =	swait.eq [sflag:s5], $0x1  }
0x95: {  	s16 =	sld [smem:$0x10]  }
0x96: {  	s17 =	sld [smem:$0x11]  }
0x97: {  	s7 =	sld [smem:$0x12];
	[sflag:s5] =	ssyncset.done $0x0  }
0x98: {  	s8 =	sld [smem:$0x13];
	[sflag:s5] =	ssyncadd.s32 $0xFFFFFFFF  }
0x99: {  	s18 =	sld [smem:$0x14];
	(tm) =	ssettm $0x1  }
0x9a: {  	s9 =	sld [smem:$0x3FFB];
	_ =	sdelay $0x3  }
0x9b: {  	_ =	strace s9  }
0x9c: {  	s9 =	sld [smem:$0x3FFC];
	_ =	sdelay $0x3  }
0x9d: {  	_ =	strace s9  }
0x9e: {  	s9 =	sld [smem:$0x3FFD];
	_ =	sdelay $0x3  }
0x9f: {  	_ =	strace s9  }
0xa0: {  	_ =	strace $0x8FFFFFFF  }
0xa1: {  	s19 =	sld [smem:$0x3FDB];
	_ =	sdelay $0x1  }
0xa2: {  	s10 =	simm.s32 $_scs_section_size  }
0xa3: {  	s11 =	simm.s32 $_size__tile_overlayer_lowered;
	s12 =	simm.s32 $_tile_overlayer_lowered  }
0xa4: {  	s22 =	simm.s32 $0x1BFF;
	s21 =	sshll.u32 s12, $0x1;
	s9 =	sadd.s32 s10, s19  }
0xa5: {  	s13 =	simm.s32 $0x0;
	s20 =	sshll.u32 s11, $0x1;
	s11 =	sadd.s32 s21, s9  }
0xa6: {  	[timem:s13], [sflag:s22] =	dma.local [hbm:s11], s20  }
0xa7: {  	_ =	swait.ge [sflag:s22], s20  }
0xa8: {  	s10 =	ssub.s32 $0x0, s20;
	[sflag:s22] =	ssyncset.done $0x0  }
0xa9: {  	[sflag:s22] =	ssyncadd.s32 s10;
	_ =	sdelay $0x1  }
0xaa: {  	s23 =	simm.s32 $0x1B8B  }
0xab: {  	_ =	swait.ge [sflag:s23], $0x1  }
0xac: {  	[sflag:s23] =	ssyncset.done $0x0  }
0xad: {  	s25 =	simm.s32 $0x1B8E;
	s24 =	sld [smem:$0x3FFE];
	[sflag:s23] =	ssyncadd.s32 $0xFFFFFFFF  }
0xae: {  	s26 =	simm.s32 $execute0_lowered;
	[smem:$0x3FD2] =	sst s25  }
0xaf: {  	s11 =	sshll.u32 s26, $0x1;
	_ =	strace $0x80000046;
	[dreg:$0x1] =	wrdreg $0xFFFFFFFF  }
0xb0: {  	s28 =	simm.s32 $_size_execute0_lowered;
	s9 =	sadd.s32 s9, s11;
	[dreg:$0x0] =	wrdreg $0x0  }
0xb1: {  	s11 =	sshll.u32 s28, $0x1;
	[dreg:$0x2] =	wrdreg s9  }
0xb2: {  	[dreg:$0x3] =	wrdreg s11  }
0xb3: {  	[dreg:$0x4] =	wrdreg $0xC0  }
0xb4: {  	_ =	task [dreg:s13], $0x5FFFF  }
0xb5: {  	[dreg:$0x1] =	wrdreg $0xFFFFFFFF  }
0xb6: {  	[dreg:$0x0] =	wrdreg $0x60  }
0xb7: {  	[dreg:$0x2] =	wrdreg s15  }
0xb8: {  	[dreg:$0x3] =	wrdreg s4  }
0xb9: {  	[dreg:$0x4] =	wrdreg s24  }
0xba: {  	[dreg:$0x5] =	wrdreg s16  }
0xbb: {  	[dreg:$0x6] =	wrdreg s17  }
0xbc: {  	[dreg:$0x7] =	wrdreg s8  }
0xbd: {  	[dreg:$0x8] =	wrdreg s18  }
0xbe: {  	[dreg:$0x9] =	wrdreg s7  }
0xbf: {  	[dreg:$0xa] =	wrdreg $0x9  }
0xc0: {  	_ =	task.clear_ibuf [dreg:s13], $0xBFFFF;
	_ =	strace $0x90000046  }
0xc1: {  	s29 =	simm.s32 $0x9;
	_ =	strace $0x80000048  }
0xc2: {  	_ =	swait.ge [sflag:s29], $0x1  }
0xc3: {  	[sflag:s29] =	ssyncadd.s32 $0xFFFFFFFF  }
0xc4: {  	_ =	strace $0x90000048  }
0xc5: {  	_ =	sfence  }
0xc6: {  	s30 =	sld [smem:$0x0];
	_ =	sdelay $0x2  }
0xc7: {  	s31 =	sshll.u32 s1, $0xD;
	s1 =	sshrl.u32 s1, $0x2  }
0xc8: {  	s3 =	sand.u32 $0x4000, s31;
	s1 =	sadd.s32 s1, s30  }
0xc9: {  	s0 =	sor.u32 s3, s0;
	s1 =	sshll.u32 s1, $0x11  }
0xca: {  	s0 =	sor.u32 s1, s0  }
0xcb: {  	s0 =	sadd.s32 $0x8F2B, s0  }
0xcc: {  	[sflag:s0] =	ssyncadd.remote.s32 $0x1  }
0xcd: {  	_ =	sfence.sel $0xFFFF  }
0xce: {  	[dreg:$0x0] =	wrdreg $0xFFFFFFFF;
	(pc) =	sbr.abs _section_cstart, $3  }
0xcf: {  	[dreg:$0x1] =	wrdreg $0xFFFFFFFF  }
0xd0: {  	_ =	task.clear_ibuf [dreg:s13], $0x2FFFF;
	_ =	strace $0x9FFFFFFF  }
0xd1: {  	(tm) =	ssettm $0x7FFFFFFF  }
tec
execute0_lowered:
.L_overlay_start_1:
0x0: {  	(tag) =	ssettag $0x1  }
0x1: {  	s31 =	rddreg [dreg:$0x0]  }
0x2: {  	s12 =	rddreg [dreg:$0x1]  }
0x3: {  	s0 =	rddreg [dreg:$0x2]  }
0x4: {  	s3 =	rddreg [dreg:$0x3]  }
0x5: {  	s4 =	rddreg [dreg:$0x4]  }
0x6: {  	s5 =	rddreg [dreg:$0x5]  }
0x7: {  	s6 =	rddreg [dreg:$0x6]  }
0x8: {  	s1 =	rddreg [dreg:$0x7];
	s2 =	simm.s32 $0x0;
	s13 =	stileid.u32  }
0x9: {  	s7 =	srdreg.scid;
	s28 =	simm.s32 $0xE000;
	s29 =	simm.s32 $0x1  }
0xa: {  	s30 =	simm.s32 $0x80;
	[smem:$0x7FF] =	sst s2;
	s17 =	sshrl.u32 s13, $0x1  }
0xb: {  	s7 =	sand.u32 $0x1, s7;
	s11 =	sshll.u32 s13, $0x1;
	s21 =	sshll.u32 s13, $0x13  }
0xc: {  	_ =	strace $0x80000047;
	s8 =	sshll.u32 s17, $0xA;
	s9 =	smul.u32 $0x300, s17  }
0xd: {  	s10 =	ssub.s32 $0x2, s7;
	s7 =	sor.u32 s7, s11;
	s22 =	smul.u32 $0x600000, s17  }
0xe: {  	s23 =	sshll.u32 s17, $0x15;
	s25 =	sshll.u32 s17, $0x8;
	s8 =	sadd.s32 s8, s0  }
0xf: {  	s18 =	sshrl.u32 s10, $0x1;
	s19 =	sand.u32 $0x3, s7;
	s11 =	sshll.u32 s7, $0x12  }
0x10: {  	s7 =	sshll.u32 s7, $0x2;
	[dreg:$0x10] =	wrdreg s23;
	s23 =	simm.s32 $0x400  }
0x11: {  	s0 =	sadd.s32 s9, s0;
	s9 =	ssub.s32 s10, s18;
	[dreg:$0xa] =	wrdreg s7  }
0x12: {  	s14 =	sadd.s32 $0x3000, s8;
	s20 =	sadd.s32 s31, s11;
	[dreg:$0xf] =	wrdreg s22  }
0x13: {  	s11 =	sadd.s32 s12, s11;
	s7 =	sand.u32 $0xC, s7;
	[dreg:$0x9] =	wrdreg s14  }
0x14: {  	s24 =	sadd.s32 $0x1000, s8;
	s22 =	simm.s32 $0x100;
	[dreg:$0xb] =	wrdreg s20  }
0x15: {  	p0 =	sne.s32 s19, $0x0;
	s19 =	simm.s32 $0x15800;
	[dreg:$0xc] =	wrdreg s11  }
0x16: {  	s12 =	simm.s32 $0x2;
	s8 =	simm.s32 $0x4;
	[dreg:$0xd] =	wrdreg s7  }
0x17: {  	s7 =	sand.u32 $0x700000, s21;
	[dreg:$0x11] =	wrdreg s24;
	s0 =	sadd.s32 $0x5000, s0  }
.Ltmp0:
0x18: {  	s26 =	smax.u32 s9, $0x1;
	s24 =	simm.s32 $0x2000;
	(pc) =	sbr.rel .LBB2_1-.Ltmp0, $4  }
0x19: {  	s9 =	simm.s32 $0x18000;
	s11 =	simm.s32 $0x19800;
	[dreg:$0xe] =	wrdreg s7  }
0x1a: {  	s20 =	simm.s32 $0x3;
	s21 =	simm.s32 $0x1A000;
	[dreg:$0x12] =	wrdreg s0  }
0x1b: {  	s0 =	sadd.s32 s1, s25;
	[dreg:$0x14] =	wrdreg s26;
	s25 =	simm.s32 $0xA000  }
0x1c: {  	s26 =	simm.s32 $0x6000;
	s1 =	simm.s32 $0x0;
	[dreg:$0x13] =	wrdreg s0  }
.LBB2_15:
0x1d: {  	_ =	swait.ge [sflag:s20], $0x1800  }
0x1e: {  	[sflag:s20] =	ssyncset.done $0x0  }
0x1f: {  	[sflag:s20] =	ssyncadd.s32 $0xFFFFE800  }
0x20: {  	_ =	swait.ge [sflag:s20], $0x800  }
0x21: {  	[sflag:s20] =	ssyncset.done $0x0  }
0x22: {  	[sflag:s20] =	ssyncadd.s32 $0xFFFFF800  }
0x23: {  	_ =	swait.ge [sflag:s20], $0x1800  }
0x24: {  	[sflag:s20] =	ssyncset.done $0x0  }
0x25: {  	[sflag:s20] =	ssyncadd.s32 $0xFFFFE800  }
0x26: {  	_ =	swait.ge [sflag:s20], $0x800  }
0x27: {  	[sflag:s20] =	ssyncset.done $0x0  }
0x28: {  	[sflag:s20] =	ssyncadd.s32 $0xFFFFF800  }
0x29: {  	_ =	swait.ge [sflag:s8], $0x1800  }
0x2a: {  	[sflag:s8] =	ssyncset.done $0x0  }
0x2b: {  	[sflag:s8] =	ssyncadd.s32 $0xFFFFE800  }
0x2c: {  	_ =	swait.ge [sflag:s8], $0x800  }
0x2d: {  	[sflag:s8] =	ssyncset.done $0x0  }
0x2e: {  	[sflag:s8] =	ssyncadd.s32 $0xFFFFF800  }
0x2f: {  	_ =	swait.ge [sflag:s8], $0x1800  }
0x30: {  	[sflag:s8] =	ssyncset.done $0x0  }
0x31: {  	[sflag:s8] =	ssyncadd.s32 $0xFFFFE800  }
0x32: {  	_ =	swait.ge [sflag:s8], $0x800  }
0x33: {  	s1 =	sadd.s32 $0x1, s1;
	s0 =	rddreg [dreg:$0x14]  }
0x34: {  	p1 =	sne.s32 s1, s0  }
.Ltmp1:
0x35: {  	_ = 	snop;
	(pc) =	sbr.rel @!p1 .LBB2_16-.Ltmp1, $3  }
0x36: {  	_ =	sdelay $0x1  }
0x37: {  	[sflag:s8] =	ssyncset.done $0x0  }
0x38: {  	[sflag:s8] =	ssyncadd.s32 $0xFFFFF800  }
.LBB2_1:
0x39: {  	[dreg:$0x15] =	wrdreg s1  }
0x3a: {  	s0 =	simm.s32 $0x0;
	s15 =	rddreg [dreg:$0x9];
	s16 =	simm.s32 $0x5  }
0x3b: {  	[tilespmem:s0], [sflag:$0x5] =	stream.linear.gather [hbm4b:s15+s0], $0x2000, $0x38;
	[tilespmem:$0x1E000] =	vst v63  }
0x3c: {  	_ =	swait.ge [sflag:s16], $0x2000  }
0x3d: {  	[sflag:s16] =	ssyncset.done $0x0  }
0x3e: {  	s17 =	rddreg [dreg:$0xb];
	[sflag:s16] =	ssyncadd.s32 $0xFFFFE000  }
0x3f: {  	[tilespmem:s24], [sflag:$0x1] =	stream.strided.gather [hbm4b:s17+s22], $0x4000, s23, s22, $0x38;
	[tilespmem:$0x1E000] =	vst v63  }
0x40: {  	s0 =	simm.s32 $0x0;
	s18 =	rddreg [dreg:$0xc]  }
0x41: {  	[tilespmem:s25], [sflag:$0x1] =	stream.strided.gather [hbm4b:s18+s22], $0x4000, s23, s22, $0x38;
	[tilespmem:$0x1E000] =	vst v63  }
.LBB2_2:
0x42: {  	s1 =	sshrl.u32 s0, $0x4;
	s2 =	rddreg [dreg:$0xd]  }
0x43: {  	s10 =	sor.u32 s2, s1  }
0x44: {  	s13 =	sshll.u32 s0, $0xC;
	s7 =	rddreg [dreg:$0xe];
	s1 =	sshll.u32 s10, $0x10  }
0x45: {  	s14 =	sshll.u32 s0, $0x6;
	s2 =	sand.u32 $0xE000, s13;
	s1 =	sadd.s32 s7, s1  }
0x46: {  	s15 =	sand.u32 $0x40, s14;
	s1 =	sor.u32 s2, s1  }
0x47: {  	s1 =	sor.u32 s1, s15  }
0x48: {  	s1 =	sor.u32 $0x20, s1  }
0x49: {  	s17 =	rddreg [dreg:$0x1];
	s16 =	sadd.s32 s31, s1  }
0x4a: {  	[tilespmem:s26], [sflag:$0x2] =	stream.strided.gather [hbm4b:s16+s22], $0x4000, s23, s22, $0x38;
	[tilespmem:$0x1E000] =	vst v63  }
0x4b: {  	s1 =	sadd.s32 s17, s1  }
0x4c: {  	[tilespmem:s28], [sflag:$0x2] =	stream.strided.gather [hbm4b:s1+s22], $0x4000, s23, s22, $0x38;
	[tilespmem:$0x1E000] =	vst v63  }
0x4d: {  	_ =	swait.ge [sflag:s29], $0x4000  }
0x4e: {  	[sflag:s29] =	ssyncset.done $0x0  }
0x4f: {  	[sflag:s29] =	ssyncadd.s32 $0xFFFFC000  }
0x50: {  	_ =	swait.ge [sflag:s29], $0x4000  }
0x51: {  	p1 =	seq.s32 s0, $0x0;
	[sflag:s29] =	ssyncset.done $0x0  }
0x52: {  	s1 =	simm.s32 @!p1 $0x3;
	[sflag:s29] =	ssyncadd.s32 $0xFFFFC000  }
0x53: {  	_ =	swait.ge @!p1 [sflag:s1], $0x1800  }
0x54: {  	[sflag:s1] =	ssyncset.done @!p1 $0x0  }
0x55: {  	[sflag:s1] =	ssyncadd.s32 @!p1 $0xFFFFE800  }
0x56: {  	_ =	swait.ge @!p1 [sflag:s1], $0x800  }
0x57: {  	[sflag:s1] =	ssyncset.done @!p1 $0x0  }
0x58: {  	[sflag:s1] =	ssyncadd.s32 @!p1 $0xFFFFF800  }
0x59: {  	_ =	swait.ge @!p1 [sflag:s1], $0x1800  }
0x5a: {  	[sflag:s1] =	ssyncset.done @!p1 $0x0  }
0x5b: {  	[sflag:s1] =	ssyncadd.s32 @!p1 $0xFFFFE800  }
0x5c: {  	_ =	swait.ge @!p1 [sflag:s1], $0x800  }
0x5d: {  	[sflag:s1] =	ssyncset.done @!p1 $0x0  }
0x5e: {  	s2 =	simm.s32 $0x80;
	[sflag:s1] =	ssyncadd.s32 @!p1 $0xFFFFF800  }
0x5f: {  	v0 =	vld [tilespmem:s2+$0x70]  }
0x60: {  	v1 =	vld [tilespmem:s2+$0xFFFFFF90]  }
0x61: {  	v2 =	vld [tilespmem:s2+$0xFFFFFFA0]  }
0x62: {  	v3 =	vld [tilespmem:s2+$0xFFFFFFB0]  }
0x63: {  	v4 =	vld [tilespmem:s2+$0xFFFFFFC0]  }
0x64: {  	v6 =	vld [tilespmem:s2+$0xFFFFFFD0]  }
0x65: {  	v7 =	vld [tilespmem:s2+$0xFFFFFFE0]  }
0x66: {  	v9 =	vld [tilespmem:s2+$0xFFFFFFF0]  }
0x67: {  	v10 =	vld [tilespmem:s2+$0xFFFFFF80]  }
0x68: {  	v12 =	vld [tilespmem:s2+$0x0]  }
0x69: {  	v14 =	vld [tilespmem:s2+$0x10]  }
0x6a: {  	v18 =	vld [tilespmem:s2+$0x20]  }
0x6b: {  	v19 =	vld [tilespmem:s2+$0x30]  }
0x6c: {  	v21 =	vld [tilespmem:s2+$0x40]  }
0x6d: {  	v60 =	vld [tilespmem:s2+$0x50];
	v5 =	vshll.u32 v0, $0x1;
	v0 =	vand.u32 $0x7F, v0;
	v8 =	vshll.u32 v2, $0x1  }
0x6e: {  	s13 =	simm.s32 $0x180;
	v22 =	vld [tilespmem:s2+$0x60];
	v11 =	vshll.u32 v3, $0x1;
	v2 =	vand.u32 $0x7F, v2;
	v13 =	vshll.u32 v4, $0x1  }
0x6f: {  	v36 =	vld [tilespmem:s13+$0xFFFFFFB0];
	v3 =	vand.u32 $0x7F, v3;
	v15 =	vshll.u32 v6, $0x1;
	v4 =	vand.u32 $0x7F, v4  }
0x70: {  	v37 =	vld [tilespmem:s13+$0xFFFFFFC0];
	v16 =	vshll.u32 v7, $0x1;
	v6 =	vand.u32 $0x7F, v6;
	v20 =	vshll.u32 v9, $0x1  }
0x71: {  	v38 =	vld [tilespmem:s13+$0xFFFFFFD0];
	v7 =	vand.u32 $0x7F, v7;
	v9 =	vand.u32 $0x7F, v9;
	v23 =	vshll.u32 v21, $0x1  }
0x72: {  	v30 =	vld [tilespmem:s13+$0xFFFFFFE0];
	v21 =	vand.u32 $0x7F, v21;
	v24 =	vshll.u32 v60, $0x1;
	v5 =	vand.u32 $0xFFFFFF00, v5  }
0x73: {  	v31 =	vld [tilespmem:s13+$0xFFFFFFF0];
	v8 =	vand.u32 $0xFFFFFF00, v8;
	v11 =	vand.u32 $0xFFFFFF00, v11;
	v13 =	vand.u32 $0xFFFFFF00, v13  }
0x74: {  	v40 =	vld [tilespmem:s13+$0x10];
	v15 =	vand.u32 $0xFFFFFF00, v15;
	v16 =	vand.u32 $0xFFFFFF00, v16;
	v0 =	vor.u32 v0, v5  }
0x75: {  	v41 =	vld [tilespmem:s13+$0x20];
	v23 =	vand.u32 $0xFFFFFF00, v23;
	v24 =	vand.u32 $0xFFFFFF00, v24;
	v2 =	vor.u32 v2, v8  }
0x76: {  	v42 =	vld [tilespmem:s13+$0x30];
	v5 =	vshll.u32 v1, $0x1;
	v1 =	vand.u32 $0x7F, v1;
	v4 =	vor.u32 v4, v13  }
0x77: {  	v44 =	vld [tilespmem:s13+$0x40];
	v8 =	vand.u32 $0xFFFFFF00, v20;
	v3 =	vor.u32 v3, v11;
	v6 =	vor.u32 v6, v15  }
0x78: {  	v48 =	vld [tilespmem:s13+$0xFFFFFF80];
	v11 =	vshll.u32 v14, $0x1;
	v15 =	vshll.u32 v18, $0x1;
	v7 =	vor.u32 v7, v16  }
0x79: {  	v14 =	vand.u32 $0x7F, v14;
	v20 =	vand.u32 $0x7F, v60;
	v21 =	vor.u32 v21, v23;
	v17 =	vld.idx.msk [tilespmem:v0+s24+$0x0], $0xffff  }
0x7a: {  	v5 =	vand.u32 $0xFFFFFF00, v5;
	v11 =	vand.u32 $0xFFFFFF00, v11;
	v8 =	vor.u32 v9, v8;
	v61 =	vld.idx.msk [tilespmem:v2+s24+$0x0], $0xffff  }
0x7b: {  	v1 =	vor.u32 v1, v5;
	v5 =	vshll.u32 v10, $0x1;
	v11 =	vor.u32 v14, v11;
	v14 =	vld.idx.msk [tilespmem:v4+s24+$0x0], $0xffff  }
0x7c: {  	v20 =	vor.u32 v20, v24;
	v10 =	vand.u32 $0x7F, v10;
	v5 =	vand.u32 $0xFFFFFF00, v5;
	v63 =	vld.idx.msk [tilespmem:v6+s24+$0x0], $0xffff  }
0x7d: {  	v18 =	vand.u32 $0x7F, v18;
	v5 =	vor.u32 v10, v5;
	v10 =	vshll.u32 v12, $0x1;
	v32 =	vld.idx.msk [tilespmem:v7+s24+$0x0], $0xffff  }
0x7e: {  	v15 =	vand.u32 $0xFFFFFF00, v15;
	v12 =	vand.u32 $0x7F, v12;
	v10 =	vand.u32 $0xFFFFFF00, v10;
	v28 =	vld.idx.msk [tilespmem:v21+s24+$0x0], $0xffff  }
0x7f: {  	v15 =	vor.u32 v18, v15;
	v10 =	vor.u32 v12, v10;
	v12 =	vld.idx.msk [tilespmem:v3+s24+$0x0], $0xffff  }
0x80: {  	v33 =	vld.idx.msk [tilespmem:v8+s24+$0x0], $0xffff  }
0x81: {  	v29 =	vld.idx.msk [tilespmem:v20+s24+$0x0], $0xffff  }
0x82: {  	v13 =	vld.idx.msk [tilespmem:v1+s24+$0x0], $0xffff  }
0x83: {  	v35 =	vld.idx.msk [tilespmem:v11+s24+$0x0], $0xffff  }
0x84: {  	s7 =	simm.s32 $0x12080;
	v26 =	vld.idx.msk [tilespmem:v15+s24+$0x0], $0xffff  }
0x85: {  	v9 =	vld.idx.msk [tilespmem:v5+s24+$0x0], $0xffff;
	[tilespmem:s7+$0x70] =	vst v17  }
0x86: {  	[tilespmem:s7+$0xFFFFFFC0] =	vst v14;
	v14 =	vld [tilespmem:s13+$0xFFFFFFA0]  }
0x87: {  	[tilespmem:s7+$0xFFFFFFE0] =	vst v32;
	v32 =	vld [tilespmem:s13+$0x50]  }
0x88: {  	v0 =	vld.idx.msk [tilespmem:v0+s25+$0x0], $0xffff  }
0x89: {  	[tilespmem:s7+$0xFFFFFFA0] =	vst v61;
	v34 =	vld.idx.msk [tilespmem:v10+s24+$0x0], $0xffff  }
0x8a: {  	v2 =	vld.idx.msk [tilespmem:v2+s25+$0x0], $0xffff  }
0x8b: {  	[tilespmem:s7+$0xFFFFFFD0] =	vst v63;
	v4 =	vld.idx.msk [tilespmem:v4+s25+$0x0], $0xffff  }
0x8c: {  	[tilespmem:s7+$0x40] =	vst v28;
	v6 =	vld.idx.msk [tilespmem:v6+s25+$0x0], $0xffff  }
0x8d: {  	[tilespmem:s7+$0xFFFFFFB0] =	vst v12;
	v7 =	vld.idx.msk [tilespmem:v7+s25+$0x0], $0xffff  }
0x8e: {  	[tilespmem:s7+$0xFFFFFFF0] =	vst v33;
	v12 =	vld [tilespmem:s13+$0x70]  }
0x8f: {  	v25 =	vshll.u32 v22, $0x1;
	[tilespmem:s7+$0x50] =	vst v29;
	v21 =	vld.idx.msk [tilespmem:v21+s25+$0x0], $0xffff  }
0x90: {  	v22 =	vand.u32 $0x7F, v22;
	v25 =	vand.u32 $0xFFFFFF00, v25;
	[tilespmem:s7+$0xFFFFFF90] =	vst v13;
	v3 =	vld.idx.msk [tilespmem:v3+s25+$0x0], $0xffff  }
0x91: {  	v62 =	vshll.u32 v19, $0x1;
	v22 =	vor.u32 v22, v25;
	v8 =	vld.idx.msk [tilespmem:v8+s25+$0x0], $0xffff;
	[tilespmem:s7+$0x10] =	vst v35  }
0x92: {  	v19 =	vand.u32 $0x7F, v19;
	v17 =	vand.u32 $0xFFFFFF00, v62;
	v13 =	vld [tilespmem:s13+$0xFFFFFF90];
	[tilespmem:s7+$0x20] =	vst v26  }
0x93: {  	s1 =	simm.s32 $0x16080;
	v17 =	vor.u32 v19, v17;
	v1 =	vld.idx.msk [tilespmem:v1+s25+$0x0], $0xffff;
	[tilespmem:s7+$0xFFFFFF80] =	vst v9  }
0x94: {  	v11 =	vld.idx.msk [tilespmem:v11+s25+$0x0], $0xffff;
	[tilespmem:s1+$0x70] =	vst v0  }
0x95: {  	v15 =	vld.idx.msk [tilespmem:v15+s25+$0x0], $0xffff;
	v39 =	vshll.u32 v12, $0x1;
	[tilespmem:s7+$0x0] =	vst v34  }
0x96: {  	v50 =	vshll.u32 v38, $0x1;
	v9 =	vld.idx.msk [tilespmem:v22+s24+$0x0], $0xffff;
	v12 =	vand.u32 $0x7F, v12;
	[tilespmem:s1+$0xFFFFFFA0] =	vst v2;
	v23 =	vand.u32 $0xFFFFFF00, v39  }
0x97: {  	v51 =	vshll.u32 v48, $0x1;
	v52 =	vand.u32 $0x7F, v31;
	v5 =	vld.idx.msk [tilespmem:v5+s25+$0x0], $0xffff;
	[tilespmem:s1+$0xFFFFFFC0] =	vst v4;
	v12 =	vor.u32 v12, v23  }
0x98: {  	v33 =	vshll.u32 v37, $0x1;
	v19 =	vand.u32 $0x7F, v38;
	v46 =	vshll.u32 v14, $0x1;
	v27 =	vld.idx.msk [tilespmem:v17+s24+$0x0], $0xffff;
	[tilespmem:s1+$0xFFFFFFD0] =	vst v6  }
0x99: {  	v26 =	vand.u32 $0xFFFFFF00, v51;
	v14 =	vand.u32 $0x7F, v14;
	v0 =	vld [tilespmem:s13+$0x0];
	v47 =	vand.u32 $0xFFFFFF00, v46;
	[tilespmem:s1+$0xFFFFFFE0] =	vst v7  }
0x9a: {  	v34 =	vld [tilespmem:s13+$0x60];
	v2 =	vand.u32 $0xFFFFFF00, v50;
	v4 =	vand.u32 $0x7F, v48;
	v45 =	vshll.u32 v13, $0x1;
	[tilespmem:s1+$0xFFFFFFF0] =	vst v8  }
0x9b: {  	v13 =	vand.u32 $0x7F, v13;
	v10 =	vld.idx.msk [tilespmem:v10+s25+$0x0], $0xffff;
	v26 =	vor.u32 v4, v26;
	[tilespmem:s7+$0x60] =	vst v9;
	v9 =	vand.u32 $0xFFFFFF00, v45  }
0x9c: {  	v6 =	vand.u32 $0x7F, v30;
	v14 =	vor.u32 v14, v47;
	[tilespmem:s1+$0xFFFFFF90] =	vst v1;
	v9 =	vor.u32 v13, v9;
	v43 =	vld.idx.msk [tilespmem:v12+s24+$0x0], $0xffff  }
0x9d: {  	v7 =	vld.idx.msk [tilespmem:v20+s25+$0x0], $0xffff;
	v19 =	vor.u32 v19, v2;
	v2 =	vshll.u32 v41, $0x1;
	[tilespmem:s1+$0xFFFFFF80] =	vst v5;
	v5 =	vshll.u32 v36, $0x1  }
0x9e: {  	v13 =	vshll.u32 v30, $0x1;
	v8 =	vld.idx.msk [tilespmem:v22+s25+$0x0], $0xffff;
	[tilespmem:s7+$0x30] =	vst v27;
	v1 =	vand.u32 $0xFFFFFF00, v5;
	v5 =	vand.u32 $0x7F, v36  }
0x9f: {  	[tilespmem:s1+$0xFFFFFFB0] =	vst v3;
	v3 =	vand.u32 $0xFFFFFF00, v13;
	v4 =	vshll.u32 v0, $0x1;
	v0 =	vand.u32 $0x7F, v0;
	v17 =	vld.idx.msk [tilespmem:v17+s25+$0x0], $0xffff  }
0xa0: {  	s15 =	simm.s32 $0x12180;
	v53 =	vor.u32 v5, v1;
	v4 =	vand.u32 $0xFFFFFF00, v4;
	v5 =	vshll.u32 v40, $0x1;
	[tilespmem:s1+$0x0] =	vst v10;
	v10 =	vld.idx.msk [tilespmem:v26+s24+$0x0], $0xffff  }
0xa1: {  	v13 =	vshll.u32 v31, $0x1;
	v54 =	vand.u32 $0xFFFFFF00, v5;
	v5 =	vor.u32 v0, v4;
	v1 =	vld.idx.msk [tilespmem:v9+s24+$0x0], $0xffff;
	[tilespmem:s15+$0x70] =	vst v43  }
0xa2: {  	[tilespmem:s1+$0x40] =	vst v21;
	v2 =	vand.u32 $0xFFFFFF00, v2;
	v13 =	vand.u32 $0xFFFFFF00, v13;
	v55 =	vor.u32 v6, v3;
	v12 =	vld.idx.msk [tilespmem:v12+s25+$0x0], $0xffff  }
0xa3: {  	[tilespmem:s1+$0x10] =	vst v11;
	v11 =	vand.u32 $0x7F, v41;
	v56 =	vld.idx.msk [tilespmem:v14+s24+$0x0], $0xffff;
	v3 =	vshll.u32 v42, $0x1;
	v57 =	vor.u32 v52, v13  }
0xa4: {  	[tilespmem:s1+$0x20] =	vst v15;
	v13 =	vand.u32 $0xFFFFFF00, v3;
	v0 =	vand.u32 $0x7F, v42;
	v3 =	vor.u32 v11, v2;
	v11 =	vld.idx.msk [tilespmem:v19+s24+$0x0], $0xffff  }
0xa5: {  	v18 =	vand.u32 $0x7F, v37;
	v49 =	vand.u32 $0xFFFFFF00, v33;
	v2 =	vor.u32 v0, v13;
	v58 =	vld.idx.msk [tilespmem:v53+s24+$0x0], $0xffff;
	[tilespmem:s15+$0xFFFFFF80] =	vst v10  }
0xa6: {  	s16 =	simm.s32 $0x16180;
	v16 =	vor.u32 v18, v49;
	v59 =	vand.u32 $0x7F, v32;
	v10 =	vld.idx.msk [tilespmem:v5+s24+$0x0], $0xffff;
	[tilespmem:s15+$0xFFFFFF90] =	vst v1  }
0xa7: {  	v15 =	vshll.u32 v32, $0x1;
	v13 =	vld.idx.msk [tilespmem:v55+s24+$0x0], $0xffff;
	v1 =	vshll.u32 v44, $0x1;
	[tilespmem:s16+$0x70] =	vst v12;
	v12 =	vand.u32 $0x7F, v40  }
0xa8: {  	v4 =	vand.u32 $0x7F, v44;
	[tilespmem:s1+$0x30] =	vst v17;
	v60 =	vld.idx.msk [tilespmem:v57+s24+$0x0], $0xffff;
	v1 =	vand.u32 $0xFFFFFF00, v1;
	v6 =	vor.u32 v12, v54  }
0xa9: {  	v0 =	vand.u32 $0xFFFFFF00, v15;
	v15 =	vshll.u32 v34, $0x1;
	[tilespmem:s15+$0xFFFFFFD0] =	vst v11;
	v63 =	vld.idx.msk [tilespmem:v26+s25+$0x0], $0xffff;
	v4 =	vor.u32 v4, v1  }
0xaa: {  	v61 =	vand.u32 $0x7F, v34;
	v15 =	vand.u32 $0xFFFFFF00, v15;
	v11 =	vld.idx.msk [tilespmem:v2+s24+$0x0], $0xffff;
	v1 =	vor.u32 v59, v0;
	[tilespmem:s15+$0xFFFFFFB0] =	vst v58  }
0xab: {  	v0 =	vor.u32 v61, v15;
	[tilespmem:s15+$0x0] =	vst v10;
	v10 =	vld.idx.msk [tilespmem:v53+s25+$0x0], $0xffff  }
0xac: {  	[tilespmem:s15+$0xFFFFFFA0] =	vst v56;
	v12 =	vld.idx.msk [tilespmem:v16+s24+$0x0], $0xffff  }
0xad: {  	[tilespmem:s15+$0xFFFFFFE0] =	vst v13;
	v15 =	vld.idx.msk [tilespmem:v6+s24+$0x0], $0xffff  }
0xae: {  	[tilespmem:s15+$0xFFFFFFF0] =	vst v60;
	v13 =	vld.idx.msk [tilespmem:v4+s24+$0x0], $0xffff  }
0xaf: {  	[tilespmem:s16+$0xFFFFFF80] =	vst v63;
	v17 =	vld.idx.msk [tilespmem:v1+s24+$0x0], $0xffff  }
0xb0: {  	[tilespmem:s15+$0x30] =	vst v11;
	v62 =	vld.idx.msk [tilespmem:v0+s24+$0x0], $0xffff  }
0xb1: {  	[tilespmem:s15+$0xFFFFFFC0] =	vst v12;
	v12 =	vld.idx.msk [tilespmem:v3+s24+$0x0], $0xffff  }
0xb2: {  	[tilespmem:s15+$0x10] =	vst v15;
	v15 =	vld.idx.msk [tilespmem:v9+s25+$0x0], $0xffff  }
0xb3: {  	[tilespmem:s15+$0x40] =	vst v13;
	v9 =	vld.idx.msk [tilespmem:v14+s25+$0x0], $0xffff  }
0xb4: {  	v11 =	vld.idx.msk [tilespmem:v16+s25+$0x0], $0xffff;
	[tilespmem:s15+$0x50] =	vst v17  }
0xb5: {  	s14 =	sshrl.u32 s0, $0x1;
	s17 =	sshll.u32 s0, $0x9;
	[tilespmem:s15+$0x60] =	vst v62;
	v13 =	vld.idx.msk [tilespmem:v55+s25+$0x0], $0xffff  }
0xb6: {  	s18 =	smov.u32 s31;
	s31 =	sand.u32 $0x7, s14;
	s14 =	sand.u32 $0x200, s17;
	[tilespmem:s15+$0x20] =	vst v12;
	v12 =	vld.idx.msk [tilespmem:v19+s25+$0x0], $0xffff  }
0xb7: {  	s2 =	simm.s32 $0x100;
	s13 =	sshll.u32 s0, $0x1;
	s7 =	simm.s32 $0x280;
	v14 =	vld.idx.msk [tilespmem:v57+s25+$0x0], $0xffff;
	[tilespmem:s16+$0xFFFFFF90] =	vst v15  }
.LBB2_3:
0xb8: {  	v15 =	vld [tilespmem:s7+$0x70];
	s2 =	sadd.s32 $0x100, s2;
	[tilespmem:s16+$0xFFFFFFA0] =	vst v9  }
0xb9: {  	v9 =	vld [tilespmem:s7+$0xFFFFFF90];
	p2 =	slt.u32 s2, $0x1F00;
	[tilespmem:s16+$0xFFFFFFB0] =	vst v10  }
0xba: {  	v10 =	vld [tilespmem:s7+$0xFFFFFFA0];
	[tilespmem:s16+$0xFFFFFFC0] =	vst v11  }
0xbb: {  	v11 =	vld [tilespmem:s7+$0xFFFFFFB0];
	[tilespmem:s16+$0xFFFFFFD0] =	vst v12  }
0xbc: {  	v12 =	vld [tilespmem:s7+$0xFFFFFFC0];
	[tilespmem:s16+$0xFFFFFFE0] =	vst v13  }
0xbd: {  	v13 =	vld [tilespmem:s7+$0xFFFFFFD0];
	v16 =	vshll.u32 v15, $0x1;
	[tilespmem:s16+$0xFFFFFFF0] =	vst v14  }
0xbe: {  	v15 =	vand.u32 $0x7F, v15;
	v14 =	vshll.u32 v9, $0x1;
	v17 =	vld [tilespmem:s7+$0xFFFFFFE0];
	v16 =	vand.u32 $0xFFFFFF00, v16;
	[tilespmem:s1+$0x50] =	vst v7  }
0xbf: {  	v7 =	vand.u32 $0xFFFFFF00, v14;
	v14 =	vshll.u32 v10, $0x1;
	v18 =	vld [tilespmem:s7+$0xFFFFFFF0];
	v15 =	vor.u32 v15, v16;
	[tilespmem:s1+$0x60] =	vst v8;
	s1 =	smov.u32 s16  }
0xc0: {  	v8 =	vand.u32 $0x7F, v9;
	v9 =	vand.u32 $0xFFFFFF00, v14;
	v14 =	vshll.u32 v11, $0x1;
	v16 =	vld [tilespmem:s7+$0x0]  }
0xc1: {  	v10 =	vand.u32 $0x7F, v10;
	v14 =	vand.u32 $0xFFFFFF00, v14;
	v19 =	vshll.u32 v12, $0x1;
	v20 =	vld [tilespmem:s7+$0x10]  }
0xc2: {  	v11 =	vand.u32 $0x7F, v11;
	v19 =	vand.u32 $0xFFFFFF00, v19;
	v21 =	vshll.u32 v13, $0x1;
	v22 =	vld [tilespmem:s7+$0x20]  }
0xc3: {  	v12 =	vand.u32 $0x7F, v12;
	v21 =	vand.u32 $0xFFFFFF00, v21;
	v23 =	vshll.u32 v17, $0x1;
	v24 =	vld [tilespmem:s7+$0x30]  }
0xc4: {  	v13 =	vand.u32 $0x7F, v13;
	v23 =	vand.u32 $0xFFFFFF00, v23;
	v25 =	vshll.u32 v18, $0x1;
	v26 =	vld.idx.msk [tilespmem:v15+s24+$0x0], $0xffff  }
0xc5: {  	v17 =	vand.u32 $0x7F, v17;
	v25 =	vand.u32 $0xFFFFFF00, v25;
	v27 =	vshll.u32 v16, $0x1;
	v28 =	vld [tilespmem:s7+$0x40]  }
0xc6: {  	v18 =	vand.u32 $0x7F, v18;
	v27 =	vand.u32 $0xFFFFFF00, v27;
	v29 =	vshll.u32 v20, $0x1;
	v30 =	vld [tilespmem:s7+$0x50]  }
0xc7: {  	v16 =	vand.u32 $0x7F, v16;
	v29 =	vand.u32 $0xFFFFFF00, v29;
	v31 =	vshll.u32 v22, $0x1;
	v32 =	vld [tilespmem:s7+$0x60]  }
0xc8: {  	v20 =	vand.u32 $0x7F, v20;
	v33 =	vld [tilespmem:s7+$0xFFFFFF80];
	v31 =	vand.u32 $0xFFFFFF00, v31;
	v34 =	vshll.u32 v24, $0x1  }
0xc9: {  	s15 =	sadd.s32 $0x100, s15;
	v22 =	vand.u32 $0x7F, v22;
	v24 =	vand.u32 $0x7F, v24;
	v34 =	vand.u32 $0xFFFFFF00, v34;
	v35 =	vld.idx.msk [tilespmem:v5+s25+$0x0], $0xffff  }
0xca: {  	v36 =	vor.u32 v8, v7;
	v5 =	vshll.u32 v28, $0x1;
	v8 =	vand.u32 $0x7F, v28;
	[tilespmem:s15+$0x70] =	vst v26;
	v26 =	vld.idx.msk [tilespmem:v6+s25+$0x0], $0xffff  }
0xcb: {  	v28 =	vand.u32 $0xFFFFFF00, v5;
	v5 =	vshll.u32 v30, $0x1;
	v30 =	vand.u32 $0x7F, v30;
	v15 =	vld.idx.msk [tilespmem:v15+s25+$0x0], $0xffff  }
0xcc: {  	v37 =	vand.u32 $0xFFFFFF00, v5;
	v5 =	vshll.u32 v32, $0x1;
	v32 =	vand.u32 $0x7F, v32;
	v38 =	vld.idx.msk [tilespmem:v3+s25+$0x0], $0xffff  }
0xcd: {  	v3 =	vshll.u32 v33, $0x1;
	v6 =	vand.u32 $0x7F, v33;
	v33 =	vand.u32 $0xFFFFFF00, v5;
	v39 =	vld.idx.msk [tilespmem:v2+s25+$0x0], $0xffff  }
0xce: {  	v9 =	vor.u32 v10, v9;
	v10 =	vor.u32 v11, v14;
	v2 =	vand.u32 $0xFFFFFF00, v3;
	v11 =	vld.idx.msk [tilespmem:v4+s25+$0x0], $0xffff  }
0xcf: {  	v12 =	vor.u32 v12, v19;
	v13 =	vor.u32 v13, v21;
	v14 =	vor.u32 v6, v2;
	v40 =	vld.idx.msk [tilespmem:v36+s24+$0x0], $0xffff  }
0xd0: {  	s16 =	sadd.s32 $0x100, s16;
	v17 =	vor.u32 v17, v23;
	v18 =	vor.u32 v18, v25;
	v5 =	vor.u32 v16, v27;
	v7 =	vld.idx.msk [tilespmem:v1+s25+$0x0], $0xffff  }
0xd1: {  	v3 =	vor.u32 v22, v31;
	v6 =	vor.u32 v20, v29;
	v2 =	vor.u32 v24, v34;
	[tilespmem:s16+$0x70] =	vst v15  }
0xd2: {  	v4 =	vor.u32 v8, v28;
	v1 =	vor.u32 v30, v37;
	v8 =	vld.idx.msk [tilespmem:v0+s25+$0x0], $0xffff;
	v0 =	vor.u32 v32, v33  }
0xd3: {  	v15 =	vld.idx.msk [tilespmem:v9+s24+$0x0], $0xffff;
	[tilespmem:s1+$0x0] =	vst v35  }
0xd4: {  	v16 =	vld.idx.msk [tilespmem:v14+s24+$0x0], $0xffff;
	[tilespmem:s1+$0x10] =	vst v26  }
0xd5: {  	[tilespmem:s15+$0xFFFFFF90] =	vst v40;
	v19 =	vld.idx.msk [tilespmem:v10+s24+$0x0], $0xffff  }
0xd6: {  	v20 =	vld.idx.msk [tilespmem:v12+s24+$0x0], $0xffff;
	[tilespmem:s1+$0x20] =	vst v38  }
0xd7: {  	v21 =	vld.idx.msk [tilespmem:v13+s24+$0x0], $0xffff;
	[tilespmem:s1+$0x30] =	vst v39  }
0xd8: {  	v22 =	vld.idx.msk [tilespmem:v17+s24+$0x0], $0xffff;
	[tilespmem:s1+$0x40] =	vst v11  }
0xd9: {  	[tilespmem:s15+$0xFFFFFFA0] =	vst v15;
	v11 =	vld.idx.msk [tilespmem:v18+s24+$0x0], $0xffff  }
0xda: {  	[tilespmem:s15+$0xFFFFFF80] =	vst v16;
	v15 =	vld.idx.msk [tilespmem:v5+s24+$0x0], $0xffff  }
0xdb: {  	[tilespmem:s15+$0xFFFFFFB0] =	vst v19;
	v16 =	vld.idx.msk [tilespmem:v6+s24+$0x0], $0xffff  }
0xdc: {  	[tilespmem:s15+$0xFFFFFFC0] =	vst v20;
	v19 =	vld.idx.msk [tilespmem:v3+s24+$0x0], $0xffff  }
0xdd: {  	[tilespmem:s15+$0xFFFFFFD0] =	vst v21;
	v20 =	vld.idx.msk [tilespmem:v2+s24+$0x0], $0xffff  }
0xde: {  	[tilespmem:s15+$0xFFFFFFE0] =	vst v22;
	v21 =	vld.idx.msk [tilespmem:v4+s24+$0x0], $0xffff  }
0xdf: {  	[tilespmem:s15+$0xFFFFFFF0] =	vst v11;
	v22 =	vld.idx.msk [tilespmem:v1+s24+$0x0], $0xffff  }
0xe0: {  	[tilespmem:s15+$0x0] =	vst v15;
	v15 =	vld.idx.msk [tilespmem:v0+s24+$0x0], $0xffff  }
0xe1: {  	v14 =	vld.idx.msk [tilespmem:v14+s25+$0x0], $0xffff;
	[tilespmem:s15+$0x10] =	vst v16  }
0xe2: {  	v16 =	vld.idx.msk [tilespmem:v36+s25+$0x0], $0xffff;
	[tilespmem:s15+$0x20] =	vst v19  }
0xe3: {  	v9 =	vld.idx.msk [tilespmem:v9+s25+$0x0], $0xffff;
	[tilespmem:s15+$0x30] =	vst v20  }
.Ltmp2:
0xe4: {  	v10 =	vld.idx.msk [tilespmem:v10+s25+$0x0], $0xffff;
	[tilespmem:s15+$0x40] =	vst v21;
	(pc) =	sbr.rel @p2 .LBB2_3-.Ltmp2, $4  }
0xe5: {  	v11 =	vld.idx.msk [tilespmem:v12+s25+$0x0], $0xffff;
	[tilespmem:s15+$0x50] =	vst v22  }
0xe6: {  	v12 =	vld.idx.msk [tilespmem:v13+s25+$0x0], $0xffff;
	[tilespmem:s15+$0x60] =	vst v15  }
0xe7: {  	[tilespmem:s16+$0xFFFFFF80] =	vst v14;
	v13 =	vld.idx.msk [tilespmem:v17+s25+$0x0], $0xffff  }
0xe8: {  	s7 =	sadd.s32 $0x100, s7;
	[tilespmem:s16+$0xFFFFFF90] =	vst v16;
	v14 =	vld.idx.msk [tilespmem:v18+s25+$0x0], $0xffff  }
0xe9: {  	_ = 	snop  }
0xea: {  	[tilespmem:s16+$0xFFFFFFA0] =	vst v9  }
0xeb: {  	[tilespmem:s16+$0xFFFFFFB0] =	vst v10  }
0xec: {  	[tilespmem:s1+$0x50] =	vst v7  }
0xed: {  	v5 =	vld.idx.msk [tilespmem:v5+s25+$0x0], $0xffff;
	[tilespmem:s1+$0x60] =	vst v8  }
0xee: {  	v6 =	vld.idx.msk [tilespmem:v6+s25+$0x0], $0xffff;
	[tilespmem:s16+$0xFFFFFFC0] =	vst v11  }
0xef: {  	v3 =	vld.idx.msk [tilespmem:v3+s25+$0x0], $0xffff;
	[tilespmem:s16+$0xFFFFFFD0] =	vst v12  }
0xf0: {  	[tilespmem:s16+$0xFFFFFFE0] =	vst v13  }
0xf1: {  	[tilespmem:s16+$0xFFFFFFF0] =	vst v14  }
0xf2: {  	v2 =	vld.idx.msk [tilespmem:v2+s25+$0x0], $0xffff;
	[tilespmem:s16+$0x0] =	vst v5  }
0xf3: {  	v4 =	vld.idx.msk [tilespmem:v4+s25+$0x0], $0xffff;
	[tilespmem:s16+$0x10] =	vst v6  }
0xf4: {  	v1 =	vld.idx.msk [tilespmem:v1+s25+$0x0], $0xffff;
	s15 =	smul.u32 $0x60000, s10;
	[tilespmem:s16+$0x20] =	vst v3  }
0xf5: {  	v0 =	vld.idx.msk [tilespmem:v0+s25+$0x0], $0xffff;
	s2 =	smul.u32 $0xC000, s31;
	s7 =	rddreg [dreg:$0xf]  }
0xf6: {  	s1 =	sadd.s32 s7, s15  }
0xf7: {  	[tilespmem:s16+$0x30] =	vst v2;
	s1 =	sadd.s32 s2, s1  }
0xf8: {  	[tilespmem:s16+$0x40] =	vst v4;
	s2 =	sor.u32 s14, s1  }
0xf9: {  	[tilespmem:s16+$0x50] =	vst v1;
	s2 =	sshrl.u32 s2, $0x3  }
0xfa: {  	[tilespmem:s16+$0x60] =	vst v0;
	s15 =	simm.s32 $0x12000;
	s17 =	sadd.s32 s3, s2  }
0xfb: {  	[hbm4b:s17+s30] =	stream.strided.scatter [tilespmem:s15], [sflag:$0x3], $0x1800, s23, s30, $0x38;
	[tilespmem:$0x1E000] =	vst v63  }
0xfc: {  	s16 =	sshll.u32 s10, $0x11;
	s17 =	rddreg [dreg:$0x10]  }
0xfd: {  	s15 =	sshll.u32 s31, $0xE;
	s7 =	sadd.s32 s17, s16  }
0xfe: {  	s10 =	sor.u32 s15, s7  }
0xff: {  	s7 =	sor.u32 s14, s10  }
0x100: {  	s7 =	sshrl.u32 s7, $0x3  }
0x101: {  	s17 =	simm.s32 $0x13800;
	s16 =	sadd.s32 s5, s7  }
0x102: {  	[hbm4b:s16+s30] =	stream.strided.scatter [tilespmem:s17], [sflag:$0x3], $0x800, s23, s30, $0x38;
	[tilespmem:$0x1E000] =	vst v63  }
0x103: {  	s2 =	sadd.s32 s4, s2;
	s17 =	simm.s32 $0x16000  }
0x104: {  	[hbm4b:s2+s30] =	stream.strided.scatter [tilespmem:s17], [sflag:$0x3], $0x1800, s23, s30, $0x38;
	[tilespmem:$0x1E000] =	vst v63  }
0x105: {  	s15 =	sadd.s32 s6, s7;
	s16 =	simm.s32 $0x17800;
	s2 =	simm.s32 @!p1 $0x4  }
0x106: {  	[hbm4b:s15+s30] =	stream.strided.scatter [tilespmem:s16], [sflag:$0x3], $0x800, s23, s30, $0x38;
	[tilespmem:$0x1E000] =	vst v63  }
0x107: {  	_ =	swait.ge @!p1 [sflag:s2], $0x1800  }
0x108: {  	[sflag:s2] =	ssyncset.done @!p1 $0x0  }
0x109: {  	[sflag:s2] =	ssyncadd.s32 @!p1 $0xFFFFE800  }
0x10a: {  	_ =	swait.ge @!p1 [sflag:s2], $0x800  }
0x10b: {  	[sflag:s2] =	ssyncset.done @!p1 $0x0  }
0x10c: {  	[sflag:s2] =	ssyncadd.s32 @!p1 $0xFFFFF800  }
0x10d: {  	_ =	swait.ge @!p1 [sflag:s2], $0x1800  }
0x10e: {  	[sflag:s2] =	ssyncset.done @!p1 $0x0  }
0x10f: {  	[sflag:s2] =	ssyncadd.s32 @!p1 $0xFFFFE800  }
0x110: {  	_ =	swait.ge @!p1 [sflag:s2], $0x800  }
0x111: {  	[sflag:s2] =	ssyncset.done @!p1 $0x0  }
0x112: {  	s17 =	simm.s32 $0x80;
	[sflag:s2] =	ssyncadd.s32 @!p1 $0xFFFFF800  }
0x113: {  	v0 =	vld [tilespmem:s17+$0xFFFFFFF0];
	_ =	sdelay $0x1  }
0x114: {  	v1 =	vld [tilespmem:s17+$0x70]  }
0x115: {  	v2 =	vld [tilespmem:s17+$0xFFFFFFC0]  }
0x116: {  	v3 =	vld [tilespmem:s17+$0x0]  }
0x117: {  	v5 =	vld [tilespmem:s17+$0xFFFFFF90];
	v4 =	vshll.u32 v0, $0x1  }
0x118: {  	v6 =	vld [tilespmem:s17+$0x20];
	v0 =	vand.u32 $0x7F, v0;
	v4 =	vand.u32 $0xFFFFFF00, v4  }
0x119: {  	v9 =	vld [tilespmem:s17+$0xFFFFFFA0];
	v7 =	vshll.u32 v1, $0x1;
	v0 =	vor.u32 v4, v0  }
0x11a: {  	v1 =	vand.u32 $0x7F, v1;
	v7 =	vand.u32 $0xFFFFFF00, v7;
	v4 =	vld [tilespmem:s17+$0x10];
	v8 =	vor.u32 $0x80, v0  }
0x11b: {  	v11 =	vld [tilespmem:s17+$0xFFFFFFE0];
	v15 =	vshll.u32 v3, $0x1;
	v1 =	vor.u32 v7, v1;
	v7 =	vshll.u32 v2, $0x1  }
0x11c: {  	v17 =	vld [tilespmem:s17+$0xFFFFFF80];
	v2 =	vand.u32 $0x7F, v2;
	v7 =	vand.u32 $0xFFFFFF00, v7;
	v10 =	vor.u32 $0x80, v1  }
0x11d: {  	v16 =	vand.u32 $0x7F, v3;
	v0 =	vld [tilespmem:s17+$0xFFFFFFB0];
	v1 =	vor.u32 v7, v2;
	v2 =	vshll.u32 v6, $0x1  }
0x11e: {  	v18 =	vld [tilespmem:s17+$0x60];
	v12 =	vor.u32 $0x80, v1;
	v1 =	vand.u32 $0x7F, v6;
	v2 =	vand.u32 $0xFFFFFF00, v2  }
0x11f: {  	v20 =	vshll.u32 v5, $0x1;
	v1 =	vor.u32 v2, v1;
	v6 =	vshll.u32 v4, $0x1;
	v14 =	vld.idx.msk [tilespmem:v8+s24+$0x0], $0xffff  }
0x120: {  	v7 =	vld [tilespmem:s17+$0xFFFFFFD0];
	v13 =	vand.u32 $0x7F, v4;
	v4 =	vshll.u32 v9, $0x1;
	v9 =	vand.u32 $0x7F, v9  }
0x121: {  	v3 =	vand.u32 $0xFFFFFF00, v6;
	v2 =	vld.idx.msk [tilespmem:v10+s24+$0x0], $0xffff;
	v6 =	vand.u32 $0xFFFFFF00, v4;
	v4 =	vor.u32 $0x80, v1  }
0x122: {  	v1 =	vshll.u32 v0, $0x1;
	v0 =	vand.u32 $0x7F, v0;
	v3 =	vor.u32 v3, v13;
	v13 =	vld [tilespmem:s17+$0x40]  }
0x123: {  	s15 =	simm.s32 $0x14080;
	v6 =	vor.u32 v6, v9;
	v9 =	vand.u32 $0xFFFFFF00, v1;
	v19 =	vld.idx.msk [tilespmem:v12+s24+$0x0], $0xffff;
	v1 =	vor.u32 $0x80, v3  }
0x124: {  	v5 =	vand.u32 $0x7F, v5;
	v3 =	vor.u32 $0x80, v6;
	v0 =	vor.u32 v9, v0;
	[tilespmem:s15+$0xFFFFFFF0] =	vst v14;
	v14 =	vld [tilespmem:s17+$0x50]  }
0x125: {  	v21 =	vand.u32 $0x7F, v17;
	v6 =	vand.u32 $0xFFFFFF00, v20;
	v0 =	vor.u32 $0x80, v0;
	v9 =	vld.idx.msk [tilespmem:v8+s25+$0x0], $0xffff  }
0x126: {  	v5 =	vor.u32 v6, v5;
	v6 =	vshll.u32 v11, $0x1;
	[tilespmem:s15+$0x70] =	vst v2;
	v8 =	vand.u32 $0xFFFFFF00, v15;
	v15 =	vld.idx.msk [tilespmem:v4+s24+$0x0], $0xffff  }
0x127: {  	v6 =	vand.u32 $0xFFFFFF00, v6;
	v2 =	vor.u32 $0x80, v5;
	v5 =	vand.u32 $0x7F, v11;
	v11 =	vld.idx.msk [tilespmem:v10+s25+$0x0], $0xffff  }
0x128: {  	v10 =	vshll.u32 v7, $0x1;
	v7 =	vand.u32 $0x7F, v7;
	v5 =	vor.u32 v6, v5;
	v20 =	vld.idx.msk [tilespmem:v1+s24+$0x0], $0xffff  }
0x129: {  	v6 =	vand.u32 $0xFFFFFF00, v10;
	v8 =	vor.u32 v8, v16;
	v5 =	vor.u32 $0x80, v5;
	v10 =	vld.idx.msk [tilespmem:v3+s24+$0x0], $0xffff  }
0x12a: {  	v16 =	vshll.u32 v17, $0x1;
	v17 =	vld [tilespmem:s17+$0x30];
	v6 =	vor.u32 v6, v7;
	v7 =	vor.u32 $0x80, v8  }
0x12b: {  	[tilespmem:s15+$0xFFFFFFC0] =	vst v19;
	v19 =	vand.u32 $0x7F, v18;
	v22 =	vld.idx.msk [tilespmem:v0+s24+$0x0], $0xffff;
	v6 =	vor.u32 $0x80, v6  }
0x12c: {  	v8 =	vld.idx.msk [tilespmem:v12+s25+$0x0], $0xffff;
	v12 =	vshll.u32 v18, $0x1;
	v18 =	vand.u32 $0xFFFFFF00, v16;
	v16 =	vshll.u32 v14, $0x1  }
0x12d: {  	v24 =	vshll.u32 v13, $0x1;
	v23 =	vand.u32 $0x7F, v14;
	v14 =	vld.idx.msk [tilespmem:v2+s24+$0x0], $0xffff;
	v16 =	vand.u32 $0xFFFFFF00, v16;
	[tilespmem:s15+$0x20] =	vst v15  }
0x12e: {  	v13 =	vand.u32 $0x7F, v13;
	v12 =	vand.u32 $0xFFFFFF00, v12;
	v23 =	vor.u32 v16, v23;
	[tilespmem:s15+$0x10] =	vst v20;
	v16 =	vld.idx.msk [tilespmem:v5+s24+$0x0], $0xffff  }
0x12f: {  	s31 =	simm.s32 $0x14080;
	s7 =	simm.s32 $0x180;
	v12 =	vor.u32 v12, v19;
	v19 =	vand.u32 $0xFFFFFF00, v24;
	v15 =	vor.u32 v18, v21;
	[tilespmem:s15+$0xFFFFFFA0] =	vst v10;
	v18 =	vld.idx.msk [tilespmem:v7+s24+$0x0], $0xffff  }
0x130: {  	s16 =	simm.s32 $0x18080;
	s2 =	simm.s32 $0x0;
	s17 =	simm.s32 $0x18080;
	v19 =	vor.u32 v19, v13;
	v12 =	vor.u32 $0x80, v12;
	v10 =	vor.u32 $0x80, v23;
	[tilespmem:s15+$0xFFFFFFB0] =	vst v22;
	v13 =	vld.idx.msk [tilespmem:v6+s24+$0x0], $0xffff  }
.LBB2_5:
0x131: {  	v20 =	vld [tilespmem:s7+$0x0];
	s2 =	sadd.s32 $0x100, s2;
	[tilespmem:s16+$0xFFFFFFF0] =	vst v9;
	v9 =	vshll.u32 v17, $0x1;
	s17 =	sadd.s32 $0x100, s17;
	s15 =	sadd.s32 $0x100, s15  }
0x132: {  	v17 =	vand.u32 $0x7F, v17;
	v19 =	vor.u32 $0x80, v19;
	v21 =	vld [tilespmem:s7+$0xFFFFFF90];
	p1 =	slt.u32 s2, $0x1F00;
	v22 =	vand.u32 $0xFFFFFF00, v9;
	[tilespmem:s16+$0x70] =	vst v11  }
0x133: {  	v9 =	vld [tilespmem:s7+$0xFFFFFFB0];
	[tilespmem:s31+$0xFFFFFF90] =	vst v14;
	v11 =	vor.u32 v22, v17  }
0x134: {  	v15 =	vor.u32 $0x80, v15;
	v14 =	vld [tilespmem:s7+$0xFFFFFFA0];
	[tilespmem:s31+$0xFFFFFFE0] =	vst v16;
	v11 =	vor.u32 $0x80, v11  }
0x135: {  	[tilespmem:s31+$0x0] =	vst v18;
	v16 =	vld.idx.msk [tilespmem:v12+s24+$0x0], $0xffff  }
0x136: {  	v17 =	vld [tilespmem:s7+$0xFFFFFFC0]  }
0x137: {  	v18 =	vld.idx.msk [tilespmem:v10+s24+$0x0], $0xffff  }
0x138: {  	v22 =	vld [tilespmem:s7+$0xFFFFFFF0]  }
0x139: {  	v23 =	vld [tilespmem:s7+$0x10]  }
0x13a: {  	v24 =	vld.idx.msk [tilespmem:v11+s24+$0x0], $0xffff  }
0x13b: {  	v25 =	vld [tilespmem:s7+$0x20];
	[tilespmem:s31+$0x60] =	vst v16  }
0x13c: {  	[tilespmem:s31+$0xFFFFFFD0] =	vst v13;
	v13 =	vld.idx.msk [tilespmem:v19+s24+$0x0], $0xffff  }
0x13d: {  	v16 =	vld.idx.msk [tilespmem:v15+s24+$0x0], $0xffff;
	[tilespmem:s31+$0x50] =	vst v18  }
0x13e: {  	v4 =	vld.idx.msk [tilespmem:v4+s25+$0x0], $0xffff  }
0x13f: {  	v18 =	vld [tilespmem:s7+$0x70]  }
0x140: {  	[tilespmem:s31+$0x30] =	vst v24;
	v12 =	vld.idx.msk [tilespmem:v12+s25+$0x0], $0xffff  }
0x141: {  	v3 =	vld.idx.msk [tilespmem:v3+s25+$0x0], $0xffff  }
0x142: {  	v11 =	vld.idx.msk [tilespmem:v11+s25+$0x0], $0xffff;
	[tilespmem:s31+$0x40] =	vst v13  }
0x143: {  	v24 =	vand.u32 $0x7F, v25;
	v13 =	vshll.u32 v25, $0x1;
	[tilespmem:s31+$0xFFFFFF80] =	vst v16;
	v10 =	vld.idx.msk [tilespmem:v10+s25+$0x0], $0xffff;
	s31 =	smov.u32 s15  }
0x144: {  	v16 =	vshll.u32 v23, $0x1;
	v23 =	vand.u32 $0x7F, v23;
	v25 =	vshll.u32 v18, $0x1;
	v2 =	vld.idx.msk [tilespmem:v2+s25+$0x0], $0xffff;
	[tilespmem:s16+$0x20] =	vst v4  }
0x145: {  	v4 =	vshll.u32 v20, $0x1;
	v20 =	vand.u32 $0x7F, v20;
	v25 =	vand.u32 $0xFFFFFF00, v25;
	[tilespmem:s16+$0xFFFFFFC0] =	vst v8;
	v8 =	vld.idx.msk [tilespmem:v19+s25+$0x0], $0xffff  }
0x146: {  	v18 =	vand.u32 $0x7F, v18;
	v19 =	vshll.u32 v22, $0x1;
	v22 =	vand.u32 $0x7F, v22;
	v7 =	vld.idx.msk [tilespmem:v7+s25+$0x0], $0xffff;
	[tilespmem:s16+$0x60] =	vst v12  }
0x147: {  	v12 =	vand.u32 $0xFFFFFF00, v19;
	v19 =	vand.u32 $0xFFFFFF00, v4;
	v4 =	vor.u32 v25, v18;
	[tilespmem:s16+$0xFFFFFFA0] =	vst v3;
	v1 =	vld.idx.msk [tilespmem:v1+s25+$0x0], $0xffff  }
0x148: {  	v3 =	vor.u32 v12, v22;
	v12 =	vand.u32 $0xFFFFFF00, v16;
	v15 =	vld.idx.msk [tilespmem:v15+s25+$0x0], $0xffff;
	[tilespmem:s16+$0x30] =	vst v11  }
0x149: {  	v11 =	vshll.u32 v17, $0x1;
	v16 =	vor.u32 $0x80, v3;
	v3 =	vld.idx.msk [tilespmem:v5+s25+$0x0], $0xffff;
	[tilespmem:s16+$0x50] =	vst v10  }
0x14a: {  	v5 =	vand.u32 $0xFFFFFF00, v11;
	v10 =	vand.u32 $0x7F, v17;
	[tilespmem:s16+$0xFFFFFF90] =	vst v2;
	v2 =	vld.idx.msk [tilespmem:v6+s25+$0x0], $0xffff  }
0x14b: {  	v6 =	vshll.u32 v14, $0x1;
	v5 =	vor.u32 v5, v10;
	v10 =	vor.u32 $0x80, v4;
	v0 =	vld.idx.msk [tilespmem:v0+s25+$0x0], $0xffff;
	[tilespmem:s16+$0x40] =	vst v8  }
0x14c: {  	v4 =	vand.u32 $0xFFFFFF00, v6;
	v6 =	vor.u32 $0x80, v5;
	v5 =	vld [tilespmem:s7+$0xFFFFFFD0];
	[tilespmem:s16+$0x0] =	vst v7  }
0x14d: {  	v13 =	vand.u32 $0xFFFFFF00, v13;
	v8 =	vand.u32 $0x7F, v14;
	v7 =	vshll.u32 v21, $0x1;
	v11 =	vld [tilespmem:s7+$0xFFFFFFE0];
	[tilespmem:s16+$0x10] =	vst v1  }
0x14e: {  	v1 =	vand.u32 $0xFFFFFF00, v7;
	v7 =	vshll.u32 v9, $0x1;
	v14 =	vld.idx.msk [tilespmem:v16+s24+$0x0], $0xffff;
	[tilespmem:s16+$0xFFFFFF80] =	vst v15  }
0x14f: {  	v17 =	vand.u32 $0x7F, v21;
	v4 =	vor.u32 v4, v8;
	v8 =	vor.u32 v13, v24;
	v15 =	vld [tilespmem:s7+$0xFFFFFF80];
	[tilespmem:s16+$0xFFFFFFE0] =	vst v3  }
0x150: {  	v1 =	vor.u32 v1, v17;
	v3 =	vor.u32 $0x80, v4;
	v13 =	vld.idx.msk [tilespmem:v10+s24+$0x0], $0xffff;
	[tilespmem:s16+$0xFFFFFFD0] =	vst v2  }
0x151: {  	v7 =	vand.u32 $0xFFFFFF00, v7;
	v4 =	vor.u32 $0x80, v8;
	v2 =	vor.u32 $0x80, v1;
	v8 =	vld [tilespmem:s7+$0x60];
	[tilespmem:s16+$0xFFFFFFB0] =	vst v0;
	s16 =	smov.u32 s17  }
0x152: {  	v1 =	vor.u32 v12, v23;
	v0 =	vshll.u32 v5, $0x1;
	v5 =	vand.u32 $0x7F, v5;
	v17 =	vld.idx.msk [tilespmem:v6+s24+$0x0], $0xffff  }
0x153: {  	v9 =	vand.u32 $0x7F, v9;
	v1 =	vor.u32 $0x80, v1;
	v12 =	vand.u32 $0xFFFFFF00, v0;
	v18 =	vld [tilespmem:s7+$0x40]  }
0x154: {  	v0 =	vor.u32 v7, v9;
	v7 =	vshll.u32 v11, $0x1;
	v11 =	vand.u32 $0x7F, v11;
	[tilespmem:s15+$0xFFFFFFF0] =	vst v14;
	v14 =	vld [tilespmem:s7+$0x50]  }
0x155: {  	v0 =	vor.u32 $0x80, v0;
	v7 =	vand.u32 $0xFFFFFF00, v7;
	v21 =	vand.u32 $0x7F, v15;
	v9 =	vld.idx.msk [tilespmem:v16+s25+$0x0], $0xffff  }
0x156: {  	v7 =	vor.u32 v7, v11;
	v16 =	vor.u32 v19, v20;
	v19 =	vld.idx.msk [tilespmem:v4+s24+$0x0], $0xffff;
	v20 =	vand.u32 $0x7F, v8;
	[tilespmem:s15+$0x70] =	vst v13  }
0x157: {  	v12 =	vor.u32 v12, v5;
	v13 =	vshll.u32 v15, $0x1;
	v8 =	vshll.u32 v8, $0x1;
	v11 =	vld.idx.msk [tilespmem:v10+s25+$0x0], $0xffff  }
0x158: {  	v5 =	vor.u32 $0x80, v7;
	v10 =	vand.u32 $0xFFFFFF00, v13;
	v15 =	vand.u32 $0xFFFFFF00, v8;
	[tilespmem:s15+$0xFFFFFFC0] =	vst v17;
	v13 =	vld.idx.msk [tilespmem:v1+s24+$0x0], $0xffff  }
0x159: {  	v7 =	vor.u32 $0x80, v16;
	v16 =	vshll.u32 v18, $0x1;
	v22 =	vld.idx.msk [tilespmem:v3+s24+$0x0], $0xffff;
	v8 =	vshll.u32 v14, $0x1  }
0x15a: {  	v18 =	vand.u32 $0x7F, v18;
	v14 =	vand.u32 $0x7F, v14;
	v23 =	vld.idx.msk [tilespmem:v0+s24+$0x0], $0xffff;
	v17 =	vand.u32 $0xFFFFFF00, v8  }
0x15b: {  	v20 =	vor.u32 v15, v20;
	v8 =	vld.idx.msk [tilespmem:v6+s25+$0x0], $0xffff;
	v6 =	vor.u32 $0x80, v12;
	v12 =	vor.u32 v17, v14  }
.Ltmp3:
0x15c: {  	v15 =	vor.u32 v10, v21;
	v16 =	vand.u32 $0xFFFFFF00, v16;
	v17 =	vld [tilespmem:s7+$0x30];
	v10 =	vor.u32 $0x80, v12;
	(pc) =	sbr.rel @p1 .LBB2_5-.Ltmp3, $4  }
0x15d: {  	v12 =	vor.u32 $0x80, v20;
	v14 =	vld.idx.msk [tilespmem:v2+s24+$0x0], $0xffff;
	[tilespmem:s15+$0x20] =	vst v19;
	v19 =	vor.u32 v16, v18  }
0x15e: {  	v16 =	vld.idx.msk [tilespmem:v5+s24+$0x0], $0xffff;
	[tilespmem:s15+$0x10] =	vst v13  }
0x15f: {  	[tilespmem:s15+$0xFFFFFFA0] =	vst v22;
	v18 =	vld.idx.msk [tilespmem:v7+s24+$0x0], $0xffff  }
0x160: {  	s7 =	sadd.s32 $0x100, s7;
	[tilespmem:s15+$0xFFFFFFB0] =	vst v23;
	v13 =	vld.idx.msk [tilespmem:v6+s24+$0x0], $0xffff  }
0x161: {  	_ =	sdelay $0x1  }
0x162: {  	[tilespmem:s16+$0xFFFFFFF0] =	vst v9  }
0x163: {  	[tilespmem:s16+$0x70] =	vst v11  }
0x164: {  	v9 =	vor.u32 $0x80, v15;
	v15 =	vld.idx.msk [tilespmem:v12+s24+$0x0], $0xffff;
	[tilespmem:s16+$0xFFFFFFC0] =	vst v8  }
0x165: {  	v11 =	vld.idx.msk [tilespmem:v10+s24+$0x0], $0xffff;
	[tilespmem:s31+$0xFFFFFF90] =	vst v14  }
0x166: {  	v4 =	vld.idx.msk [tilespmem:v4+s25+$0x0], $0xffff;
	[tilespmem:s31+$0xFFFFFFE0] =	vst v16  }
0x167: {  	v20 =	vshll.u32 v17, $0x1;
	v3 =	vld.idx.msk [tilespmem:v3+s25+$0x0], $0xffff;
	[tilespmem:s31+$0x0] =	vst v18  }
0x168: {  	v53 =	vand.u32 $0x7F, v17;
	v19 =	vor.u32 $0x80, v19;
	v1 =	vld.idx.msk [tilespmem:v1+s25+$0x0], $0xffff;
	v20 =	vand.u32 $0xFFFFFF00, v20;
	[tilespmem:s31+$0xFFFFFFD0] =	vst v13  }
0x169: {  	v0 =	vld.idx.msk [tilespmem:v0+s25+$0x0], $0xffff;
	v17 =	vor.u32 v20, v53;
	[tilespmem:s31+$0x60] =	vst v15  }
0x16a: {  	v2 =	vld.idx.msk [tilespmem:v2+s25+$0x0], $0xffff;
	v17 =	vor.u32 $0x80, v17;
	[tilespmem:s31+$0x50] =	vst v11  }
0x16b: {  	v5 =	vld.idx.msk [tilespmem:v5+s25+$0x0], $0xffff;
	[tilespmem:s16+$0x20] =	vst v4  }
0x16c: {  	v7 =	vld.idx.msk [tilespmem:v7+s25+$0x0], $0xffff;
	[tilespmem:s16+$0xFFFFFFA0] =	vst v3  }
0x16d: {  	v54 =	vld.idx.msk [tilespmem:v19+s24+$0x0], $0xffff;
	[tilespmem:s16+$0x10] =	vst v1  }
0x16e: {  	v15 =	vld.idx.msk [tilespmem:v9+s24+$0x0], $0xffff;
	[tilespmem:s16+$0xFFFFFFB0] =	vst v0  }
0x16f: {  	[tilespmem:s16+$0xFFFFFF90] =	vst v2;
	v14 =	vld.idx.msk [tilespmem:v17+s24+$0x0], $0xffff  }
0x170: {  	v11 =	vld.idx.msk [tilespmem:v12+s25+$0x0], $0xffff;
	[tilespmem:s16+$0xFFFFFFE0] =	vst v5  }
0x171: {  	v10 =	vld.idx.msk [tilespmem:v10+s25+$0x0], $0xffff;
	[tilespmem:s16+$0x0] =	vst v7  }
0x172: {  	v2 =	vld.idx.msk [tilespmem:v6+s25+$0x0], $0xffff;
	[tilespmem:s31+$0x40] =	vst v54  }
0x173: {  	[tilespmem:s31+$0xFFFFFF80] =	vst v15;
	v4 =	vld.idx.msk [tilespmem:v19+s25+$0x0], $0xffff  }
0x174: {  	v3 =	vld.idx.msk [tilespmem:v9+s25+$0x0], $0xffff;
	[tilespmem:s31+$0x30] =	vst v14  }
0x175: {  	[tilespmem:s16+$0x60] =	vst v11;
	v12 =	vld.idx.msk [tilespmem:v17+s25+$0x0], $0xffff  }
0x176: {  	[tilespmem:s16+$0x50] =	vst v10  }
0x177: {  	s2 =	sor.u32 $0x80, s14;
	[tilespmem:s16+$0xFFFFFFD0] =	vst v2  }
0x178: {  	s7 =	sor.u32 s2, s1;
	[tilespmem:s16+$0x40] =	vst v4  }
0x179: {  	s2 =	sor.u32 s2, s10;
	s7 =	sshrl.u32 s7, $0x3;
	[tilespmem:s16+$0xFFFFFF80] =	vst v3  }
0x17a: {  	s15 =	simm.s32 $0x14000;
	s2 =	sshrl.u32 s2, $0x3;
	s17 =	sadd.s32 s3, s7;
	[tilespmem:s16+$0x30] =	vst v12  }
0x17b: {  	[hbm4b:s17+s30] =	stream.strided.scatter [tilespmem:s15], [sflag:$0x4], $0x1800, s23, s30, $0x38;
	[tilespmem:$0x1E000] =	vst v63  }
0x17c: {  	s15 =	sadd.s32 s5, s2  }
0x17d: {  	[hbm4b:s15+s30] =	stream.strided.scatter [tilespmem:s19], [sflag:$0x4], $0x800, s23, s30, $0x38;
	[tilespmem:$0x1E000] =	vst v63  }
0x17e: {  	s14 =	sor.u32 $0x1, s13;
	s7 =	sadd.s32 s4, s7  }
0x17f: {  	[hbm4b:s7+s30] =	stream.strided.scatter [tilespmem:s9], [sflag:$0x4], $0x1800, s23, s30, $0x38;
	[tilespmem:$0x1E000] =	vst v63  }
0x180: {  	p1 =	sgt.u32 s14, $0x7E;
	s2 =	sadd.s32 s6, s2  }
0x181: {  	[hbm4b:s2+s30] =	stream.strided.scatter [tilespmem:s11], [sflag:$0x4], $0x800, s23, s30, $0x38;
	[tilespmem:$0x1E000] =	vst v63  }
0x182: {  	s2 =	sadd.s32 @!p1 $0x2, s13  }
0x183: {  	s13 =	rddreg [dreg:$0xa];
	s7 =	sshrl.u32 @!p1 s2, $0x5  }
0x184: {  	s7 =	sadd.s32 @!p1 s13, s7;
	s13 =	sshll.u32 @!p1 s2, $0xB;
	s2 =	sshll.u32 @!p1 s2, $0x5  }
0x185: {  	s7 =	sshll.u32 @!p1 s7, $0x10;
	s13 =	sand.u32 @!p1 $0xE000, s13;
	s2 =	sand.u32 @!p1 $0x40, s2  }
0x186: {  	s7 =	sand.u32 @!p1 $0xFFF0000, s7;
	s2 =	sor.u32 @!p1 s13, s2  }
0x187: {  	s16 =	simm.s32 @!p1 $0x2000;
	s2 =	sor.u32 @!p1 s7, s2  }
0x188: {  	s15 =	simm.s32 @!p1 $0x400;
	s13 =	simm.s32 @!p1 $0x100;
	s7 =	sadd.s32 @!p1 s18, s2  }
0x189: {  	[tilespmem:s16], [sflag:$0x1] =	stream.strided.gather @!p1 [hbm4b:s7+s13], $0x4000, s15, s13, $0x38;
	[tilespmem:$0x1E000] =	vst v63  }
0x18a: {  	s7 =	rddreg [dreg:$0x1]  }
0x18b: {  	s2 =	sadd.s32 @!p1 s7, s2;
	s7 =	simm.s32 @!p1 $0xA000  }
0x18c: {  	[tilespmem:s7], [sflag:$0x1] =	stream.strided.gather @!p1 [hbm4b:s2+s13], $0x4000, s15, s13, $0x38;
	[tilespmem:$0x1E000] =	vst v63  }
0x18d: {  	_ =	swait.ge [sflag:s12], $0x4000  }
0x18e: {  	[sflag:s12] =	ssyncset.done $0x0  }
0x18f: {  	[sflag:s12] =	ssyncadd.s32 $0xFFFFC000  }
0x190: {  	_ =	swait.ge [sflag:s12], $0x4000  }
0x191: {  	[sflag:s12] =	ssyncset.done $0x0  }
0x192: {  	[sflag:s12] =	ssyncadd.s32 $0xFFFFC000  }
0x193: {  	_ =	swait.ge [sflag:s20], $0x1800  }
0x194: {  	[sflag:s20] =	ssyncset.done $0x0  }
0x195: {  	[sflag:s20] =	ssyncadd.s32 $0xFFFFE800  }
0x196: {  	_ =	swait.ge [sflag:s20], $0x800  }
0x197: {  	[sflag:s20] =	ssyncset.done $0x0  }
0x198: {  	[sflag:s20] =	ssyncadd.s32 $0xFFFFF800  }
0x199: {  	_ =	swait.ge [sflag:s20], $0x1800  }
0x19a: {  	[sflag:s20] =	ssyncset.done $0x0  }
0x19b: {  	[sflag:s20] =	ssyncadd.s32 $0xFFFFE800  }
0x19c: {  	_ =	swait.ge [sflag:s20], $0x800  }
0x19d: {  	[sflag:s20] =	ssyncset.done $0x0  }
0x19e: {  	s16 =	simm.s32 $0x80;
	[sflag:s20] =	ssyncadd.s32 $0xFFFFF800  }
0x19f: {  	v0 =	vld [tilespmem:s16+$0x70]  }
0x1a0: {  	v1 =	vld [tilespmem:s16+$0xFFFFFF90]  }
0x1a1: {  	v2 =	vld [tilespmem:s16+$0xFFFFFFA0]  }
0x1a2: {  	v3 =	vld [tilespmem:s16+$0xFFFFFFB0]  }
0x1a3: {  	v4 =	vld [tilespmem:s16+$0xFFFFFFC0]  }
0x1a4: {  	v6 =	vld [tilespmem:s16+$0xFFFFFFD0]  }
0x1a5: {  	v7 =	vld [tilespmem:s16+$0xFFFFFFE0]  }
0x1a6: {  	v9 =	vld [tilespmem:s16+$0xFFFFFFF0]  }
0x1a7: {  	v10 =	vld [tilespmem:s16+$0xFFFFFF80]  }
0x1a8: {  	v12 =	vld [tilespmem:s16+$0x0]  }
0x1a9: {  	v14 =	vld [tilespmem:s16+$0x10]  }
0x1aa: {  	v57 =	vld [tilespmem:s16+$0x20]  }
0x1ab: {  	v58 =	vld [tilespmem:s16+$0x30]  }
0x1ac: {  	v21 =	vld [tilespmem:s16+$0x40]  }
0x1ad: {  	v60 =	vld [tilespmem:s16+$0x50];
	v5 =	vshll.u32 v0, $0x1;
	v0 =	vand.u32 $0x7F, v0  }
0x1ae: {  	s31 =	smov.u32 s18;
	s18 =	simm.s32 $0x180;
	v22 =	vld [tilespmem:s16+$0x60];
	v8 =	vshll.u32 v2, $0x1;
	v11 =	vshll.u32 v3, $0x1;
	v2 =	vand.u32 $0x7F, v2  }
0x1af: {  	v36 =	vld [tilespmem:s18+$0xFFFFFFB0];
	v13 =	vshll.u32 v4, $0x1;
	v3 =	vand.u32 $0x7F, v3;
	v15 =	vshll.u32 v6, $0x1  }
0x1b0: {  	v37 =	vld [tilespmem:s18+$0xFFFFFFC0];
	v4 =	vand.u32 $0x7F, v4;
	v55 =	vshll.u32 v7, $0x1;
	v6 =	vand.u32 $0x7F, v6  }
0x1b1: {  	v38 =	vld [tilespmem:s18+$0xFFFFFFD0];
	v59 =	vshll.u32 v9, $0x1;
	v7 =	vand.u32 $0x7F, v7;
	v9 =	vand.u32 $0x7F, v9  }
0x1b2: {  	v30 =	vld [tilespmem:s18+$0xFFFFFFE0];
	v62 =	vshll.u32 v58, $0x1;
	v18 =	vand.u32 $0x7F, v57;
	v19 =	vand.u32 $0x7F, v58  }
0x1b3: {  	v31 =	vld [tilespmem:s18+$0xFFFFFFF0];
	v23 =	vshll.u32 v21, $0x1;
	v21 =	vand.u32 $0x7F, v21;
	v5 =	vand.u32 $0xFFFFFF00, v5  }
0x1b4: {  	v40 =	vld [tilespmem:s18+$0x10];
	v24 =	vshll.u32 v60, $0x1;
	v8 =	vand.u32 $0xFFFFFF00, v8;
	v0 =	vor.u32 v0, v5  }
0x1b5: {  	v41 =	vld [tilespmem:s18+$0x20];
	v20 =	vand.u32 $0x7F, v60;
	v13 =	vand.u32 $0xFFFFFF00, v13;
	v2 =	vor.u32 v2, v8  }
0x1b6: {  	v42 =	vld [tilespmem:s18+$0x30];
	v11 =	vand.u32 $0xFFFFFF00, v11;
	v15 =	vand.u32 $0xFFFFFF00, v15;
	v4 =	vor.u32 v4, v13  }
0x1b7: {  	v44 =	vld [tilespmem:s18+$0x40];
	v16 =	vand.u32 $0xFFFFFF00, v55;
	v17 =	vand.u32 $0xFFFFFF00, v62;
	v6 =	vor.u32 v6, v15  }
0x1b8: {  	v48 =	vld [tilespmem:s18+$0xFFFFFF80];
	v23 =	vand.u32 $0xFFFFFF00, v23;
	v24 =	vand.u32 $0xFFFFFF00, v24;
	v7 =	vor.u32 v7, v16  }
0x1b9: {  	v3 =	vor.u32 v3, v11;
	v11 =	vshll.u32 v14, $0x1;
	v17 =	vor.u32 v19, v17;
	v56 =	vld.idx.msk [tilespmem:v0+s26+$0x0], $0xffff  }
0x1ba: {  	v14 =	vand.u32 $0x7F, v14;
	v21 =	vor.u32 v21, v23;
	v11 =	vand.u32 $0xFFFFFF00, v11;
	v61 =	vld.idx.msk [tilespmem:v2+s26+$0x0], $0xffff  }
0x1bb: {  	v5 =	vshll.u32 v1, $0x1;
	v20 =	vor.u32 v20, v24;
	v11 =	vor.u32 v14, v11;
	v14 =	vld.idx.msk [tilespmem:v4+s26+$0x0], $0xffff  }
0x1bc: {  	v1 =	vand.u32 $0x7F, v1;
	v8 =	vand.u32 $0xFFFFFF00, v59;
	v5 =	vand.u32 $0xFFFFFF00, v5;
	v63 =	vld.idx.msk [tilespmem:v6+s26+$0x0], $0xffff  }
0x1bd: {  	v8 =	vor.u32 v9, v8;
	v1 =	vor.u32 v1, v5;
	v5 =	vshll.u32 v10, $0x1;
	v32 =	vld.idx.msk [tilespmem:v7+s26+$0x0], $0xffff  }
0x1be: {  	v15 =	vshll.u32 v57, $0x1;
	v10 =	vand.u32 $0x7F, v10;
	v5 =	vand.u32 $0xFFFFFF00, v5;
	v27 =	vld.idx.msk [tilespmem:v17+s26+$0x0], $0xffff  }
0x1bf: {  	v15 =	vand.u32 $0xFFFFFF00, v15;
	v5 =	vor.u32 v10, v5;
	v10 =	vshll.u32 v12, $0x1;
	v28 =	vld.idx.msk [tilespmem:v21+s26+$0x0], $0xffff  }
0x1c0: {  	v15 =	vor.u32 v18, v15;
	v12 =	vand.u32 $0x7F, v12;
	v10 =	vand.u32 $0xFFFFFF00, v10;
	v29 =	vld.idx.msk [tilespmem:v20+s26+$0x0], $0xffff  }
0x1c1: {  	v10 =	vor.u32 v12, v10;
	v12 =	vld.idx.msk [tilespmem:v3+s26+$0x0], $0xffff  }
0x1c2: {  	v33 =	vld.idx.msk [tilespmem:v8+s26+$0x0], $0xffff  }
0x1c3: {  	v13 =	vld.idx.msk [tilespmem:v1+s26+$0x0], $0xffff  }
0x1c4: {  	v35 =	vld.idx.msk [tilespmem:v11+s26+$0x0], $0xffff  }
0x1c5: {  	s17 =	simm.s32 $0x12080;
	v26 =	vld.idx.msk [tilespmem:v15+s26+$0x0], $0xffff  }
0x1c6: {  	v9 =	vld.idx.msk [tilespmem:v5+s26+$0x0], $0xffff;
	[tilespmem:s17+$0x70] =	vst v56  }
0x1c7: {  	[tilespmem:s17+$0xFFFFFFC0] =	vst v14;
	v14 =	vld [tilespmem:s18+$0xFFFFFFA0]  }
0x1c8: {  	[tilespmem:s17+$0xFFFFFFE0] =	vst v32;
	v32 =	vld [tilespmem:s18+$0x50]  }
0x1c9: {  	v0 =	vld.idx.msk [tilespmem:v0+s28+$0x0], $0xffff  }
0x1ca: {  	[tilespmem:s17+$0xFFFFFFA0] =	vst v61;
	v34 =	vld.idx.msk [tilespmem:v10+s26+$0x0], $0xffff  }
0x1cb: {  	[tilespmem:s17+$0xFFFFFFD0] =	vst v63;
	v2 =	vld.idx.msk [tilespmem:v2+s28+$0x0], $0xffff  }
0x1cc: {  	[tilespmem:s17+$0x30] =	vst v27;
	v4 =	vld.idx.msk [tilespmem:v4+s28+$0x0], $0xffff  }
0x1cd: {  	[tilespmem:s17+$0x40] =	vst v28;
	v6 =	vld.idx.msk [tilespmem:v6+s28+$0x0], $0xffff  }
0x1ce: {  	[tilespmem:s17+$0x50] =	vst v29;
	v7 =	vld.idx.msk [tilespmem:v7+s28+$0x0], $0xffff  }
0x1cf: {  	v25 =	vshll.u32 v22, $0x1;
	[tilespmem:s17+$0xFFFFFFB0] =	vst v12;
	v12 =	vld [tilespmem:s18+$0x70]  }
0x1d0: {  	v22 =	vand.u32 $0x7F, v22;
	v25 =	vand.u32 $0xFFFFFF00, v25;
	[tilespmem:s17+$0xFFFFFFF0] =	vst v33;
	v17 =	vld.idx.msk [tilespmem:v17+s28+$0x0], $0xffff  }
0x1d1: {  	v22 =	vor.u32 v22, v25;
	v21 =	vld.idx.msk [tilespmem:v21+s28+$0x0], $0xffff;
	[tilespmem:s17+$0xFFFFFF90] =	vst v13  }
0x1d2: {  	v3 =	vld.idx.msk [tilespmem:v3+s28+$0x0], $0xffff;
	[tilespmem:s17+$0x10] =	vst v35  }
0x1d3: {  	v8 =	vld.idx.msk [tilespmem:v8+s28+$0x0], $0xffff;
	[tilespmem:s17+$0x20] =	vst v26  }
0x1d4: {  	s13 =	simm.s32 $0x16080;
	v13 =	vld [tilespmem:s18+$0xFFFFFF90];
	[tilespmem:s17+$0xFFFFFF80] =	vst v9  }
0x1d5: {  	v1 =	vld.idx.msk [tilespmem:v1+s28+$0x0], $0xffff;
	v39 =	vshll.u32 v12, $0x1;
	[tilespmem:s13+$0x70] =	vst v0  }
0x1d6: {  	v50 =	vshll.u32 v38, $0x1;
	v9 =	vld.idx.msk [tilespmem:v22+s26+$0x0], $0xffff;
	v12 =	vand.u32 $0x7F, v12;
	[tilespmem:s17+$0x0] =	vst v34;
	v23 =	vand.u32 $0xFFFFFF00, v39  }
0x1d7: {  	v51 =	vshll.u32 v48, $0x1;
	v52 =	vand.u32 $0x7F, v31;
	v11 =	vld.idx.msk [tilespmem:v11+s28+$0x0], $0xffff;
	[tilespmem:s13+$0xFFFFFFA0] =	vst v2;
	v12 =	vor.u32 v12, v23  }
0x1d8: {  	v19 =	vand.u32 $0x7F, v38;
	v33 =	vshll.u32 v37, $0x1;
	v5 =	vld.idx.msk [tilespmem:v5+s28+$0x0], $0xffff;
	v46 =	vshll.u32 v14, $0x1;
	[tilespmem:s13+$0xFFFFFFC0] =	vst v4  }
0x1d9: {  	v26 =	vand.u32 $0xFFFFFF00, v51;
	v15 =	vld.idx.msk [tilespmem:v15+s28+$0x0], $0xffff;
	v14 =	vand.u32 $0x7F, v14;
	v47 =	vand.u32 $0xFFFFFF00, v46;
	[tilespmem:s13+$0xFFFFFFD0] =	vst v6  }
0x1da: {  	v0 =	vld [tilespmem:s18+$0x0];
	v2 =	vand.u32 $0xFFFFFF00, v50;
	v4 =	vand.u32 $0x7F, v48;
	[tilespmem:s13+$0xFFFFFFE0] =	vst v7;
	v45 =	vshll.u32 v13, $0x1  }
0x1db: {  	v13 =	vand.u32 $0x7F, v13;
	v10 =	vld.idx.msk [tilespmem:v10+s28+$0x0], $0xffff;
	v26 =	vor.u32 v4, v26;
	[tilespmem:s17+$0x60] =	vst v9;
	v9 =	vand.u32 $0xFFFFFF00, v45  }
0x1dc: {  	v6 =	vand.u32 $0x7F, v30;
	[tilespmem:s13+$0xFFFFFFB0] =	vst v3;
	v14 =	vor.u32 v14, v47;
	v9 =	vor.u32 v13, v9;
	v43 =	vld.idx.msk [tilespmem:v12+s26+$0x0], $0xffff  }
0x1dd: {  	v34 =	vld [tilespmem:s18+$0x60];
	v19 =	vor.u32 v19, v2;
	v2 =	vshll.u32 v41, $0x1;
	[tilespmem:s13+$0xFFFFFF80] =	vst v5;
	v5 =	vshll.u32 v36, $0x1  }
0x1de: {  	v7 =	vld.idx.msk [tilespmem:v20+s28+$0x0], $0xffff;
	[tilespmem:s13+$0xFFFFFF90] =	vst v1;
	v13 =	vshll.u32 v30, $0x1;
	v1 =	vand.u32 $0xFFFFFF00, v5;
	v5 =	vand.u32 $0x7F, v36  }
0x1df: {  	[tilespmem:s13+$0xFFFFFFF0] =	vst v8;
	v8 =	vld.idx.msk [tilespmem:v22+s28+$0x0], $0xffff;
	v3 =	vand.u32 $0xFFFFFF00, v13;
	v4 =	vshll.u32 v0, $0x1;
	v0 =	vand.u32 $0x7F, v0  }
0x1e0: {  	s15 =	simm.s32 $0x12180;
	v53 =	vor.u32 v5, v1;
	v4 =	vand.u32 $0xFFFFFF00, v4;
	v5 =	vshll.u32 v40, $0x1;
	[tilespmem:s13+$0x0] =	vst v10;
	v10 =	vld.idx.msk [tilespmem:v26+s26+$0x0], $0xffff  }
0x1e1: {  	v13 =	vshll.u32 v31, $0x1;
	v54 =	vand.u32 $0xFFFFFF00, v5;
	v5 =	vor.u32 v0, v4;
	v1 =	vld.idx.msk [tilespmem:v9+s26+$0x0], $0xffff;
	[tilespmem:s15+$0x70] =	vst v43  }
0x1e2: {  	[tilespmem:s13+$0x30] =	vst v17;
	v2 =	vand.u32 $0xFFFFFF00, v2;
	v13 =	vand.u32 $0xFFFFFF00, v13;
	v55 =	vor.u32 v6, v3;
	v12 =	vld.idx.msk [tilespmem:v12+s28+$0x0], $0xffff  }
0x1e3: {  	[tilespmem:s13+$0x10] =	vst v11;
	v11 =	vand.u32 $0x7F, v41;
	v56 =	vld.idx.msk [tilespmem:v14+s26+$0x0], $0xffff;
	v3 =	vshll.u32 v42, $0x1;
	v57 =	vor.u32 v52, v13  }
0x1e4: {  	[tilespmem:s13+$0x20] =	vst v15;
	v13 =	vand.u32 $0xFFFFFF00, v3;
	v0 =	vand.u32 $0x7F, v42;
	v3 =	vor.u32 v11, v2;
	v11 =	vld.idx.msk [tilespmem:v19+s26+$0x0], $0xffff  }
0x1e5: {  	v18 =	vand.u32 $0x7F, v37;
	v49 =	vand.u32 $0xFFFFFF00, v33;
	v2 =	vor.u32 v0, v13;
	v58 =	vld.idx.msk [tilespmem:v53+s26+$0x0], $0xffff;
	[tilespmem:s15+$0xFFFFFF80] =	vst v10  }
0x1e6: {  	s16 =	simm.s32 $0x16180;
	v16 =	vor.u32 v18, v49;
	v59 =	vand.u32 $0x7F, v32;
	v10 =	vld.idx.msk [tilespmem:v5+s26+$0x0], $0xffff;
	[tilespmem:s15+$0xFFFFFF90] =	vst v1  }
0x1e7: {  	v15 =	vshll.u32 v32, $0x1;
	v13 =	vld.idx.msk [tilespmem:v55+s26+$0x0], $0xffff;
	v1 =	vshll.u32 v44, $0x1;
	[tilespmem:s16+$0x70] =	vst v12;
	v12 =	vand.u32 $0x7F, v40  }
0x1e8: {  	[tilespmem:s13+$0x40] =	vst v21;
	v4 =	vand.u32 $0x7F, v44;
	v60 =	vld.idx.msk [tilespmem:v57+s26+$0x0], $0xffff;
	v1 =	vand.u32 $0xFFFFFF00, v1;
	v6 =	vor.u32 v12, v54  }
0x1e9: {  	v0 =	vand.u32 $0xFFFFFF00, v15;
	v15 =	vshll.u32 v34, $0x1;
	[tilespmem:s15+$0xFFFFFFD0] =	vst v11;
	v63 =	vld.idx.msk [tilespmem:v26+s28+$0x0], $0xffff;
	v4 =	vor.u32 v4, v1  }
0x1ea: {  	v61 =	vand.u32 $0x7F, v34;
	v15 =	vand.u32 $0xFFFFFF00, v15;
	v11 =	vld.idx.msk [tilespmem:v2+s26+$0x0], $0xffff;
	v1 =	vor.u32 v59, v0;
	[tilespmem:s15+$0xFFFFFFB0] =	vst v58  }
0x1eb: {  	v0 =	vor.u32 v61, v15;
	[tilespmem:s15+$0x0] =	vst v10;
	v10 =	vld.idx.msk [tilespmem:v53+s28+$0x0], $0xffff  }
0x1ec: {  	[tilespmem:s15+$0xFFFFFFA0] =	vst v56;
	v12 =	vld.idx.msk [tilespmem:v16+s26+$0x0], $0xffff  }
0x1ed: {  	[tilespmem:s15+$0xFFFFFFE0] =	vst v13;
	v15 =	vld.idx.msk [tilespmem:v6+s26+$0x0], $0xffff  }
0x1ee: {  	[tilespmem:s15+$0xFFFFFFF0] =	vst v60;
	v13 =	vld.idx.msk [tilespmem:v4+s26+$0x0], $0xffff  }
0x1ef: {  	[tilespmem:s16+$0xFFFFFF80] =	vst v63;
	v17 =	vld.idx.msk [tilespmem:v1+s26+$0x0], $0xffff  }
0x1f0: {  	[tilespmem:s15+$0x30] =	vst v11;
	v62 =	vld.idx.msk [tilespmem:v0+s26+$0x0], $0xffff  }
0x1f1: {  	[tilespmem:s15+$0xFFFFFFC0] =	vst v12;
	v12 =	vld.idx.msk [tilespmem:v3+s26+$0x0], $0xffff  }
0x1f2: {  	[tilespmem:s15+$0x10] =	vst v15;
	v15 =	vld.idx.msk [tilespmem:v9+s28+$0x0], $0xffff  }
0x1f3: {  	[tilespmem:s15+$0x40] =	vst v13;
	v9 =	vld.idx.msk [tilespmem:v14+s28+$0x0], $0xffff  }
0x1f4: {  	v11 =	vld.idx.msk [tilespmem:v16+s28+$0x0], $0xffff;
	[tilespmem:s15+$0x50] =	vst v17  }
0x1f5: {  	[tilespmem:s15+$0x60] =	vst v62;
	v13 =	vld.idx.msk [tilespmem:v55+s28+$0x0], $0xffff  }
0x1f6: {  	[tilespmem:s15+$0x20] =	vst v12;
	v12 =	vld.idx.msk [tilespmem:v19+s28+$0x0], $0xffff  }
0x1f7: {  	s2 =	simm.s32 $0x100;
	s7 =	simm.s32 $0x280;
	v14 =	vld.idx.msk [tilespmem:v57+s28+$0x0], $0xffff;
	[tilespmem:s16+$0xFFFFFF90] =	vst v15  }
.LBB2_7:
0x1f8: {  	v15 =	vld [tilespmem:s7+$0x70];
	s2 =	sadd.s32 $0x100, s2;
	[tilespmem:s16+$0xFFFFFFA0] =	vst v9  }
0x1f9: {  	v9 =	vld [tilespmem:s7+$0xFFFFFF90];
	p1 =	slt.u32 s2, $0x1F00;
	[tilespmem:s16+$0xFFFFFFB0] =	vst v10  }
0x1fa: {  	v10 =	vld [tilespmem:s7+$0xFFFFFFA0];
	[tilespmem:s16+$0xFFFFFFC0] =	vst v11  }
0x1fb: {  	v11 =	vld [tilespmem:s7+$0xFFFFFFB0];
	[tilespmem:s16+$0xFFFFFFD0] =	vst v12  }
0x1fc: {  	v12 =	vld [tilespmem:s7+$0xFFFFFFC0];
	[tilespmem:s16+$0xFFFFFFE0] =	vst v13  }
0x1fd: {  	v13 =	vld [tilespmem:s7+$0xFFFFFFD0];
	v16 =	vshll.u32 v15, $0x1;
	[tilespmem:s16+$0xFFFFFFF0] =	vst v14  }
0x1fe: {  	v15 =	vand.u32 $0x7F, v15;
	v14 =	vshll.u32 v9, $0x1;
	v17 =	vld [tilespmem:s7+$0xFFFFFFE0];
	v16 =	vand.u32 $0xFFFFFF00, v16;
	[tilespmem:s13+$0x50] =	vst v7  }
0x1ff: {  	v7 =	vand.u32 $0xFFFFFF00, v14;
	v14 =	vshll.u32 v10, $0x1;
	v18 =	vld [tilespmem:s7+$0xFFFFFFF0];
	v15 =	vor.u32 v15, v16;
	[tilespmem:s13+$0x60] =	vst v8;
	s13 =	smov.u32 s16  }
0x200: {  	v8 =	vand.u32 $0x7F, v9;
	v9 =	vand.u32 $0xFFFFFF00, v14;
	v14 =	vshll.u32 v11, $0x1;
	v16 =	vld [tilespmem:s7+$0x0]  }
0x201: {  	v10 =	vand.u32 $0x7F, v10;
	v14 =	vand.u32 $0xFFFFFF00, v14;
	v19 =	vshll.u32 v12, $0x1;
	v20 =	vld [tilespmem:s7+$0x10]  }
0x202: {  	v11 =	vand.u32 $0x7F, v11;
	v19 =	vand.u32 $0xFFFFFF00, v19;
	v21 =	vshll.u32 v13, $0x1;
	v22 =	vld [tilespmem:s7+$0x20]  }
0x203: {  	v12 =	vand.u32 $0x7F, v12;
	v21 =	vand.u32 $0xFFFFFF00, v21;
	v23 =	vshll.u32 v17, $0x1;
	v24 =	vld [tilespmem:s7+$0x30]  }
0x204: {  	v13 =	vand.u32 $0x7F, v13;
	v23 =	vand.u32 $0xFFFFFF00, v23;
	v25 =	vshll.u32 v18, $0x1;
	v26 =	vld.idx.msk [tilespmem:v15+s26+$0x0], $0xffff  }
0x205: {  	v17 =	vand.u32 $0x7F, v17;
	v25 =	vand.u32 $0xFFFFFF00, v25;
	v27 =	vshll.u32 v16, $0x1;
	v28 =	vld [tilespmem:s7+$0x40]  }
0x206: {  	v18 =	vand.u32 $0x7F, v18;
	v27 =	vand.u32 $0xFFFFFF00, v27;
	v29 =	vshll.u32 v20, $0x1;
	v30 =	vld [tilespmem:s7+$0x50]  }
0x207: {  	v16 =	vand.u32 $0x7F, v16;
	v29 =	vand.u32 $0xFFFFFF00, v29;
	v31 =	vshll.u32 v22, $0x1;
	v32 =	vld [tilespmem:s7+$0x60]  }
0x208: {  	v20 =	vand.u32 $0x7F, v20;
	v33 =	vld [tilespmem:s7+$0xFFFFFF80];
	v31 =	vand.u32 $0xFFFFFF00, v31;
	v34 =	vshll.u32 v24, $0x1  }
0x209: {  	s15 =	sadd.s32 $0x100, s15;
	v22 =	vand.u32 $0x7F, v22;
	v24 =	vand.u32 $0x7F, v24;
	v34 =	vand.u32 $0xFFFFFF00, v34;
	v35 =	vld.idx.msk [tilespmem:v5+s28+$0x0], $0xffff  }
0x20a: {  	v36 =	vor.u32 v8, v7;
	v5 =	vshll.u32 v28, $0x1;
	v8 =	vand.u32 $0x7F, v28;
	[tilespmem:s15+$0x70] =	vst v26;
	v26 =	vld.idx.msk [tilespmem:v6+s28+$0x0], $0xffff  }
0x20b: {  	v28 =	vand.u32 $0xFFFFFF00, v5;
	v5 =	vshll.u32 v30, $0x1;
	v30 =	vand.u32 $0x7F, v30;
	v15 =	vld.idx.msk [tilespmem:v15+s28+$0x0], $0xffff  }
0x20c: {  	v37 =	vand.u32 $0xFFFFFF00, v5;
	v5 =	vshll.u32 v32, $0x1;
	v32 =	vand.u32 $0x7F, v32;
	v38 =	vld.idx.msk [tilespmem:v3+s28+$0x0], $0xffff  }
0x20d: {  	v3 =	vshll.u32 v33, $0x1;
	v6 =	vand.u32 $0x7F, v33;
	v33 =	vand.u32 $0xFFFFFF00, v5;
	v39 =	vld.idx.msk [tilespmem:v2+s28+$0x0], $0xffff  }
0x20e: {  	v9 =	vor.u32 v10, v9;
	v10 =	vor.u32 v11, v14;
	v2 =	vand.u32 $0xFFFFFF00, v3;
	v11 =	vld.idx.msk [tilespmem:v4+s28+$0x0], $0xffff  }
0x20f: {  	v12 =	vor.u32 v12, v19;
	v13 =	vor.u32 v13, v21;
	v14 =	vor.u32 v6, v2;
	v40 =	vld.idx.msk [tilespmem:v36+s26+$0x0], $0xffff  }
0x210: {  	s16 =	sadd.s32 $0x100, s16;
	v17 =	vor.u32 v17, v23;
	v18 =	vor.u32 v18, v25;
	v5 =	vor.u32 v16, v27;
	v7 =	vld.idx.msk [tilespmem:v1+s28+$0x0], $0xffff  }
0x211: {  	v3 =	vor.u32 v22, v31;
	v6 =	vor.u32 v20, v29;
	v2 =	vor.u32 v24, v34;
	[tilespmem:s16+$0x70] =	vst v15  }
0x212: {  	v4 =	vor.u32 v8, v28;
	v1 =	vor.u32 v30, v37;
	v8 =	vld.idx.msk [tilespmem:v0+s28+$0x0], $0xffff;
	v0 =	vor.u32 v32, v33  }
0x213: {  	v15 =	vld.idx.msk [tilespmem:v9+s26+$0x0], $0xffff;
	[tilespmem:s13+$0x0] =	vst v35  }
0x214: {  	v16 =	vld.idx.msk [tilespmem:v14+s26+$0x0], $0xffff;
	[tilespmem:s13+$0x10] =	vst v26  }
0x215: {  	[tilespmem:s15+$0xFFFFFF90] =	vst v40;
	v19 =	vld.idx.msk [tilespmem:v10+s26+$0x0], $0xffff  }
0x216: {  	v20 =	vld.idx.msk [tilespmem:v12+s26+$0x0], $0xffff;
	[tilespmem:s13+$0x20] =	vst v38  }
0x217: {  	v21 =	vld.idx.msk [tilespmem:v13+s26+$0x0], $0xffff;
	[tilespmem:s13+$0x30] =	vst v39  }
0x218: {  	v22 =	vld.idx.msk [tilespmem:v17+s26+$0x0], $0xffff;
	[tilespmem:s13+$0x40] =	vst v11  }
0x219: {  	[tilespmem:s15+$0xFFFFFFA0] =	vst v15;
	v11 =	vld.idx.msk [tilespmem:v18+s26+$0x0], $0xffff  }
0x21a: {  	[tilespmem:s15+$0xFFFFFF80] =	vst v16;
	v15 =	vld.idx.msk [tilespmem:v5+s26+$0x0], $0xffff  }
0x21b: {  	[tilespmem:s15+$0xFFFFFFB0] =	vst v19;
	v16 =	vld.idx.msk [tilespmem:v6+s26+$0x0], $0xffff  }
0x21c: {  	[tilespmem:s15+$0xFFFFFFC0] =	vst v20;
	v19 =	vld.idx.msk [tilespmem:v3+s26+$0x0], $0xffff  }
0x21d: {  	[tilespmem:s15+$0xFFFFFFD0] =	vst v21;
	v20 =	vld.idx.msk [tilespmem:v2+s26+$0x0], $0xffff  }
0x21e: {  	[tilespmem:s15+$0xFFFFFFE0] =	vst v22;
	v21 =	vld.idx.msk [tilespmem:v4+s26+$0x0], $0xffff  }
0x21f: {  	[tilespmem:s15+$0xFFFFFFF0] =	vst v11;
	v22 =	vld.idx.msk [tilespmem:v1+s26+$0x0], $0xffff  }
0x220: {  	[tilespmem:s15+$0x0] =	vst v15;
	v15 =	vld.idx.msk [tilespmem:v0+s26+$0x0], $0xffff  }
0x221: {  	v14 =	vld.idx.msk [tilespmem:v14+s28+$0x0], $0xffff;
	[tilespmem:s15+$0x10] =	vst v16  }
0x222: {  	v16 =	vld.idx.msk [tilespmem:v36+s28+$0x0], $0xffff;
	[tilespmem:s15+$0x20] =	vst v19  }
0x223: {  	v9 =	vld.idx.msk [tilespmem:v9+s28+$0x0], $0xffff;
	[tilespmem:s15+$0x30] =	vst v20  }
.Ltmp4:
0x224: {  	v10 =	vld.idx.msk [tilespmem:v10+s28+$0x0], $0xffff;
	[tilespmem:s15+$0x40] =	vst v21;
	(pc) =	sbr.rel @p1 .LBB2_7-.Ltmp4, $4  }
0x225: {  	v11 =	vld.idx.msk [tilespmem:v12+s28+$0x0], $0xffff;
	[tilespmem:s15+$0x50] =	vst v22  }
0x226: {  	v12 =	vld.idx.msk [tilespmem:v13+s28+$0x0], $0xffff;
	[tilespmem:s15+$0x60] =	vst v15  }
0x227: {  	[tilespmem:s16+$0xFFFFFF80] =	vst v14;
	v13 =	vld.idx.msk [tilespmem:v17+s28+$0x0], $0xffff  }
0x228: {  	s7 =	sadd.s32 $0x100, s7;
	[tilespmem:s16+$0xFFFFFF90] =	vst v16;
	v14 =	vld.idx.msk [tilespmem:v18+s28+$0x0], $0xffff  }
0x229: {  	_ = 	snop  }
0x22a: {  	[tilespmem:s16+$0xFFFFFFA0] =	vst v9  }
0x22b: {  	[tilespmem:s16+$0xFFFFFFB0] =	vst v10  }
0x22c: {  	[tilespmem:s13+$0x50] =	vst v7  }
0x22d: {  	v5 =	vld.idx.msk [tilespmem:v5+s28+$0x0], $0xffff;
	[tilespmem:s13+$0x60] =	vst v8  }
0x22e: {  	v6 =	vld.idx.msk [tilespmem:v6+s28+$0x0], $0xffff;
	[tilespmem:s16+$0xFFFFFFC0] =	vst v11  }
0x22f: {  	v3 =	vld.idx.msk [tilespmem:v3+s28+$0x0], $0xffff;
	[tilespmem:s16+$0xFFFFFFD0] =	vst v12  }
0x230: {  	v2 =	vld.idx.msk [tilespmem:v2+s28+$0x0], $0xffff;
	[tilespmem:s16+$0xFFFFFFE0] =	vst v13  }
0x231: {  	v4 =	vld.idx.msk [tilespmem:v4+s28+$0x0], $0xffff;
	[tilespmem:s16+$0xFFFFFFF0] =	vst v14  }
0x232: {  	v1 =	vld.idx.msk [tilespmem:v1+s28+$0x0], $0xffff;
	[tilespmem:s16+$0x0] =	vst v5  }
0x233: {  	v0 =	vld.idx.msk [tilespmem:v0+s28+$0x0], $0xffff;
	[tilespmem:s16+$0x10] =	vst v6  }
0x234: {  	s2 =	sshll.u32 s14, $0x8;
	[tilespmem:s16+$0x20] =	vst v3  }
0x235: {  	s13 =	sand.u32 $0x300, s2;
	[tilespmem:s16+$0x30] =	vst v2  }
0x236: {  	s2 =	sor.u32 s13, s1;
	[tilespmem:s16+$0x40] =	vst v4  }
0x237: {  	s15 =	simm.s32 $0x12000;
	s7 =	sshrl.u32 s2, $0x3;
	[tilespmem:s16+$0x50] =	vst v1  }
0x238: {  	s2 =	simm.s32 $0x80;
	s18 =	sadd.s32 s3, s7;
	[tilespmem:s16+$0x60] =	vst v0;
	s16 =	sor.u32 s13, s10  }
0x239: {  	[hbm4b:s18+s2] =	stream.strided.scatter [tilespmem:s15], [sflag:$0x3], $0x1800, s23, s2, $0x38;
	[tilespmem:$0x1E000] =	vst v63  }
0x23a: {  	s14 =	sshrl.u32 s16, $0x3  }
0x23b: {  	s18 =	simm.s32 $0x13800;
	s17 =	sadd.s32 s5, s14  }
0x23c: {  	[hbm4b:s17+s2] =	stream.strided.scatter [tilespmem:s18], [sflag:$0x3], $0x800, s23, s2, $0x38;
	[tilespmem:$0x1E000] =	vst v63  }
0x23d: {  	s7 =	sadd.s32 s4, s7;
	s16 =	simm.s32 $0x16000  }
0x23e: {  	[hbm4b:s7+s2] =	stream.strided.scatter [tilespmem:s16], [sflag:$0x3], $0x1800, s23, s2, $0x38;
	[tilespmem:$0x1E000] =	vst v63  }
0x23f: {  	s17 =	sadd.s32 s6, s14;
	s18 =	simm.s32 $0x17800  }
0x240: {  	[hbm4b:s17+s2] =	stream.strided.scatter [tilespmem:s18], [sflag:$0x3], $0x800, s23, s2, $0x38;
	[tilespmem:$0x1E000] =	vst v63  }
0x241: {  	_ =	swait.ge [sflag:s8], $0x1800  }
0x242: {  	[sflag:s8] =	ssyncset.done $0x0  }
0x243: {  	[sflag:s8] =	ssyncadd.s32 $0xFFFFE800  }
0x244: {  	_ =	swait.ge [sflag:s8], $0x800  }
0x245: {  	[sflag:s8] =	ssyncset.done $0x0  }
0x246: {  	[sflag:s8] =	ssyncadd.s32 $0xFFFFF800  }
0x247: {  	_ =	swait.ge [sflag:s8], $0x1800  }
0x248: {  	[sflag:s8] =	ssyncset.done $0x0  }
0x249: {  	[sflag:s8] =	ssyncadd.s32 $0xFFFFE800  }
0x24a: {  	_ =	swait.ge [sflag:s8], $0x800  }
0x24b: {  	[sflag:s8] =	ssyncset.done $0x0  }
0x24c: {  	[sflag:s8] =	ssyncadd.s32 $0xFFFFF800  }
0x24d: {  	v0 =	vld [tilespmem:s2+$0xFFFFFFF0];
	_ =	sdelay $0x1  }
0x24e: {  	v1 =	vld [tilespmem:s2+$0x70]  }
0x24f: {  	v2 =	vld [tilespmem:s2+$0xFFFFFFC0]  }
0x250: {  	v3 =	vld [tilespmem:s2+$0x0]  }
0x251: {  	v5 =	vld [tilespmem:s2+$0xFFFFFF90];
	v4 =	vshll.u32 v0, $0x1  }
0x252: {  	v6 =	vld [tilespmem:s2+$0x20];
	v0 =	vand.u32 $0x7F, v0;
	v4 =	vand.u32 $0xFFFFFF00, v4  }
0x253: {  	v9 =	vld [tilespmem:s2+$0xFFFFFFA0];
	v7 =	vshll.u32 v1, $0x1;
	v0 =	vor.u32 v4, v0  }
0x254: {  	v1 =	vand.u32 $0x7F, v1;
	v7 =	vand.u32 $0xFFFFFF00, v7;
	v4 =	vld [tilespmem:s2+$0x10];
	v8 =	vor.u32 $0x80, v0  }
0x255: {  	v11 =	vld [tilespmem:s2+$0xFFFFFFE0];
	v15 =	vshll.u32 v3, $0x1;
	v1 =	vor.u32 v7, v1;
	v7 =	vshll.u32 v2, $0x1  }
0x256: {  	v17 =	vld [tilespmem:s2+$0xFFFFFF80];
	v2 =	vand.u32 $0x7F, v2;
	v7 =	vand.u32 $0xFFFFFF00, v7;
	v10 =	vor.u32 $0x80, v1  }
0x257: {  	v16 =	vand.u32 $0x7F, v3;
	v0 =	vld [tilespmem:s2+$0xFFFFFFB0];
	v1 =	vor.u32 v7, v2;
	v2 =	vshll.u32 v6, $0x1  }
0x258: {  	v18 =	vld [tilespmem:s2+$0x60];
	v12 =	vor.u32 $0x80, v1;
	v1 =	vand.u32 $0x7F, v6;
	v2 =	vand.u32 $0xFFFFFF00, v2  }
0x259: {  	v20 =	vshll.u32 v5, $0x1;
	v1 =	vor.u32 v2, v1;
	v6 =	vshll.u32 v4, $0x1;
	v14 =	vld.idx.msk [tilespmem:v8+s26+$0x0], $0xffff  }
0x25a: {  	v7 =	vld [tilespmem:s2+$0xFFFFFFD0];
	v13 =	vand.u32 $0x7F, v4;
	v4 =	vshll.u32 v9, $0x1;
	v9 =	vand.u32 $0x7F, v9  }
0x25b: {  	v3 =	vand.u32 $0xFFFFFF00, v6;
	v2 =	vld.idx.msk [tilespmem:v10+s26+$0x0], $0xffff;
	v6 =	vand.u32 $0xFFFFFF00, v4;
	v4 =	vor.u32 $0x80, v1  }
0x25c: {  	v1 =	vshll.u32 v0, $0x1;
	v0 =	vand.u32 $0x7F, v0;
	v3 =	vor.u32 v3, v13;
	v13 =	vld [tilespmem:s2+$0x40]  }
0x25d: {  	s14 =	simm.s32 $0x14080;
	v6 =	vor.u32 v6, v9;
	v9 =	vand.u32 $0xFFFFFF00, v1;
	v19 =	vld.idx.msk [tilespmem:v12+s26+$0x0], $0xffff;
	v1 =	vor.u32 $0x80, v3  }
0x25e: {  	v5 =	vand.u32 $0x7F, v5;
	v3 =	vor.u32 $0x80, v6;
	v0 =	vor.u32 v9, v0;
	[tilespmem:s14+$0xFFFFFFF0] =	vst v14;
	v14 =	vld [tilespmem:s2+$0x50]  }
0x25f: {  	v21 =	vand.u32 $0x7F, v17;
	v6 =	vand.u32 $0xFFFFFF00, v20;
	v0 =	vor.u32 $0x80, v0;
	v9 =	vld.idx.msk [tilespmem:v8+s28+$0x0], $0xffff  }
0x260: {  	v5 =	vor.u32 v6, v5;
	v6 =	vshll.u32 v11, $0x1;
	[tilespmem:s14+$0x70] =	vst v2;
	v8 =	vand.u32 $0xFFFFFF00, v15;
	v15 =	vld.idx.msk [tilespmem:v4+s26+$0x0], $0xffff  }
0x261: {  	v6 =	vand.u32 $0xFFFFFF00, v6;
	v2 =	vor.u32 $0x80, v5;
	v5 =	vand.u32 $0x7F, v11;
	v11 =	vld.idx.msk [tilespmem:v10+s28+$0x0], $0xffff  }
0x262: {  	v10 =	vshll.u32 v7, $0x1;
	v7 =	vand.u32 $0x7F, v7;
	v5 =	vor.u32 v6, v5;
	v20 =	vld.idx.msk [tilespmem:v1+s26+$0x0], $0xffff  }
0x263: {  	v6 =	vand.u32 $0xFFFFFF00, v10;
	v8 =	vor.u32 v8, v16;
	v5 =	vor.u32 $0x80, v5;
	v10 =	vld.idx.msk [tilespmem:v3+s26+$0x0], $0xffff  }
0x264: {  	v16 =	vshll.u32 v17, $0x1;
	v17 =	vld [tilespmem:s2+$0x30];
	v6 =	vor.u32 v6, v7;
	v7 =	vor.u32 $0x80, v8  }
0x265: {  	[tilespmem:s14+$0xFFFFFFC0] =	vst v19;
	v19 =	vand.u32 $0x7F, v18;
	v22 =	vld.idx.msk [tilespmem:v0+s26+$0x0], $0xffff;
	v6 =	vor.u32 $0x80, v6  }
0x266: {  	v8 =	vld.idx.msk [tilespmem:v12+s28+$0x0], $0xffff;
	v12 =	vshll.u32 v18, $0x1;
	v18 =	vand.u32 $0xFFFFFF00, v16;
	v16 =	vshll.u32 v14, $0x1  }
0x267: {  	v24 =	vshll.u32 v13, $0x1;
	v23 =	vand.u32 $0x7F, v14;
	v14 =	vld.idx.msk [tilespmem:v2+s26+$0x0], $0xffff;
	v16 =	vand.u32 $0xFFFFFF00, v16;
	[tilespmem:s14+$0x20] =	vst v15  }
0x268: {  	v13 =	vand.u32 $0x7F, v13;
	v12 =	vand.u32 $0xFFFFFF00, v12;
	v23 =	vor.u32 v16, v23;
	[tilespmem:s14+$0x10] =	vst v20;
	v16 =	vld.idx.msk [tilespmem:v5+s26+$0x0], $0xffff  }
0x269: {  	s15 =	simm.s32 $0x18080;
	s7 =	simm.s32 $0x180;
	v12 =	vor.u32 v12, v19;
	v19 =	vand.u32 $0xFFFFFF00, v24;
	v15 =	vor.u32 v18, v21;
	[tilespmem:s14+$0xFFFFFFA0] =	vst v10;
	v18 =	vld.idx.msk [tilespmem:v7+s26+$0x0], $0xffff  }
0x26a: {  	s16 =	simm.s32 $0x14080;
	s17 =	simm.s32 $0x18080;
	s2 =	simm.s32 $0x0;
	v19 =	vor.u32 v19, v13;
	v12 =	vor.u32 $0x80, v12;
	v10 =	vor.u32 $0x80, v23;
	[tilespmem:s14+$0xFFFFFFB0] =	vst v22;
	v13 =	vld.idx.msk [tilespmem:v6+s26+$0x0], $0xffff  }
.LBB2_9:
0x26b: {  	v20 =	vld [tilespmem:s7+$0x0];
	s2 =	sadd.s32 $0x100, s2;
	[tilespmem:s15+$0xFFFFFFF0] =	vst v9;
	v9 =	vshll.u32 v17, $0x1;
	s17 =	sadd.s32 $0x100, s17;
	s14 =	sadd.s32 $0x100, s14  }
0x26c: {  	v17 =	vand.u32 $0x7F, v17;
	v19 =	vor.u32 $0x80, v19;
	v21 =	vld [tilespmem:s7+$0xFFFFFF90];
	p1 =	slt.u32 s2, $0x1F00;
	v22 =	vand.u32 $0xFFFFFF00, v9;
	[tilespmem:s15+$0x70] =	vst v11  }
0x26d: {  	v9 =	vld [tilespmem:s7+$0xFFFFFFB0];
	[tilespmem:s16+$0xFFFFFF90] =	vst v14;
	v11 =	vor.u32 v22, v17  }
0x26e: {  	v15 =	vor.u32 $0x80, v15;
	v14 =	vld [tilespmem:s7+$0xFFFFFFA0];
	[tilespmem:s16+$0xFFFFFFE0] =	vst v16;
	v11 =	vor.u32 $0x80, v11  }
0x26f: {  	[tilespmem:s16+$0x0] =	vst v18;
	v16 =	vld.idx.msk [tilespmem:v12+s26+$0x0], $0xffff  }
0x270: {  	v17 =	vld [tilespmem:s7+$0xFFFFFFC0]  }
0x271: {  	v18 =	vld.idx.msk [tilespmem:v10+s26+$0x0], $0xffff  }
0x272: {  	v22 =	vld [tilespmem:s7+$0xFFFFFFF0]  }
0x273: {  	v23 =	vld [tilespmem:s7+$0x10]  }
0x274: {  	v24 =	vld.idx.msk [tilespmem:v11+s26+$0x0], $0xffff  }
0x275: {  	v25 =	vld [tilespmem:s7+$0x20];
	[tilespmem:s16+$0x60] =	vst v16  }
0x276: {  	[tilespmem:s16+$0xFFFFFFD0] =	vst v13;
	v13 =	vld.idx.msk [tilespmem:v19+s26+$0x0], $0xffff  }
0x277: {  	v16 =	vld.idx.msk [tilespmem:v15+s26+$0x0], $0xffff;
	[tilespmem:s16+$0x50] =	vst v18  }
0x278: {  	v4 =	vld.idx.msk [tilespmem:v4+s28+$0x0], $0xffff  }
0x279: {  	v18 =	vld [tilespmem:s7+$0x70]  }
0x27a: {  	[tilespmem:s16+$0x30] =	vst v24;
	v12 =	vld.idx.msk [tilespmem:v12+s28+$0x0], $0xffff  }
0x27b: {  	v3 =	vld.idx.msk [tilespmem:v3+s28+$0x0], $0xffff  }
0x27c: {  	v11 =	vld.idx.msk [tilespmem:v11+s28+$0x0], $0xffff;
	[tilespmem:s16+$0x40] =	vst v13  }
0x27d: {  	v24 =	vand.u32 $0x7F, v25;
	v13 =	vshll.u32 v25, $0x1;
	[tilespmem:s16+$0xFFFFFF80] =	vst v16;
	v10 =	vld.idx.msk [tilespmem:v10+s28+$0x0], $0xffff;
	s16 =	smov.u32 s14  }
0x27e: {  	v16 =	vshll.u32 v23, $0x1;
	v23 =	vand.u32 $0x7F, v23;
	v25 =	vshll.u32 v18, $0x1;
	v2 =	vld.idx.msk [tilespmem:v2+s28+$0x0], $0xffff;
	[tilespmem:s15+$0x20] =	vst v4  }
0x27f: {  	v4 =	vshll.u32 v20, $0x1;
	v20 =	vand.u32 $0x7F, v20;
	v25 =	vand.u32 $0xFFFFFF00, v25;
	[tilespmem:s15+$0xFFFFFFC0] =	vst v8;
	v8 =	vld.idx.msk [tilespmem:v19+s28+$0x0], $0xffff  }
0x280: {  	v18 =	vand.u32 $0x7F, v18;
	v19 =	vshll.u32 v22, $0x1;
	v22 =	vand.u32 $0x7F, v22;
	v7 =	vld.idx.msk [tilespmem:v7+s28+$0x0], $0xffff;
	[tilespmem:s15+$0x60] =	vst v12  }
0x281: {  	v12 =	vand.u32 $0xFFFFFF00, v19;
	v19 =	vand.u32 $0xFFFFFF00, v4;
	v4 =	vor.u32 v25, v18;
	[tilespmem:s15+$0xFFFFFFA0] =	vst v3;
	v1 =	vld.idx.msk [tilespmem:v1+s28+$0x0], $0xffff  }
0x282: {  	v3 =	vor.u32 v12, v22;
	v12 =	vand.u32 $0xFFFFFF00, v16;
	v15 =	vld.idx.msk [tilespmem:v15+s28+$0x0], $0xffff;
	[tilespmem:s15+$0x30] =	vst v11  }
0x283: {  	v11 =	vshll.u32 v17, $0x1;
	v16 =	vor.u32 $0x80, v3;
	v3 =	vld.idx.msk [tilespmem:v5+s28+$0x0], $0xffff;
	[tilespmem:s15+$0x50] =	vst v10  }
0x284: {  	v5 =	vand.u32 $0xFFFFFF00, v11;
	v10 =	vand.u32 $0x7F, v17;
	[tilespmem:s15+$0xFFFFFF90] =	vst v2;
	v2 =	vld.idx.msk [tilespmem:v6+s28+$0x0], $0xffff  }
0x285: {  	v6 =	vshll.u32 v14, $0x1;
	v5 =	vor.u32 v5, v10;
	v10 =	vor.u32 $0x80, v4;
	v0 =	vld.idx.msk [tilespmem:v0+s28+$0x0], $0xffff;
	[tilespmem:s15+$0x40] =	vst v8  }
0x286: {  	v4 =	vand.u32 $0xFFFFFF00, v6;
	v6 =	vor.u32 $0x80, v5;
	v5 =	vld [tilespmem:s7+$0xFFFFFFD0];
	[tilespmem:s15+$0x0] =	vst v7  }
0x287: {  	v13 =	vand.u32 $0xFFFFFF00, v13;
	v8 =	vand.u32 $0x7F, v14;
	v7 =	vshll.u32 v21, $0x1;
	v11 =	vld [tilespmem:s7+$0xFFFFFFE0];
	[tilespmem:s15+$0x10] =	vst v1  }
0x288: {  	v1 =	vand.u32 $0xFFFFFF00, v7;
	v7 =	vshll.u32 v9, $0x1;
	v14 =	vld.idx.msk [tilespmem:v16+s26+$0x0], $0xffff;
	[tilespmem:s15+$0xFFFFFF80] =	vst v15  }
0x289: {  	v17 =	vand.u32 $0x7F, v21;
	v4 =	vor.u32 v4, v8;
	v8 =	vor.u32 v13, v24;
	v15 =	vld [tilespmem:s7+$0xFFFFFF80];
	[tilespmem:s15+$0xFFFFFFE0] =	vst v3  }
0x28a: {  	v1 =	vor.u32 v1, v17;
	v3 =	vor.u32 $0x80, v4;
	v13 =	vld.idx.msk [tilespmem:v10+s26+$0x0], $0xffff;
	[tilespmem:s15+$0xFFFFFFD0] =	vst v2  }
0x28b: {  	v7 =	vand.u32 $0xFFFFFF00, v7;
	v4 =	vor.u32 $0x80, v8;
	v2 =	vor.u32 $0x80, v1;
	v8 =	vld [tilespmem:s7+$0x60];
	[tilespmem:s15+$0xFFFFFFB0] =	vst v0;
	s15 =	smov.u32 s17  }
0x28c: {  	v1 =	vor.u32 v12, v23;
	v0 =	vshll.u32 v5, $0x1;
	v5 =	vand.u32 $0x7F, v5;
	v17 =	vld.idx.msk [tilespmem:v6+s26+$0x0], $0xffff  }
0x28d: {  	v9 =	vand.u32 $0x7F, v9;
	v1 =	vor.u32 $0x80, v1;
	v12 =	vand.u32 $0xFFFFFF00, v0;
	v18 =	vld [tilespmem:s7+$0x40]  }
0x28e: {  	v0 =	vor.u32 v7, v9;
	v7 =	vshll.u32 v11, $0x1;
	v11 =	vand.u32 $0x7F, v11;
	[tilespmem:s14+$0xFFFFFFF0] =	vst v14;
	v14 =	vld [tilespmem:s7+$0x50]  }
0x28f: {  	v0 =	vor.u32 $0x80, v0;
	v7 =	vand.u32 $0xFFFFFF00, v7;
	v21 =	vand.u32 $0x7F, v15;
	v9 =	vld.idx.msk [tilespmem:v16+s28+$0x0], $0xffff  }
0x290: {  	v7 =	vor.u32 v7, v11;
	v16 =	vor.u32 v19, v20;
	v19 =	vld.idx.msk [tilespmem:v4+s26+$0x0], $0xffff;
	v20 =	vand.u32 $0x7F, v8;
	[tilespmem:s14+$0x70] =	vst v13  }
0x291: {  	v12 =	vor.u32 v12, v5;
	v13 =	vshll.u32 v15, $0x1;
	v8 =	vshll.u32 v8, $0x1;
	v11 =	vld.idx.msk [tilespmem:v10+s28+$0x0], $0xffff  }
0x292: {  	v5 =	vor.u32 $0x80, v7;
	v10 =	vand.u32 $0xFFFFFF00, v13;
	v15 =	vand.u32 $0xFFFFFF00, v8;
	[tilespmem:s14+$0xFFFFFFC0] =	vst v17;
	v13 =	vld.idx.msk [tilespmem:v1+s26+$0x0], $0xffff  }
0x293: {  	v7 =	vor.u32 $0x80, v16;
	v16 =	vshll.u32 v18, $0x1;
	v22 =	vld.idx.msk [tilespmem:v3+s26+$0x0], $0xffff;
	v8 =	vshll.u32 v14, $0x1  }
0x294: {  	v18 =	vand.u32 $0x7F, v18;
	v14 =	vand.u32 $0x7F, v14;
	v23 =	vld.idx.msk [tilespmem:v0+s26+$0x0], $0xffff;
	v17 =	vand.u32 $0xFFFFFF00, v8  }
0x295: {  	v20 =	vor.u32 v15, v20;
	v8 =	vld.idx.msk [tilespmem:v6+s28+$0x0], $0xffff;
	v6 =	vor.u32 $0x80, v12;
	v12 =	vor.u32 v17, v14  }
.Ltmp5:
0x296: {  	v15 =	vor.u32 v10, v21;
	v16 =	vand.u32 $0xFFFFFF00, v16;
	v17 =	vld [tilespmem:s7+$0x30];
	v10 =	vor.u32 $0x80, v12;
	(pc) =	sbr.rel @p1 .LBB2_9-.Ltmp5, $4  }
0x297: {  	v12 =	vor.u32 $0x80, v20;
	v14 =	vld.idx.msk [tilespmem:v2+s26+$0x0], $0xffff;
	[tilespmem:s14+$0x20] =	vst v19;
	v19 =	vor.u32 v16, v18  }
0x298: {  	v16 =	vld.idx.msk [tilespmem:v5+s26+$0x0], $0xffff;
	[tilespmem:s14+$0x10] =	vst v13  }
0x299: {  	[tilespmem:s14+$0xFFFFFFA0] =	vst v22;
	v18 =	vld.idx.msk [tilespmem:v7+s26+$0x0], $0xffff  }
0x29a: {  	s7 =	sadd.s32 $0x100, s7;
	[tilespmem:s14+$0xFFFFFFB0] =	vst v23;
	v13 =	vld.idx.msk [tilespmem:v6+s26+$0x0], $0xffff  }
0x29b: {  	_ =	sdelay $0x1  }
0x29c: {  	[tilespmem:s15+$0xFFFFFFF0] =	vst v9  }
0x29d: {  	[tilespmem:s15+$0x70] =	vst v11  }
0x29e: {  	v53 =	vld.idx.msk [tilespmem:v12+s26+$0x0], $0xffff;
	[tilespmem:s15+$0xFFFFFFC0] =	vst v8  }
0x29f: {  	v54 =	vld.idx.msk [tilespmem:v10+s26+$0x0], $0xffff;
	[tilespmem:s16+$0xFFFFFF90] =	vst v14  }
0x2a0: {  	v4 =	vld.idx.msk [tilespmem:v4+s28+$0x0], $0xffff;
	[tilespmem:s16+$0xFFFFFFE0] =	vst v16  }
0x2a1: {  	v20 =	vshll.u32 v17, $0x1;
	v3 =	vld.idx.msk [tilespmem:v3+s28+$0x0], $0xffff;
	[tilespmem:s16+$0x0] =	vst v18  }
0x2a2: {  	v51 =	vand.u32 $0x7F, v17;
	v19 =	vor.u32 $0x80, v19;
	v1 =	vld.idx.msk [tilespmem:v1+s28+$0x0], $0xffff;
	v20 =	vand.u32 $0xFFFFFF00, v20;
	[tilespmem:s16+$0xFFFFFFD0] =	vst v13  }
0x2a3: {  	v52 =	vor.u32 $0x80, v15;
	v0 =	vld.idx.msk [tilespmem:v0+s28+$0x0], $0xffff;
	v17 =	vor.u32 v20, v51;
	[tilespmem:s16+$0x60] =	vst v53  }
0x2a4: {  	v2 =	vld.idx.msk [tilespmem:v2+s28+$0x0], $0xffff;
	v17 =	vor.u32 $0x80, v17;
	[tilespmem:s16+$0x50] =	vst v54  }
0x2a5: {  	v5 =	vld.idx.msk [tilespmem:v5+s28+$0x0], $0xffff;
	[tilespmem:s15+$0x20] =	vst v4  }
0x2a6: {  	v7 =	vld.idx.msk [tilespmem:v7+s28+$0x0], $0xffff;
	[tilespmem:s15+$0xFFFFFFA0] =	vst v3  }
0x2a7: {  	v56 =	vld.idx.msk [tilespmem:v19+s26+$0x0], $0xffff;
	[tilespmem:s15+$0x10] =	vst v1  }
0x2a8: {  	v57 =	vld.idx.msk [tilespmem:v52+s26+$0x0], $0xffff;
	[tilespmem:s15+$0xFFFFFFB0] =	vst v0  }
0x2a9: {  	[tilespmem:s15+$0xFFFFFF90] =	vst v2;
	v55 =	vld.idx.msk [tilespmem:v17+s26+$0x0], $0xffff  }
0x2aa: {  	v63 =	vld.idx.msk [tilespmem:v6+s28+$0x0], $0xffff;
	[tilespmem:s15+$0xFFFFFFE0] =	vst v5  }
0x2ab: {  	v58 =	vld.idx.msk [tilespmem:v12+s28+$0x0], $0xffff;
	[tilespmem:s15+$0x0] =	vst v7  }
0x2ac: {  	v60 =	vld.idx.msk [tilespmem:v10+s28+$0x0], $0xffff;
	[tilespmem:s16+$0x40] =	vst v56  }
0x2ad: {  	[tilespmem:s16+$0xFFFFFF80] =	vst v57;
	v61 =	vld.idx.msk [tilespmem:v19+s28+$0x0], $0xffff  }
0x2ae: {  	v62 =	vld.idx.msk [tilespmem:v52+s28+$0x0], $0xffff;
	[tilespmem:s16+$0x30] =	vst v55  }
0x2af: {  	[tilespmem:s15+$0xFFFFFFD0] =	vst v63;
	v59 =	vld.idx.msk [tilespmem:v17+s28+$0x0], $0xffff  }
0x2b0: {  	[tilespmem:s15+$0x60] =	vst v58  }
0x2b1: {  	s2 =	sor.u32 $0x80, s13;
	[tilespmem:s15+$0x50] =	vst v60  }
0x2b2: {  	s1 =	sor.u32 s2, s1;
	[tilespmem:s15+$0x40] =	vst v61  }
0x2b3: {  	s0 =	sadd.s32 $0x1, s0;
	s2 =	sor.u32 s2, s10;
	s1 =	sshrl.u32 s1, $0x3;
	[tilespmem:s15+$0xFFFFFF80] =	vst v62  }
0x2b4: {  	s2 =	sshrl.u32 s2, $0x3;
	s7 =	sadd.s32 s3, s1;
	s16 =	simm.s32 $0x14000;
	[tilespmem:s15+$0x30] =	vst v59  }
0x2b5: {  	[hbm4b:s7+s30] =	stream.strided.scatter [tilespmem:s16], [sflag:$0x4], $0x1800, s23, s30, $0x38;
	[tilespmem:$0x1E000] =	vst v63  }
0x2b6: {  	p1 =	sne.s32 s0, $0x40;
	s17 =	sadd.s32 s5, s2  }
0x2b7: {  	[hbm4b:s17+s30] =	stream.strided.scatter [tilespmem:s19], [sflag:$0x4], $0x800, s23, s30, $0x38;
	[tilespmem:$0x1E000] =	vst v63  }
.Ltmp6:
0x2b8: {  	_ = 	snop;
	(pc) =	sbr.rel @p1 .LBB2_2-.Ltmp6, $4  }
0x2b9: {  	s1 =	sadd.s32 s4, s1  }
0x2ba: {  	[hbm4b:s1+s30] =	stream.strided.scatter [tilespmem:s9], [sflag:$0x4], $0x1800, s23, s30, $0x38;
	[tilespmem:$0x1E000] =	vst v63  }
0x2bb: {  	s18 =	sadd.s32 s6, s2  }
0x2bc: {  	[hbm4b:s18+s30] =	stream.strided.scatter [tilespmem:s11], [sflag:$0x4], $0x800, s23, s30, $0x38;
	[tilespmem:$0x1E000] =	vst v63  }
.Ltmp7:
0x2bd: {  	(pc) =	sbr.rel @p0 .LBB2_15-.Ltmp7, $2  }
0x2be: {  	_ =	sdelay $0x2  }
0x2bf: {  	s1 =	rddreg [dreg:$0x15]  }
0x2c0: {  	s0 =	simm.s32 $0x0;
	s1 =	rddreg [dreg:$0x11];
	s17 =	simm.s32 $0x5  }
0x2c1: {  	[tilespmem:s21], [sflag:$0x5] =	stream.linear.gather [hbm4b:s1+s0], $0x2000, $0x38;
	[tilespmem:$0x1E000] =	vst v63  }
0x2c2: {  	_ =	swait.ge [sflag:s17], $0x2000  }
0x2c3: {  	[sflag:s17] =	ssyncset.done $0x0  }
0x2c4: {  	s18 =	simm.s32 $0x80;
	[sflag:s17] =	ssyncadd.s32 $0xFFFFE000  }
0x2c5: {  	v0 =	vld [tilespmem:s18+$0x70]  }
0x2c6: {  	v1 =	vld [tilespmem:s18+$0xFFFFFF90]  }
0x2c7: {  	v2 =	vld [tilespmem:s18+$0xFFFFFFA0]  }
0x2c8: {  	v3 =	vld [tilespmem:s18+$0xFFFFFFB0]  }
0x2c9: {  	v4 =	vld [tilespmem:s18+$0xFFFFFFC0]  }
0x2ca: {  	v5 =	vld [tilespmem:s18+$0xFFFFFFD0]  }
0x2cb: {  	v6 =	vld [tilespmem:s18+$0xFFFFFFE0]  }
0x2cc: {  	v7 =	vld [tilespmem:s18+$0xFFFFFFF0]  }
0x2cd: {  	v8 =	vld [tilespmem:s18+$0x0]  }
0x2ce: {  	v9 =	vld [tilespmem:s18+$0x10]  }
0x2cf: {  	v10 =	vld [tilespmem:s18+$0x20]  }
0x2d0: {  	v11 =	vld [tilespmem:s18+$0x30]  }
0x2d1: {  	v12 =	vld [tilespmem:s18+$0x40]  }
0x2d2: {  	v13 =	vld [tilespmem:s18+$0x50]  }
0x2d3: {  	v14 =	vld [tilespmem:s18+$0x60]  }
0x2d4: {  	v15 =	vld [tilespmem:s18+$0xFFFFFF80]  }
0x2d5: {  	v0 =	vld.idx.msk [tilespmem:v0+s21+$0x0], $0xffff  }
0x2d6: {  	v1 =	vld.idx.msk [tilespmem:v1+s21+$0x0], $0xffff  }
0x2d7: {  	v2 =	vld.idx.msk [tilespmem:v2+s21+$0x0], $0xffff  }
0x2d8: {  	v3 =	vld.idx.msk [tilespmem:v3+s21+$0x0], $0xffff  }
0x2d9: {  	v4 =	vld.idx.msk [tilespmem:v4+s21+$0x0], $0xffff  }
0x2da: {  	s0 =	simm.s32 $0x1C080;
	v5 =	vld.idx.msk [tilespmem:v5+s21+$0x0], $0xffff  }
0x2db: {  	v6 =	vld.idx.msk [tilespmem:v6+s21+$0x0], $0xffff;
	[tilespmem:s0+$0x70] =	vst v0  }
0x2dc: {  	v7 =	vld.idx.msk [tilespmem:v7+s21+$0x0], $0xffff;
	[tilespmem:s0+$0xFFFFFF90] =	vst v1  }
0x2dd: {  	v15 =	vld.idx.msk [tilespmem:v15+s21+$0x0], $0xffff;
	[tilespmem:s0+$0xFFFFFFA0] =	vst v2  }
0x2de: {  	v8 =	vld.idx.msk [tilespmem:v8+s21+$0x0], $0xffff;
	[tilespmem:s0+$0xFFFFFFB0] =	vst v3  }
0x2df: {  	[tilespmem:s0+$0xFFFFFFC0] =	vst v4;
	v0 =	vld.idx.msk [tilespmem:v9+s21+$0x0], $0xffff  }
0x2e0: {  	[tilespmem:s0+$0xFFFFFFD0] =	vst v5;
	v1 =	vld.idx.msk [tilespmem:v10+s21+$0x0], $0xffff  }
0x2e1: {  	[tilespmem:s0+$0xFFFFFFE0] =	vst v6;
	v2 =	vld.idx.msk [tilespmem:v11+s21+$0x0], $0xffff  }
0x2e2: {  	[tilespmem:s0+$0xFFFFFFF0] =	vst v7;
	v3 =	vld.idx.msk [tilespmem:v12+s21+$0x0], $0xffff  }
0x2e3: {  	[tilespmem:s0+$0xFFFFFF80] =	vst v15;
	v4 =	vld.idx.msk [tilespmem:v13+s21+$0x0], $0xffff  }
0x2e4: {  	s2 =	simm.s32 $0x180;
	s1 =	simm.s32 $0x0;
	[tilespmem:s0+$0x0] =	vst v8;
	v5 =	vld.idx.msk [tilespmem:v14+s21+$0x0], $0xffff  }
.LBB2_13:
0x2e5: {  	v6 =	vld [tilespmem:s2+$0x70];
	s1 =	sadd.s32 $0x100, s1;
	[tilespmem:s0+$0x10] =	vst v0  }
0x2e6: {  	v0 =	vld [tilespmem:s2+$0xFFFFFF90];
	p1 =	slt.u32 s1, $0x1F00;
	[tilespmem:s0+$0x20] =	vst v1  }
0x2e7: {  	v1 =	vld [tilespmem:s2+$0xFFFFFFA0];
	[tilespmem:s0+$0x30] =	vst v2  }
0x2e8: {  	v2 =	vld [tilespmem:s2+$0xFFFFFFB0];
	[tilespmem:s0+$0x40] =	vst v3  }
0x2e9: {  	v3 =	vld [tilespmem:s2+$0xFFFFFFC0];
	[tilespmem:s0+$0x50] =	vst v4  }
0x2ea: {  	v4 =	vld [tilespmem:s2+$0xFFFFFFD0];
	[tilespmem:s0+$0x60] =	vst v5  }
0x2eb: {  	v5 =	vld [tilespmem:s2+$0xFFFFFFE0]  }
0x2ec: {  	v7 =	vld [tilespmem:s2+$0xFFFFFFF0]  }
0x2ed: {  	v6 =	vld.idx.msk [tilespmem:v6+s21+$0x0], $0xffff  }
0x2ee: {  	v8 =	vld [tilespmem:s2+$0x0]  }
0x2ef: {  	v9 =	vld [tilespmem:s2+$0x10]  }
0x2f0: {  	v10 =	vld [tilespmem:s2+$0x20]  }
0x2f1: {  	v11 =	vld [tilespmem:s2+$0x30]  }
0x2f2: {  	s0 =	sadd.s32 $0x100, s0;
	v12 =	vld [tilespmem:s2+$0x40]  }
0x2f3: {  	v13 =	vld [tilespmem:s2+$0x50];
	[tilespmem:s0+$0x70] =	vst v6  }
0x2f4: {  	v6 =	vld [tilespmem:s2+$0x60]  }
0x2f5: {  	v14 =	vld [tilespmem:s2+$0xFFFFFF80]  }
0x2f6: {  	v0 =	vld.idx.msk [tilespmem:v0+s21+$0x0], $0xffff  }
0x2f7: {  	v1 =	vld.idx.msk [tilespmem:v1+s21+$0x0], $0xffff  }
0x2f8: {  	v2 =	vld.idx.msk [tilespmem:v2+s21+$0x0], $0xffff  }
0x2f9: {  	v3 =	vld.idx.msk [tilespmem:v3+s21+$0x0], $0xffff  }
0x2fa: {  	v4 =	vld.idx.msk [tilespmem:v4+s21+$0x0], $0xffff  }
0x2fb: {  	v5 =	vld.idx.msk [tilespmem:v5+s21+$0x0], $0xffff  }
0x2fc: {  	[tilespmem:s0+$0xFFFFFF90] =	vst v0;
	v7 =	vld.idx.msk [tilespmem:v7+s21+$0x0], $0xffff  }
0x2fd: {  	v14 =	vld.idx.msk [tilespmem:v14+s21+$0x0], $0xffff;
	[tilespmem:s0+$0xFFFFFFA0] =	vst v1  }
0x2fe: {  	[tilespmem:s0+$0xFFFFFFB0] =	vst v2;
	v8 =	vld.idx.msk [tilespmem:v8+s21+$0x0], $0xffff  }
0x2ff: {  	[tilespmem:s0+$0xFFFFFFC0] =	vst v3;
	v0 =	vld.idx.msk [tilespmem:v9+s21+$0x0], $0xffff  }
.Ltmp8:
0x300: {  	[tilespmem:s0+$0xFFFFFFD0] =	vst v4;
	v1 =	vld.idx.msk [tilespmem:v10+s21+$0x0], $0xffff;
	(pc) =	sbr.rel @p1 .LBB2_13-.Ltmp8, $4  }
0x301: {  	[tilespmem:s0+$0xFFFFFFE0] =	vst v5;
	v2 =	vld.idx.msk [tilespmem:v11+s21+$0x0], $0xffff  }
0x302: {  	[tilespmem:s0+$0xFFFFFFF0] =	vst v7;
	v3 =	vld.idx.msk [tilespmem:v12+s21+$0x0], $0xffff  }
0x303: {  	[tilespmem:s0+$0xFFFFFF80] =	vst v14;
	v4 =	vld.idx.msk [tilespmem:v13+s21+$0x0], $0xffff  }
0x304: {  	s2 =	sadd.s32 $0x100, s2;
	[tilespmem:s0+$0x0] =	vst v8;
	v5 =	vld.idx.msk [tilespmem:v6+s21+$0x0], $0xffff  }
0x305: {  	[tilespmem:s0+$0x10] =	vst v0  }
0x306: {  	[tilespmem:s0+$0x20] =	vst v1  }
0x307: {  	[tilespmem:s0+$0x30] =	vst v2  }
0x308: {  	[tilespmem:s0+$0x40] =	vst v3  }
0x309: {  	[tilespmem:s0+$0x50] =	vst v4  }
0x30a: {  	s16 =	simm.s32 $0x0;
	[tilespmem:s0+$0x60] =	vst v5  }
0x30b: {  	s2 =	simm.s32 $0x1C000;
	s17 =	simm.s32 $0x5;
	s1 =	rddreg [dreg:$0x12]  }
0x30c: {  	[hbm4b:s1+s16] =	stream.linear.scatter [tilespmem:s2], [sflag:$0x5], $0x1800, $0x38;
	[tilespmem:$0x1E000] =	vst v63  }
0x30d: {  	_ =	swait.ge [sflag:s17], $0x1800  }
0x30e: {  	s7 =	simm.s32 $0x1D800;
	[sflag:s17] =	ssyncset.done $0x0  }
.Ltmp9:
0x30f: {  	s18 =	rddreg [dreg:$0x13];
	[sflag:s17] =	ssyncadd.s32 $0xFFFFE800;
	(pc) =	sbr.rel .LBB2_15-.Ltmp9, $4  }
0x310: {  	[hbm4b:s18+s16] =	stream.linear.scatter [tilespmem:s7], [sflag:$0x5], $0x800, $0x38;
	[tilespmem:$0x1E000] =	vst v63  }
0x311: {  	_ =	swait.ge [sflag:s17], $0x800  }
0x312: {  	[sflag:s17] =	ssyncset.done $0x0  }
0x313: {  	s1 =	rddreg [dreg:$0x15];
	[sflag:s17] =	ssyncadd.s32 $0xFFFFF800  }
.LBB2_16:
0x314: {  	_ =	sfence.sel $0x180000  }
0x315: {  	[bflag:$0x0] =	sbarrier.arrive $0xFFFF  }
0x316: {  	_ =	strace $0x90000047  }
0x317: {  	s0 =	stileid.u32;
	[bflag:$0x2] =	sbarrier.arrive $0xFFFF  }
0x318: {  	p0 =	sne.s32 s0, $0x0;
	s0 =	rddreg [dreg:$0x8]  }
0x319: {  	s0 =	sadd.s32 @!p0 $0x100000, s0  }
0x31a: {  	[sflag:s0] =	ssyncadd.tile.s32 @!p0 $0x1;
	_ =	shalt  }
.Lfunc_end2:
_tile_overlayer_lowered:
.L_overlay_start_2:
0x31b: {  	(tag) =	ssettag $0x2  }
0x31c: {  	s0 =	rddreg [dreg:$0x0];
	s2 =	stileid.u32  }
0x31d: {  	s1 =	rddreg [dreg:$0x1];
	p0 =	sne.s32 s2, $0x0  }
0x31e: {  	s3 =	rddreg [dreg:$0x2];
	[bflag:$0x3] =	sbarrier.arrive $0xFFFF;
	s2 =	simm.s32 @!p0 $0x1C05  }
0x31f: {  	[timem:s3], [sflag:s2] =	dma.local @!p0 [hbm:s0], s1  }
0x320: {  	s0 =	simm.s32 @!p0 $0x5  }
0x321: {  	_ =	swait.ge @!p0 [sflag:s0], s1  }
0x322: {  	s1 =	ssub.s32 @!p0 $0x0, s1;
	[sflag:s0] =	ssyncset.done @!p0 $0x0  }
0x323: {  	[sflag:s0] =	ssyncadd.s32 @!p0 s1  }
0x324: {  	[bflag:$0x3] =	sbarrier.arrive $0xFFFF  }
0x325: {  	_ =	shalt  }

</sc_bundles>
